<compile_context>
chip_gen: v7x
topology: tpu7x:2x2x1
jax: 0.10.2.dev20260603
libtpu: 0.0.44.dev20260713+nightly
codegen_flags: <defaults>
</compile_context>

<pallas_src>
import functools

import jax
import jax.numpy as jnp
from jax import lax
from jax.experimental import pallas as pl
from jax.experimental.pallas import tpu as pltpu
from jax.experimental.pallas import tpu_sc as plsc

NC = 2
NS = 16
NW = NC * NS

_MESH = plsc.VectorSubcoreMesh(core_axis_name="c", subcore_axis_name="s")


def _make_deg_kernel(n, ch, k):
    npad = ((n + NS * 16 - 1) // (NS * 16)) * (NS * 16)
    rpt = npad // NS
    chh = ch // 2

    @functools.partial(
        pl.kernel,
        out_type=jax.ShapeDtypeStruct((NC * npad,), jnp.float32),
        mesh=_MESH,
        scratch_types=[
            pltpu.VMEM((chh, k), jnp.int32),
            pltpu.VMEM((128,), jnp.float32),
            pltpu.VMEM((rpt,), jnp.float32),
            pltpu.VMEM_SHARED((npad,), jnp.float32),
            pltpu.SemaphoreType.DMA,
        ],
        compiler_params=pltpu.CompilerParams(use_tc_tiling_on_sc=False),
    )
    def deg_kernel(dst_hbm, out_hbm, dst_v, ones_v, stage_v, acc_sh, dsem):
        c = lax.axis_index("c")
        s = lax.axis_index("s")
        wid = c * NS + s

        pltpu.sync_copy(dst_hbm.at[s, pl.ds(c * chh, chh)], dst_v)

        zeros16 = jnp.zeros((16,), jnp.float32)
        ones16 = jnp.ones((16,), jnp.float32)
        for i in range(128 // 16):
            ones_v[pl.ds(i * 16, 16)] = ones16

        def zero_body(i, carry):
            stage_v[pl.ds(i * 16, 16)] = zeros16
            return carry

        lax.fori_loop(0, rpt // 16, zero_body, 0)
        sbase = pl.multiple_of(s * rpt, 8)
        pltpu.sync_copy(stage_v, acc_sh.at[pl.ds(sbase, rpt)])
        plsc.subcore_barrier()

        def edge_body(j, carry):
            pltpu.async_copy(ones_v.at[pl.ds(0, k)], acc_sh.at[dst_v.at[j]],
                             dsem, add=True)
            return carry

        lax.fori_loop(0, chh, edge_body, 0)

        def edge_drain(j, carry):
            pltpu.make_async_copy(ones_v.at[pl.ds(0, k)],
                                  acc_sh.at[dst_v.at[0]], dsem).wait()
            return carry

        lax.fori_loop(0, chh, edge_drain, 0)
        plsc.subcore_barrier()

        pltpu.sync_copy(acc_sh.at[pl.ds(sbase, rpt)], stage_v)
        obase = pl.multiple_of(wid * rpt, 8)
        pltpu.sync_copy(stage_v, out_hbm.at[pl.ds(obase, rpt)])

    return deg_kernel


def _make_prop_kernel(n, d2, ch, k, NB, ow=None):
    ow = ow if ow is not None else 2 * d2
    NL = NB // 2
    rpb = (n // (NS * 8)) * 8
    rem = n - rpb * NS
    sr = 208
    nst = rpb // sr
    assert nst * sr == rpb and rem % 8 == 0 and rem <= sr
    assert ch % NB == 0

    @functools.partial(
        pl.kernel,
        out_type=jax.ShapeDtypeStruct((n, ow), jnp.float32),
        mesh=_MESH,
        scratch_types=[
            pltpu.VMEM((ch, k), jnp.int32),
            pltpu.VMEM((ch, k), jnp.int32),
            [pltpu.VMEM((k, d2), jnp.float32) for _ in range(NB)],
            pltpu.VMEM((sr, d2), jnp.float32),
            pltpu.VMEM_SHARED((n, d2), jnp.float32),
            [pltpu.SemaphoreType.DMA for _ in range(NB)],
            [pltpu.SemaphoreType.DMA for _ in range(NB)],
        ],
        compiler_params=pltpu.CompilerParams(use_tc_tiling_on_sc=False),
    )
    def prop_kernel(t2_hbm, idx_hbm, dst_hbm, out_hbm,
                    idx_v, dst_v, rows, stage_v, acc_sh, gsems, ssems):
        c = lax.axis_index("c")
        s = lax.axis_index("s")

        pltpu.sync_copy(idx_hbm.at[c, s], idx_v)
        pltpu.sync_copy(dst_hbm.at[s], dst_v)

        def tile_chunks(fn):
            for p in range(nst):
                fn(pl.multiple_of(s * rpb + p * sr, 8), sr)
            if rem:
                @pl.when(s == NS - 1)
                def _():
                    fn(NS * rpb, rem)

        zeros16 = jnp.zeros((16,), jnp.float32)

        def zero_body(i, carry):
            for t in range(d2 // 16):
                stage_v[i, pl.ds(t * 16, 16)] = zeros16
            return carry

        lax.fori_loop(0, sr, zero_body, 0)

        def seed0(off, sz):
            pltpu.sync_copy(stage_v.at[pl.ds(0, sz)],
                            acc_sh.at[pl.ds(off, sz)])
        tile_chunks(seed0)
        plsc.subcore_barrier()

        def issue_gather(j, b):
            pltpu.async_copy(t2_hbm.at[idx_v.at[j]], rows[b], gsems[b])

        def wait_gather(b):
            pltpu.make_async_copy(t2_hbm.at[idx_v.at[0]], rows[b],
                                  gsems[b]).wait()

        def issue_scatter(j, b):
            pltpu.async_copy(rows[b], acc_sh.at[dst_v.at[j]], ssems[b],
                             add=True)

        def wait_scatter(b):
            pltpu.make_async_copy(rows[b], acc_sh.at[dst_v.at[0]],
                                  ssems[b]).wait()

        for b0 in range(NL):
            issue_gather(b0, b0)

        def edge_body(jj, carry):
            for b in range(NB):
                j = jj * NB + b
                bp = (b + NL) % NB

                @pl.when(j >= NL)
                def _():
                    wait_scatter(bp)

                @pl.when(j + NL < ch)
                def _():
                    issue_gather(j + NL, bp)

                wait_gather(b)
                issue_scatter(j, b)
            return carry

        lax.fori_loop(0, ch // NB, edge_body, 0)
        for j0 in range(ch - NL, ch):
            wait_scatter(j0 % NB)
        plsc.subcore_barrier()

        def drain(off, sz):
            pltpu.sync_copy(acc_sh.at[pl.ds(off, sz)],
                            stage_v.at[pl.ds(0, sz)])
            pltpu.sync_copy(stage_v.at[pl.ds(0, sz)],
                            out_hbm.at[pl.ds(off, sz), pl.ds(c * d2, d2)])
        tile_chunks(drain)

    return prop_kernel


def _mm_scale_kernel(x_ref, w_ref, d0_ref, d1_ref, xs_ref, dinv_ref):
    h = jnp.dot(x_ref[...], w_ref[...], preferred_element_type=jnp.float32)
    deg = d0_ref[...] + d1_ref[...] + 1.0
    dinv = lax.rsqrt(deg)
    dinv_ref[...] = dinv
    xs_ref[...] = h * dinv


def _combine_mm_kernel(a_ref, sl_ref, dinv_ref, b_ref, w_ref, xs_ref):
    dinv = dinv_ref[...]
    h = jnp.maximum((a_ref[...] + sl_ref[...]) * dinv + b_ref[...], 0.0)
    y = jnp.dot(h, w_ref[...], preferred_element_type=jnp.float32) * dinv
    xs_ref[...] = y


def _final_kernel(a_ref, sl_ref, dinv_ref, b_ref, out_ref):
    o = a_ref[:, : sl_ref.shape[1]] + sl_ref[...]
    o = o * dinv_ref[...] + b_ref[...]
    m = jnp.max(o, axis=1, keepdims=True)
    ex = jnp.exp(o - m)
    lse = jnp.log(jnp.sum(ex, axis=1, keepdims=True)) + m
    out_ref[...] = o - lse


def kernel(x, edge_index, W1, b1, W2, b2):
    n, din = x.shape
    dh = W1.shape[1]
    dout = W2.shape[1]
    e = edge_index.shape[1]

    k = 125
    ch16 = e // (NS * k)
    assert ch16 * NS * k == e and ch16 % 2 == 0

    src = edge_index[0]
    idx2 = jnp.stack([src * 2, src * 2 + 1]).reshape(NC, NS, ch16, k)
    dst16 = edge_index[1].reshape(NS, ch16, k)

    degp = _make_deg_kernel(n, ch16, k)(dst16)
    npad = degp.shape[0] // NC
    degf = degp.reshape(NC, npad)[:, :n]
    d0 = degf[0].reshape(n, 1)
    d1 = degf[1].reshape(n, 1)

    br = 2000
    grid = n // br
    row = lambda d: pl.BlockSpec((br,) + d, lambda i: (i,) + (0,) * len(d))
    full = lambda shp: pl.BlockSpec(shp, lambda i: (0,) * len(shp))

    xs1, dinv = pl.pallas_call(
        _mm_scale_kernel,
        grid=(grid,),
        in_specs=[row((din,)), full((din, dh)), row((1,)), row((1,))],
        out_specs=[row((dh,)), row((1,))],
        out_shape=[
            jax.ShapeDtypeStruct((n, dh), jnp.float32),
            jax.ShapeDtypeStruct((n, 1), jnp.float32),
        ],
    )(x, W1, d0, d1)

    prop1 = _make_prop_kernel(n, dh // 2, ch16, k, 4)
    osum1 = prop1(xs1.reshape(2 * n, dh // 2), idx2, dst16)

    xs2 = pl.pallas_call(
        _combine_mm_kernel,
        grid=(grid,),
        in_specs=[row((dh,)), row((dh,)), row((1,)), full((1, dh)),
                  full((dh, dout))],
        out_specs=row((dout,)),
        out_shape=jax.ShapeDtypeStruct((n, dout), jnp.float32),
    )(osum1, xs1, dinv, b1.reshape(1, dh), W2)

    prop2 = _make_prop_kernel(n, dout // 2, ch16, k, 8, ow=dh)
    osum2 = prop2(xs2.reshape(2 * n, dout // 2), idx2, dst16)

    out = pl.pallas_call(
        _final_kernel,
        grid=(grid,),
        in_specs=[row((dh,)), row((dout,)), row((1,)), full((1, dout))],
        out_specs=row((dout,)),
        out_shape=jax.ShapeDtypeStruct((n, dout), jnp.float32),
    )(osum2, xs2, dinv, b2.reshape(1, dout))

    return out

# --- scband reference (transcript-rebuilt; emitter-appended) ---
"""Pipeline reference for scband-surrogate-model-6236292514024 (READ-ONLY COPY).

The authoritative reference and input builder live on the scoring server;
editing this copy changes nothing except your own understanding.
"""

import jax, jax.numpy as jnp
import numpy as np

N = 10000
E = 320000
DIN = 128
DH = 128
DOUT = 64


def setup_inputs(seed: int = 0) -> dict:
    key = jax.random.key(seed)
    k1, k2, k3, k4 = jax.random.split(key, 4)
    x = jax.random.normal(k1, (N, DIN), dtype=jnp.float32)
    edge_index = jax.random.randint(k2, (2, E), 0, N, dtype=jnp.int32)
    W1 = jax.random.normal(k3, (DIN, DH), dtype=jnp.float32) * (1.0 / np.sqrt(DIN))
    b1 = jnp.zeros((DH,), dtype=jnp.float32)
    W2 = jax.random.normal(k4, (DH, DOUT), dtype=jnp.float32) * (1.0 / np.sqrt(DH))
    b2 = jnp.zeros((DOUT,), dtype=jnp.float32)
    return {"x": x, "edge_index": edge_index, "W1": W1, "b1": b1, "W2": W2, "b2": b2}


def _gcn_conv(x, src, dst, W, b, n):
    # GCNConv: x' = D^{-1/2} (A + I) D^{-1/2} X W + b (self-loops already in src/dst)
    h = x @ W
    deg = jnp.zeros((n,), dtype=h.dtype).at[dst].add(1.0)
    dinv = jax.lax.rsqrt(jnp.maximum(deg, 1.0))
    norm = dinv[src] * dinv[dst]
    msg = h[src] * norm[:, None]
    out = jnp.zeros((n, h.shape[1]), dtype=h.dtype).at[dst].add(msg)
    return out + b


def reference(x, edge_index, W1, b1, W2, b2):
    n = x.shape[0]
    loop = jnp.arange(n, dtype=edge_index.dtype)
    src = jnp.concatenate([edge_index[0], loop])
    dst = jnp.concatenate([edge_index[1], loop])
    h = _gcn_conv(x, src, dst, W1, b1, n)
    h = jax.nn.relu(h)
    # dropout is identity in eval mode (training=False)
    out = _gcn_conv(h, src, dst, W2, b2, n)
    return jax.nn.log_softmax(out, axis=1)

if __name__ == "__main__":
    import jax
    _d = setup_inputs()
    print(jax.jit(kernel)(*tuple(_d.values())))

</pallas_src>

<mosaic_0001>
#map = affine_map<(d0, d1) -> (0, 0, 0)>
#map1 = affine_map<(d0, d1) -> (0)>
module attributes {stable_mosaic.version = 14 : i64} {
  func.func @deg_kernel(%arg0: i32, %arg1: i32, %arg2: memref<16x160x125xi32, #tpu.memory_space<hbm>>, %arg3: memref<20480xf32, #tpu.memory_space<hbm>>, %arg4: memref<80x125xi32, #tpu.memory_space<vmem>>, %arg5: memref<128xf32, #tpu.memory_space<vmem>>, %arg6: memref<640xf32, #tpu.memory_space<vmem>>, %arg7: memref<10240xf32, #tpu.memory_space<vmem_shared>>, %arg8: memref<!tpu.dma_semaphore, #tpu.memory_space<semaphore_mem>>) attributes {dimension_semantics = [#tpu.dimension_semantics<core_parallel>, #tpu.dimension_semantics<subcore_parallel>], iteration_bounds = array<i64: 2, 16>, scalar_prefetch = 0 : i64, scratch_operands = 5 : i64, tpu.core_type = #tpu.core_type<sc_vector_subcore>, window_params = [{transform_indices = #map}, {transform_indices = #map1}]} {
    %mul3A = arith.constant 16 : i32
    %mul3A_0 = arith.muli %arg0, %mul3A : i32
    %add3A = arith.addi %mul3A_0, %arg1 : i32
    %mul3A_1 = arith.constant 80 : i32
    %mul3A_2 = arith.muli %arg0, %mul3A_1 : i32
    "tpu.region"() ({
      %run_scoped3A = tpu.sem_alloc : memref<!tpu.dma_semaphore, #tpu.memory_space<semaphore_mem>>
      %dma_start3A = arith.constant 0 : i32
      %dma_start3A_60 = tpu.memref_slice %arg2[%arg1, %mul3A_2, %dma_start3A] : memref<16x160x125xi32, #tpu.memory_space<hbm>> -> memref<1x80x125xi32, #tpu.memory_space<hbm>>
      %dma_start3A_61 = tpu.memref_squeeze %dma_start3A_60 : memref<1x80x125xi32, #tpu.memory_space<hbm>> -> memref<80x125xi32, #tpu.memory_space<hbm>>
      %dma_start3A_62 = arith.constant 0 : i32
      %dma_start3A_63 = tpu.memref_slice %arg2[%arg1, %mul3A_2, %dma_start3A_62] : memref<16x160x125xi32, #tpu.memory_space<hbm>> -> memref<1x80x125xi32, #tpu.memory_space<hbm>>
      %dma_start3A_64 = tpu.memref_squeeze %dma_start3A_63 : memref<1x80x125xi32, #tpu.memory_space<hbm>> -> memref<80x125xi32, #tpu.memory_space<hbm>>
      tpu.enqueue_dma source(%dma_start3A_64 : memref<80x125xi32, #tpu.memory_space<hbm>>) target(%arg4 : memref<80x125xi32, #tpu.memory_space<vmem>>) target_semaphore(%run_scoped3A : memref<!tpu.dma_semaphore, #tpu.memory_space<semaphore_mem>>)
      %dma_wait3A = arith.constant 0 : i32
      %dma_wait3A_65 = tpu.memref_slice %arg2[%arg1, %mul3A_2, %dma_wait3A] : memref<16x160x125xi32, #tpu.memory_space<hbm>> -> memref<1x80x125xi32, #tpu.memory_space<hbm>>
      %dma_wait3A_66 = tpu.memref_squeeze %dma_wait3A_65 : memref<1x80x125xi32, #tpu.memory_space<hbm>> -> memref<80x125xi32, #tpu.memory_space<hbm>>
      %dma_wait3A_67 = arith.constant 0 : i32
      %dma_wait3A_68 = tpu.memref_slice %arg2[%arg1, %mul3A_2, %dma_wait3A_67] : memref<16x160x125xi32, #tpu.memory_space<hbm>> -> memref<1x80x125xi32, #tpu.memory_space<hbm>>
      %dma_wait3A_69 = tpu.memref_squeeze %dma_wait3A_68 : memref<1x80x125xi32, #tpu.memory_space<hbm>> -> memref<80x125xi32, #tpu.memory_space<hbm>>
      tpu.wait_dma2 semaphore(%run_scoped3A : memref<!tpu.dma_semaphore, #tpu.memory_space<semaphore_mem>>) src(%dma_wait3A_69 : memref<80x125xi32, #tpu.memory_space<hbm>>) dst(%arg4 : memref<80x125xi32, #tpu.memory_space<vmem>>)
      tpu.yield
    }) : () -> ()
    %broadcast_in_dim3A = arith.constant 0.000000e+00 : f32
    %broadcast_in_dim3A_3 = vector.broadcast %broadcast_in_dim3A : f32 to vector<16xf32>
    %broadcast_in_dim3A_4 = arith.constant 1.000000e+00 : f32
    %broadcast_in_dim3A_5 = vector.broadcast %broadcast_in_dim3A_4 : f32 to vector<16xf32>
    %swap3A = arith.constant 0 : index
    %swap3A_6 = tpu.vector_load %arg5[%swap3A] {strides = array<i32>} : memref<128xf32, #tpu.memory_space<vmem>>, vector<16xf32>,
    %swap3A_7 = vector.shape_cast %swap3A_6 : vector<16xf32> to vector<16xf32>
    %swap3A_8 = vector.shape_cast %broadcast_in_dim3A_5 : vector<16xf32> to vector<16xf32>
    tpu.vector_store %arg5[%swap3A], %swap3A_8 {strides = array<i32>} : memref<128xf32, #tpu.memory_space<vmem>>, vector<16xf32>,
    %swap3A_9 = arith.constant 16 : index
    %swap3A_10 = tpu.vector_load %arg5[%swap3A_9] {strides = array<i32>} : memref<128xf32, #tpu.memory_space<vmem>>, vector<16xf32>,
    %swap3A_11 = vector.shape_cast %swap3A_10 : vector<16xf32> to vector<16xf32>
    %swap3A_12 = vector.shape_cast %broadcast_in_dim3A_5 : vector<16xf32> to vector<16xf32>
    tpu.vector_store %arg5[%swap3A_9], %swap3A_12 {strides = array<i32>} : memref<128xf32, #tpu.memory_space<vmem>>, vector<16xf32>,
    %swap3A_13 = arith.constant 32 : index
    %swap3A_14 = tpu.vector_load %arg5[%swap3A_13] {strides = array<i32>} : memref<128xf32, #tpu.memory_space<vmem>>, vector<16xf32>,
    %swap3A_15 = vector.shape_cast %swap3A_14 : vector<16xf32> to vector<16xf32>
    %swap3A_16 = vector.shape_cast %broadcast_in_dim3A_5 : vector<16xf32> to vector<16xf32>
    tpu.vector_store %arg5[%swap3A_13], %swap3A_16 {strides = array<i32>} : memref<128xf32, #tpu.memory_space<vmem>>, vector<16xf32>,
    %swap3A_17 = arith.constant 48 : index
    %swap3A_18 = tpu.vector_load %arg5[%swap3A_17] {strides = array<i32>} : memref<128xf32, #tpu.memory_space<vmem>>, vector<16xf32>,
    %swap3A_19 = vector.shape_cast %swap3A_18 : vector<16xf32> to vector<16xf32>
    %swap3A_20 = vector.shape_cast %broadcast_in_dim3A_5 : vector<16xf32> to vector<16xf32>
    tpu.vector_store %arg5[%swap3A_17], %swap3A_20 {strides = array<i32>} : memref<128xf32, #tpu.memory_space<vmem>>, vector<16xf32>,
    %swap3A_21 = arith.constant 64 : index
    %swap3A_22 = tpu.vector_load %arg5[%swap3A_21] {strides = array<i32>} : memref<128xf32, #tpu.memory_space<vmem>>, vector<16xf32>,
    %swap3A_23 = vector.shape_cast %swap3A_22 : vector<16xf32> to vector<16xf32>
    %swap3A_24 = vector.shape_cast %broadcast_in_dim3A_5 : vector<16xf32> to vector<16xf32>
    tpu.vector_store %arg5[%swap3A_21], %swap3A_24 {strides = array<i32>} : memref<128xf32, #tpu.memory_space<vmem>>, vector<16xf32>,
    %swap3A_25 = arith.constant 80 : index
    %swap3A_26 = tpu.vector_load %arg5[%swap3A_25] {strides = array<i32>} : memref<128xf32, #tpu.memory_space<vmem>>, vector<16xf32>,
    %swap3A_27 = vector.shape_cast %swap3A_26 : vector<16xf32> to vector<16xf32>
    %swap3A_28 = vector.shape_cast %broadcast_in_dim3A_5 : vector<16xf32> to vector<16xf32>
    tpu.vector_store %arg5[%swap3A_25], %swap3A_28 {strides = array<i32>} : memref<128xf32, #tpu.memory_space<vmem>>, vector<16xf32>,
    %swap3A_29 = arith.constant 96 : index
    %swap3A_30 = tpu.vector_load %arg5[%swap3A_29] {strides = array<i32>} : memref<128xf32, #tpu.memory_space<vmem>>, vector<16xf32>,
    %swap3A_31 = vector.shape_cast %swap3A_30 : vector<16xf32> to vector<16xf32>
    %swap3A_32 = vector.shape_cast %broadcast_in_dim3A_5 : vector<16xf32> to vector<16xf32>
    tpu.vector_store %arg5[%swap3A_29], %swap3A_32 {strides = array<i32>} : memref<128xf32, #tpu.memory_space<vmem>>, vector<16xf32>,
    %swap3A_33 = arith.constant 112 : index
    %swap3A_34 = tpu.vector_load %arg5[%swap3A_33] {strides = array<i32>} : memref<128xf32, #tpu.memory_space<vmem>>, vector<16xf32>,
    %swap3A_35 = vector.shape_cast %swap3A_34 : vector<16xf32> to vector<16xf32>
    %swap3A_36 = vector.shape_cast %broadcast_in_dim3A_5 : vector<16xf32> to vector<16xf32>
    tpu.vector_store %arg5[%swap3A_33], %swap3A_36 {strides = array<i32>} : memref<128xf32, #tpu.memory_space<vmem>>, vector<16xf32>,
    %scan3A = arith.constant 0 : i32
    %scan3A_37 = arith.constant 0 : i32
    %scan3A_38 = arith.constant 40 : i32
    %scan3A_39 = arith.addi %scan3A_37, %scan3A_38 : i32
    %scan3A_40 = arith.constant 1 : i32
    scf.for %scan3A_60 = %scan3A_37 to %scan3A_39 step %scan3A_40  : i32 {
      %mul3A_61 = arith.constant 16 : i32
      %mul3A_62 = arith.muli %scan3A_60, %mul3A_61 : i32
      %swap3A_63 = arith.index_cast %mul3A_62 : i32 to index
      %swap3A_64 = tpu.vector_load %arg6[%swap3A_63] {strides = array<i32>} : memref<640xf32, #tpu.memory_space<vmem>>, vector<16xf32>,
      %swap3A_65 = vector.shape_cast %swap3A_64 : vector<16xf32> to vector<16xf32>
      %swap3A_66 = vector.shape_cast %broadcast_in_dim3A_3 : vector<16xf32> to vector<16xf32>
      tpu.vector_store %arg6[%swap3A_63], %swap3A_66 {strides = array<i32>} : memref<640xf32, #tpu.memory_space<vmem>>, vector<16xf32>,
    }
    %scan3A_41 = arith.constant 40 : i32
    %mul3A_42 = arith.constant 640 : i32
    %mul3A_43 = arith.muli %arg1, %mul3A_42 : i32
    %multiple_of3A = tpu.assume_multiple %mul3A_43, 8 : i32
    "tpu.region"() ({
      %run_scoped3A = tpu.sem_alloc : memref<!tpu.dma_semaphore, #tpu.memory_space<semaphore_mem>>
      %dma_start3A = tpu.memref_slice %arg7[%multiple_of3A] : memref<10240xf32, #tpu.memory_space<vmem_shared>> -> memref<640xf32, #tpu.memory_space<vmem_shared>>
      %dma_start3A_60 = tpu.memref_slice %arg7[%multiple_of3A] : memref<10240xf32, #tpu.memory_space<vmem_shared>> -> memref<640xf32, #tpu.memory_space<vmem_shared>>
      tpu.enqueue_dma source(%arg6 : memref<640xf32, #tpu.memory_space<vmem>>) target(%dma_start3A_60 : memref<640xf32, #tpu.memory_space<vmem_shared>>) target_semaphore(%run_scoped3A : memref<!tpu.dma_semaphore, #tpu.memory_space<semaphore_mem>>)
      %dma_wait3A = tpu.memref_slice %arg7[%multiple_of3A] : memref<10240xf32, #tpu.memory_space<vmem_shared>> -> memref<640xf32, #tpu.memory_space<vmem_shared>>
      %dma_wait3A_61 = tpu.memref_slice %arg7[%multiple_of3A] : memref<10240xf32, #tpu.memory_space<vmem_shared>> -> memref<640xf32, #tpu.memory_space<vmem_shared>>
      tpu.wait_dma2 semaphore(%run_scoped3A : memref<!tpu.dma_semaphore, #tpu.memory_space<semaphore_mem>>) src(%arg6 : memref<640xf32, #tpu.memory_space<vmem>>) dst(%dma_wait3A_61 : memref<640xf32, #tpu.memory_space<vmem_shared>>)
      tpu.yield
    }) : () -> ()
    %barrier3A = arith.constant 0 : index
    tpu.barrier barrier_id(%barrier3A)
    %scan3A_44 = arith.constant 0 : i32
    %scan3A_45 = arith.constant 0 : i32
    %scan3A_46 = arith.constant 80 : i32
    %scan3A_47 = arith.addi %scan3A_45, %scan3A_46 : i32
    %scan3A_48 = arith.constant 1 : i32
    scf.for %scan3A_60 = %scan3A_45 to %scan3A_47 step %scan3A_48  : i32 {
      %dma_start3A = arith.constant 0 : i32
      %dma_start3A_61 = tpu.memref_slice %arg5[%dma_start3A] : memref<128xf32, #tpu.memory_space<vmem>> -> memref<125xf32, #tpu.memory_space<vmem>>
      %dma_start3A_62 = arith.constant 0 : i32
      %dma_start3A_63 = tpu.memref_slice %arg4[%scan3A_60, %dma_start3A_62] : memref<80x125xi32, #tpu.memory_space<vmem>> -> memref<1x125xi32, #tpu.memory_space<vmem>>
      %dma_start3A_64 = tpu.memref_squeeze %dma_start3A_63 : memref<1x125xi32, #tpu.memory_space<vmem>> -> memref<125xi32, #tpu.memory_space<vmem>>
      %dma_start3A_65 = arith.constant 0 : i32
      %dma_start3A_66 = tpu.memref_slice %arg7[%dma_start3A_65] : memref<10240xf32, #tpu.memory_space<vmem_shared>> -> memref<10240xf32, #tpu.memory_space<vmem_shared>>
      tpu.enqueue_indirect_dma source(%dma_start3A_61 : memref<125xf32, #tpu.memory_space<vmem>>) target(%dma_start3A_66 : memref<10240xf32, #tpu.memory_space<vmem_shared>>) offsets(%dma_start3A_64 : memref<125xi32, #tpu.memory_space<vmem>>) semaphore(%arg8 : memref<!tpu.dma_semaphore, #tpu.memory_space<semaphore_mem>>) {add = true}
    }
    %scan3A_49 = arith.constant 80 : i32
    %scan3A_50 = arith.constant 0 : i32
    %scan3A_51 = arith.constant 0 : i32
    %scan3A_52 = arith.constant 80 : i32
    %scan3A_53 = arith.addi %scan3A_51, %scan3A_52 : i32
    %scan3A_54 = arith.constant 1 : i32
    scf.for %scan3A_60 = %scan3A_51 to %scan3A_53 step %scan3A_54  : i32 {
      %dma_wait3A = arith.constant 0 : i32
      %dma_wait3A_61 = arith.constant 0 : i32
      %dma_wait3A_62 = tpu.memref_slice %arg5[%dma_wait3A_61] : memref<128xf32, #tpu.memory_space<vmem>> -> memref<125xf32, #tpu.memory_space<vmem>>
      %dma_wait3A_63 = arith.constant 0 : i32
      %dma_wait3A_64 = tpu.memref_slice %arg4[%dma_wait3A, %dma_wait3A_63] : memref<80x125xi32, #tpu.memory_space<vmem>> -> memref<1x125xi32, #tpu.memory_space<vmem>>
      %dma_wait3A_65 = tpu.memref_squeeze %dma_wait3A_64 : memref<1x125xi32, #tpu.memory_space<vmem>> -> memref<125xi32, #tpu.memory_space<vmem>>
      %dma_wait3A_66 = arith.constant 0 : i32
      %dma_wait3A_67 = tpu.memref_slice %arg7[%dma_wait3A_66] : memref<10240xf32, #tpu.memory_space<vmem_shared>> -> memref<10240xf32, #tpu.memory_space<vmem_shared>>
      tpu.wait_indirect_dma semaphore(%arg8 : memref<!tpu.dma_semaphore, #tpu.memory_space<semaphore_mem>>) src(%dma_wait3A_62 : memref<125xf32, #tpu.memory_space<vmem>>) dst(%dma_wait3A_67 : memref<10240xf32, #tpu.memory_space<vmem_shared>>)
    }
    %scan3A_55 = arith.constant 80 : i32
    %barrier3A_56 = arith.constant 0 : index
    tpu.barrier barrier_id(%barrier3A_56)
    "tpu.region"() ({
      %run_scoped3A = tpu.sem_alloc : memref<!tpu.dma_semaphore, #tpu.memory_space<semaphore_mem>>
      %dma_start3A = tpu.memref_slice %arg7[%multiple_of3A] : memref<10240xf32, #tpu.memory_space<vmem_shared>> -> memref<640xf32, #tpu.memory_space<vmem_shared>>
      %dma_start3A_60 = tpu.memref_slice %arg7[%multiple_of3A] : memref<10240xf32, #tpu.memory_space<vmem_shared>> -> memref<640xf32, #tpu.memory_space<vmem_shared>>
      tpu.enqueue_dma source(%dma_start3A_60 : memref<640xf32, #tpu.memory_space<vmem_shared>>) target(%arg6 : memref<640xf32, #tpu.memory_space<vmem>>) target_semaphore(%run_scoped3A : memref<!tpu.dma_semaphore, #tpu.memory_space<semaphore_mem>>)
      %dma_wait3A = tpu.memref_slice %arg7[%multiple_of3A] : memref<10240xf32, #tpu.memory_space<vmem_shared>> -> memref<640xf32, #tpu.memory_space<vmem_shared>>
      %dma_wait3A_61 = tpu.memref_slice %arg7[%multiple_of3A] : memref<10240xf32, #tpu.memory_space<vmem_shared>> -> memref<640xf32, #tpu.memory_space<vmem_shared>>
      tpu.wait_dma2 semaphore(%run_scoped3A : memref<!tpu.dma_semaphore, #tpu.memory_space<semaphore_mem>>) src(%dma_wait3A_61 : memref<640xf32, #tpu.memory_space<vmem_shared>>) dst(%arg6 : memref<640xf32, #tpu.memory_space<vmem>>)
      tpu.yield
    }) : () -> ()
    %mul3A_57 = arith.constant 640 : i32
    %mul3A_58 = arith.muli %add3A, %mul3A_57 : i32
    %multiple_of3A_59 = tpu.assume_multiple %mul3A_58, 8 : i32
    "tpu.region"() ({
      %run_scoped3A = tpu.sem_alloc : memref<!tpu.dma_semaphore, #tpu.memory_space<semaphore_mem>>
      %dma_start3A = tpu.memref_slice %arg3[%multiple_of3A_59] : memref<20480xf32, #tpu.memory_space<hbm>> -> memref<640xf32, #tpu.memory_space<hbm>>
      %dma_start3A_60 = tpu.memref_slice %arg3[%multiple_of3A_59] : memref<20480xf32, #tpu.memory_space<hbm>> -> memref<640xf32, #tpu.memory_space<hbm>>
      tpu.enqueue_dma source(%arg6 : memref<640xf32, #tpu.memory_space<vmem>>) target(%dma_start3A_60 : memref<640xf32, #tpu.memory_space<hbm>>) target_semaphore(%run_scoped3A : memref<!tpu.dma_semaphore, #tpu.memory_space<semaphore_mem>>)
      %dma_wait3A = tpu.memref_slice %arg3[%multiple_of3A_59] : memref<20480xf32, #tpu.memory_space<hbm>> -> memref<640xf32, #tpu.memory_space<hbm>>
      %dma_wait3A_61 = tpu.memref_slice %arg3[%multiple_of3A_59] : memref<20480xf32, #tpu.memory_space<hbm>> -> memref<640xf32, #tpu.memory_space<hbm>>
      tpu.wait_dma2 semaphore(%run_scoped3A : memref<!tpu.dma_semaphore, #tpu.memory_space<semaphore_mem>>) src(%arg6 : memref<640xf32, #tpu.memory_space<vmem>>) dst(%dma_wait3A_61 : memref<640xf32, #tpu.memory_space<hbm>>)
      tpu.yield
    }) : () -> ()
    return
  }
}

#map = affine_map<(d0, d1) -> (0, 0)>
#map1 = affine_map<(d0, d1) -> (0, 0, 0, 0)>
#map2 = affine_map<(d0, d1) -> (0, 0, 0)>
module attributes {stable_mosaic.version = 14 : i64} {
  func.func @prop_kernel(%arg0: i32, %arg1: i32, %arg2: memref<20000x64xf32, #tpu.memory_space<hbm>>, %arg3: memref<2x16x160x125xi32, #tpu.memory_space<hbm>>, %arg4: memref<16x160x125xi32, #tpu.memory_space<hbm>>, %arg5: memref<10000x128xf32, #tpu.memory_space<hbm>>, %arg6: memref<160x125xi32, #tpu.memory_space<vmem>>, %arg7: memref<160x125xi32, #tpu.memory_space<vmem>>, %arg8: memref<125x64xf32, #tpu.memory_space<vmem>>, %arg9: memref<125x64xf32, #tpu.memory_space<vmem>>, %arg10: memref<125x64xf32, #tpu.memory_space<vmem>>, %arg11: memref<125x64xf32, #tpu.memory_space<vmem>>, %arg12: memref<208x64xf32, #tpu.memory_space<vmem>>, %arg13: memref<10000x64xf32, #tpu.memory_space<vmem_shared>>, %arg14: memref<!tpu.dma_semaphore, #tpu.memory_space<semaphore_mem>>, %arg15: memref<!tpu.dma_semaphore, #tpu.memory_space<semaphore_mem>>, %arg16: memref<!tpu.dma_semaphore, #tpu.memory_space<semaphore_mem>>, %arg17: memref<!tpu.dma_semaphore, #tpu.memory_space<semaphore_mem>>, %arg18: memref<!tpu.dma_semaphore, #tpu.memory_space<semaphore_mem>>, %arg19: memref<!tpu.dma_semaphore, #tpu.memory_space<semaphore_mem>>, %arg20: memref<!tpu.dma_semaphore, #tpu.memory_space<semaphore_mem>>, %arg21: memref<!tpu.dma_semaphore, #tpu.memory_space<semaphore_mem>>) attributes {dimension_semantics = [#tpu.dimension_semantics<core_parallel>, #tpu.dimension_semantics<subcore_parallel>], iteration_bounds = array<i64: 2, 16>, scalar_prefetch = 0 : i64, scratch_operands = 16 : i64, tpu.core_type = #tpu.core_type<sc_vector_subcore>, window_params = [{transform_indices = #map}, {transform_indices = #map1}, {transform_indices = #map2}, {transform_indices = #map}]} {
    "tpu.region"() ({
      %run_scoped3A = tpu.sem_alloc : memref<!tpu.dma_semaphore, #tpu.memory_space<semaphore_mem>>
      %dma_start3A_79 = arith.constant 0 : i32
      %dma_start3A_80 = arith.constant 0 : i32
      %dma_start3A_81 = tpu.memref_slice %arg3[%arg0, %arg1, %dma_start3A_79, %dma_start3A_80] : memref<2x16x160x125xi32, #tpu.memory_space<hbm>> -> memref<1x1x160x125xi32, #tpu.memory_space<hbm>>
      %dma_start3A_82 = tpu.memref_squeeze %dma_start3A_81 : memref<1x1x160x125xi32, #tpu.memory_space<hbm>> -> memref<160x125xi32, #tpu.memory_space<hbm>>
      %dma_start3A_83 = arith.constant 0 : i32
      %dma_start3A_84 = arith.constant 0 : i32
      %dma_start3A_85 = tpu.memref_slice %arg3[%arg0, %arg1, %dma_start3A_83, %dma_start3A_84] : memref<2x16x160x125xi32, #tpu.memory_space<hbm>> -> memref<1x1x160x125xi32, #tpu.memory_space<hbm>>
      %dma_start3A_86 = tpu.memref_squeeze %dma_start3A_85 : memref<1x1x160x125xi32, #tpu.memory_space<hbm>> -> memref<160x125xi32, #tpu.memory_space<hbm>>
      tpu.enqueue_dma source(%dma_start3A_86 : memref<160x125xi32, #tpu.memory_space<hbm>>) target(%arg6 : memref<160x125xi32, #tpu.memory_space<vmem>>) target_semaphore(%run_scoped3A : memref<!tpu.dma_semaphore, #tpu.memory_space<semaphore_mem>>)
      %dma_wait3A_87 = arith.constant 0 : i32
      %dma_wait3A_88 = arith.constant 0 : i32
      %dma_wait3A_89 = tpu.memref_slice %arg3[%arg0, %arg1, %dma_wait3A_87, %dma_wait3A_88] : memref<2x16x160x125xi32, #tpu.memory_space<hbm>> -> memref<1x1x160x125xi32, #tpu.memory_space<hbm>>
      %dma_wait3A_90 = tpu.memref_squeeze %dma_wait3A_89 : memref<1x1x160x125xi32, #tpu.memory_space<hbm>> -> memref<160x125xi32, #tpu.memory_space<hbm>>
      %dma_wait3A_91 = arith.constant 0 : i32
      %dma_wait3A_92 = arith.constant 0 : i32
      %dma_wait3A_93 = tpu.memref_slice %arg3[%arg0, %arg1, %dma_wait3A_91, %dma_wait3A_92] : memref<2x16x160x125xi32, #tpu.memory_space<hbm>> -> memref<1x1x160x125xi32, #tpu.memory_space<hbm>>
      %dma_wait3A_94 = tpu.memref_squeeze %dma_wait3A_93 : memref<1x1x160x125xi32, #tpu.memory_space<hbm>> -> memref<160x125xi32, #tpu.memory_space<hbm>>
      tpu.wait_dma2 semaphore(%run_scoped3A : memref<!tpu.dma_semaphore, #tpu.memory_space<semaphore_mem>>) src(%dma_wait3A_94 : memref<160x125xi32, #tpu.memory_space<hbm>>) dst(%arg6 : memref<160x125xi32, #tpu.memory_space<vmem>>)
      tpu.yield
    }) : () -> ()
    "tpu.region"() ({
      %run_scoped3A = tpu.sem_alloc : memref<!tpu.dma_semaphore, #tpu.memory_space<semaphore_mem>>
      %dma_start3A_79 = arith.constant 0 : i32
      %dma_start3A_80 = arith.constant 0 : i32
      %dma_start3A_81 = tpu.memref_slice %arg4[%arg1, %dma_start3A_79, %dma_start3A_80] : memref<16x160x125xi32, #tpu.memory_space<hbm>> -> memref<1x160x125xi32, #tpu.memory_space<hbm>>
      %dma_start3A_82 = tpu.memref_squeeze %dma_start3A_81 : memref<1x160x125xi32, #tpu.memory_space<hbm>> -> memref<160x125xi32, #tpu.memory_space<hbm>>
      %dma_start3A_83 = arith.constant 0 : i32
      %dma_start3A_84 = arith.constant 0 : i32
      %dma_start3A_85 = tpu.memref_slice %arg4[%arg1, %dma_start3A_83, %dma_start3A_84] : memref<16x160x125xi32, #tpu.memory_space<hbm>> -> memref<1x160x125xi32, #tpu.memory_space<hbm>>
      %dma_start3A_86 = tpu.memref_squeeze %dma_start3A_85 : memref<1x160x125xi32, #tpu.memory_space<hbm>> -> memref<160x125xi32, #tpu.memory_space<hbm>>
      tpu.enqueue_dma source(%dma_start3A_86 : memref<160x125xi32, #tpu.memory_space<hbm>>) target(%arg7 : memref<160x125xi32, #tpu.memory_space<vmem>>) target_semaphore(%run_scoped3A : memref<!tpu.dma_semaphore, #tpu.memory_space<semaphore_mem>>)
      %dma_wait3A_87 = arith.constant 0 : i32
      %dma_wait3A_88 = arith.constant 0 : i32
      %dma_wait3A_89 = tpu.memref_slice %arg4[%arg1, %dma_wait3A_87, %dma_wait3A_88] : memref<16x160x125xi32, #tpu.memory_space<hbm>> -> memref<1x160x125xi32, #tpu.memory_space<hbm>>
      %dma_wait3A_90 = tpu.memref_squeeze %dma_wait3A_89 : memref<1x160x125xi32, #tpu.memory_space<hbm>> -> memref<160x125xi32, #tpu.memory_space<hbm>>
      %dma_wait3A_91 = arith.constant 0 : i32
      %dma_wait3A_92 = arith.constant 0 : i32
      %dma_wait3A_93 = tpu.memref_slice %arg4[%arg1, %dma_wait3A_91, %dma_wait3A_92] : memref<16x160x125xi32, #tpu.memory_space<hbm>> -> memref<1x160x125xi32, #tpu.memory_space<hbm>>
      %dma_wait3A_94 = tpu.memref_squeeze %dma_wait3A_93 : memref<1x160x125xi32, #tpu.memory_space<hbm>> -> memref<160x125xi32, #tpu.memory_space<hbm>>
      tpu.wait_dma2 semaphore(%run_scoped3A : memref<!tpu.dma_semaphore, #tpu.memory_space<semaphore_mem>>) src(%dma_wait3A_94 : memref<160x125xi32, #tpu.memory_space<hbm>>) dst(%arg7 : memref<160x125xi32, #tpu.memory_space<vmem>>)
      tpu.yield
    }) : () -> ()
    %broadcast_in_dim3A = arith.constant 0.000000e+00 : f32
    %broadcast_in_dim3A_0 = vector.broadcast %broadcast_in_dim3A : f32 to vector<16xf32>
    %scan3A = arith.constant 0 : i32
    %scan3A_1 = arith.constant 0 : i32
    %scan3A_2 = arith.constant 208 : i32
    %scan3A_3 = arith.addi %scan3A_1, %scan3A_2 : i32
    %scan3A_4 = arith.constant 1 : i32
    scf.for %scan3A_79 = %scan3A_1 to %scan3A_3 step %scan3A_4  : i32 {
      %swap3A = arith.index_cast %scan3A_79 : i32 to index
      %swap3A_80 = arith.constant 0 : index
      %swap3A_81 = tpu.vector_load %arg12[%swap3A, %swap3A_80] {strides = array<i32>} : memref<208x64xf32, #tpu.memory_space<vmem>>, vector<1x16xf32>,
      %swap3A_82 = vector.shape_cast %swap3A_81 : vector<1x16xf32> to vector<16xf32>
      %swap3A_83 = vector.shape_cast %broadcast_in_dim3A_0 : vector<16xf32> to vector<1x16xf32>
      tpu.vector_store %arg12[%swap3A, %swap3A_80], %swap3A_83 {strides = array<i32>} : memref<208x64xf32, #tpu.memory_space<vmem>>, vector<1x16xf32>,
      %swap3A_84 = arith.index_cast %scan3A_79 : i32 to index
      %swap3A_85 = arith.constant 16 : index
      %swap3A_86 = tpu.vector_load %arg12[%swap3A_84, %swap3A_85] {strides = array<i32>} : memref<208x64xf32, #tpu.memory_space<vmem>>, vector<1x16xf32>,
      %swap3A_87 = vector.shape_cast %swap3A_86 : vector<1x16xf32> to vector<16xf32>
      %swap3A_88 = vector.shape_cast %broadcast_in_dim3A_0 : vector<16xf32> to vector<1x16xf32>
      tpu.vector_store %arg12[%swap3A_84, %swap3A_85], %swap3A_88 {strides = array<i32>} : memref<208x64xf32, #tpu.memory_space<vmem>>, vector<1x16xf32>,
      %swap3A_89 = arith.index_cast %scan3A_79 : i32 to index
      %swap3A_90 = arith.constant 32 : index
      %swap3A_91 = tpu.vector_load %arg12[%swap3A_89, %swap3A_90] {strides = array<i32>} : memref<208x64xf32, #tpu.memory_space<vmem>>, vector<1x16xf32>,
      %swap3A_92 = vector.shape_cast %swap3A_91 : vector<1x16xf32> to vector<16xf32>
      %swap3A_93 = vector.shape_cast %broadcast_in_dim3A_0 : vector<16xf32> to vector<1x16xf32>
      tpu.vector_store %arg12[%swap3A_89, %swap3A_90], %swap3A_93 {strides = array<i32>} : memref<208x64xf32, #tpu.memory_space<vmem>>, vector<1x16xf32>,
      %swap3A_94 = arith.index_cast %scan3A_79 : i32 to index
      %swap3A_95 = arith.constant 48 : index
      %swap3A_96 = tpu.vector_load %arg12[%swap3A_94, %swap3A_95] {strides = array<i32>} : memref<208x64xf32, #tpu.memory_space<vmem>>, vector<1x16xf32>,
      %swap3A_97 = vector.shape_cast %swap3A_96 : vector<1x16xf32> to vector<16xf32>
      %swap3A_98 = vector.shape_cast %broadcast_in_dim3A_0 : vector<16xf32> to vector<1x16xf32>
      tpu.vector_store %arg12[%swap3A_94, %swap3A_95], %swap3A_98 {strides = array<i32>} : memref<208x64xf32, #tpu.memory_space<vmem>>, vector<1x16xf32>,
    }
    %scan3A_5 = arith.constant 208 : i32
    %mul3A = arith.constant 624 : i32
    %mul3A_6 = arith.muli %arg1, %mul3A : i32
    %add3A = arith.constant 0 : i32
    %add3A_7 = arith.addi %mul3A_6, %add3A : i32
    %multiple_of3A = tpu.assume_multiple %add3A_7, 8 : i32
    "tpu.region"() ({
      %run_scoped3A = tpu.sem_alloc : memref<!tpu.dma_semaphore, #tpu.memory_space<semaphore_mem>>
      %dma_start3A_79 = arith.constant 0 : i32
      %dma_start3A_80 = arith.constant 0 : i32
      %dma_start3A_81 = tpu.memref_slice %arg12[%dma_start3A_79, %dma_start3A_80] : memref<208x64xf32, #tpu.memory_space<vmem>> -> memref<208x64xf32, #tpu.memory_space<vmem>>
      %dma_start3A_82 = arith.constant 0 : i32
      %dma_start3A_83 = tpu.memref_slice %arg13[%multiple_of3A, %dma_start3A_82] : memref<10000x64xf32, #tpu.memory_space<vmem_shared>> -> memref<208x64xf32, #tpu.memory_space<vmem_shared>>
      %dma_start3A_84 = arith.constant 0 : i32
      %dma_start3A_85 = tpu.memref_slice %arg13[%multiple_of3A, %dma_start3A_84] : memref<10000x64xf32, #tpu.memory_space<vmem_shared>> -> memref<208x64xf32, #tpu.memory_space<vmem_shared>>
      %dma_start3A_86 = arith.constant 0 : i32
      %dma_start3A_87 = arith.constant 0 : i32
      %dma_start3A_88 = tpu.memref_slice %arg12[%dma_start3A_86, %dma_start3A_87] : memref<208x64xf32, #tpu.memory_space<vmem>> -> memref<208x64xf32, #tpu.memory_space<vmem>>
      tpu.enqueue_dma source(%dma_start3A_88 : memref<208x64xf32, #tpu.memory_space<vmem>>) target(%dma_start3A_85 : memref<208x64xf32, #tpu.memory_space<vmem_shared>>) target_semaphore(%run_scoped3A : memref<!tpu.dma_semaphore, #tpu.memory_space<semaphore_mem>>)
      %dma_wait3A_89 = arith.constant 0 : i32
      %dma_wait3A_90 = arith.constant 0 : i32
      %dma_wait3A_91 = tpu.memref_slice %arg12[%dma_wait3A_89, %dma_wait3A_90] : memref<208x64xf32, #tpu.memory_space<vmem>> -> memref<208x64xf32, #tpu.memory_space<vmem>>
      %dma_wait3A_92 = arith.constant 0 : i32
      %dma_wait3A_93 = tpu.memref_slice %arg13[%multiple_of3A, %dma_wait3A_92] : memref<10000x64xf32, #tpu.memory_space<vmem_shared>> -> memref<208x64xf32, #tpu.memory_space<vmem_shared>>
      %dma_wait3A_94 = arith.constant 0 : i32
      %dma_wait3A_95 = tpu.memref_slice %arg13[%multiple_of3A, %dma_wait3A_94] : memref<10000x64xf32, #tpu.memory_space<vmem_shared>> -> memref<208x64xf32, #tpu.memory_space<vmem_shared>>
      %dma_wait3A_96 = arith.constant 0 : i32
      %dma_wait3A_97 = arith.constant 0 : i32
      %dma_wait3A_98 = tpu.memref_slice %arg12[%dma_wait3A_96, %dma_wait3A_97] : memref<208x64xf32, #tpu.memory_space<vmem>> -> memref<208x64xf32, #tpu.memory_space<vmem>>
      tpu.wait_dma2 semaphore(%run_scoped3A : memref<!tpu.dma_semaphore, #tpu.memory_space<semaphore_mem>>) src(%dma_wait3A_98 : memref<208x64xf32, #tpu.memory_space<vmem>>) dst(%dma_wait3A_95 : memref<208x64xf32, #tpu.memory_space<vmem_shared>>)
      tpu.yield
    }) : () -> ()
    %mul3A_8 = arith.constant 624 : i32
    %mul3A_9 = arith.muli %arg1, %mul3A_8 : i32
    %add3A_10 = arith.constant 208 : i32
    %add3A_11 = arith.addi %mul3A_9, %add3A_10 : i32
    %multiple_of3A_12 = tpu.assume_multiple %add3A_11, 8 : i32
    "tpu.region"() ({
      %run_scoped3A = tpu.sem_alloc : memref<!tpu.dma_semaphore, #tpu.memory_space<semaphore_mem>>
      %dma_start3A_79 = arith.constant 0 : i32
      %dma_start3A_80 = arith.constant 0 : i32
      %dma_start3A_81 = tpu.memref_slice %arg12[%dma_start3A_79, %dma_start3A_80] : memref<208x64xf32, #tpu.memory_space<vmem>> -> memref<208x64xf32, #tpu.memory_space<vmem>>
      %dma_start3A_82 = arith.constant 0 : i32
      %dma_start3A_83 = tpu.memref_slice %arg13[%multiple_of3A_12, %dma_start3A_82] : memref<10000x64xf32, #tpu.memory_space<vmem_shared>> -> memref<208x64xf32, #tpu.memory_space<vmem_shared>>
      %dma_start3A_84 = arith.constant 0 : i32
      %dma_start3A_85 = tpu.memref_slice %arg13[%multiple_of3A_12, %dma_start3A_84] : memref<10000x64xf32, #tpu.memory_space<vmem_shared>> -> memref<208x64xf32, #tpu.memory_space<vmem_shared>>
      %dma_start3A_86 = arith.constant 0 : i32
      %dma_start3A_87 = arith.constant 0 : i32
      %dma_start3A_88 = tpu.memref_slice %arg12[%dma_start3A_86, %dma_start3A_87] : memref<208x64xf32, #tpu.memory_space<vmem>> -> memref<208x64xf32, #tpu.memory_space<vmem>>
      tpu.enqueue_dma source(%dma_start3A_88 : memref<208x64xf32, #tpu.memory_space<vmem>>) target(%dma_start3A_85 : memref<208x64xf32, #tpu.memory_space<vmem_shared>>) target_semaphore(%run_scoped3A : memref<!tpu.dma_semaphore, #tpu.memory_space<semaphore_mem>>)
      %dma_wait3A_89 = arith.constant 0 : i32
      %dma_wait3A_90 = arith.constant 0 : i32
      %dma_wait3A_91 = tpu.memref_slice %arg12[%dma_wait3A_89, %dma_wait3A_90] : memref<208x64xf32, #tpu.memory_space<vmem>> -> memref<208x64xf32, #tpu.memory_space<vmem>>
      %dma_wait3A_92 = arith.constant 0 : i32
      %dma_wait3A_93 = tpu.memref_slice %arg13[%multiple_of3A_12, %dma_wait3A_92] : memref<10000x64xf32, #tpu.memory_space<vmem_shared>> -> memref<208x64xf32, #tpu.memory_space<vmem_shared>>
      %dma_wait3A_94 = arith.constant 0 : i32
      %dma_wait3A_95 = tpu.memref_slice %arg13[%multiple_of3A_12, %dma_wait3A_94] : memref<10000x64xf32, #tpu.memory_space<vmem_shared>> -> memref<208x64xf32, #tpu.memory_space<vmem_shared>>
      %dma_wait3A_96 = arith.constant 0 : i32
      %dma_wait3A_97 = arith.constant 0 : i32
      %dma_wait3A_98 = tpu.memref_slice %arg12[%dma_wait3A_96, %dma_wait3A_97] : memref<208x64xf32, #tpu.memory_space<vmem>> -> memref<208x64xf32, #tpu.memory_space<vmem>>
      tpu.wait_dma2 semaphore(%run_scoped3A : memref<!tpu.dma_semaphore, #tpu.memory_space<semaphore_mem>>) src(%dma_wait3A_98 : memref<208x64xf32, #tpu.memory_space<vmem>>) dst(%dma_wait3A_95 : memref<208x64xf32, #tpu.memory_space<vmem_shared>>)
      tpu.yield
    }) : () -> ()
    %mul3A_13 = arith.constant 624 : i32
    %mul3A_14 = arith.muli %arg1, %mul3A_13 : i32
    %add3A_15 = arith.constant 416 : i32
    %add3A_16 = arith.addi %mul3A_14, %add3A_15 : i32
    %multiple_of3A_17 = tpu.assume_multiple %add3A_16, 8 : i32
    "tpu.region"() ({
      %run_scoped3A = tpu.sem_alloc : memref<!tpu.dma_semaphore, #tpu.memory_space<semaphore_mem>>
      %dma_start3A_79 = arith.constant 0 : i32
      %dma_start3A_80 = arith.constant 0 : i32
      %dma_start3A_81 = tpu.memref_slice %arg12[%dma_start3A_79, %dma_start3A_80] : memref<208x64xf32, #tpu.memory_space<vmem>> -> memref<208x64xf32, #tpu.memory_space<vmem>>
      %dma_start3A_82 = arith.constant 0 : i32
      %dma_start3A_83 = tpu.memref_slice %arg13[%multiple_of3A_17, %dma_start3A_82] : memref<10000x64xf32, #tpu.memory_space<vmem_shared>> -> memref<208x64xf32, #tpu.memory_space<vmem_shared>>
      %dma_start3A_84 = arith.constant 0 : i32
      %dma_start3A_85 = tpu.memref_slice %arg13[%multiple_of3A_17, %dma_start3A_84] : memref<10000x64xf32, #tpu.memory_space<vmem_shared>> -> memref<208x64xf32, #tpu.memory_space<vmem_shared>>
      %dma_start3A_86 = arith.constant 0 : i32
      %dma_start3A_87 = arith.constant 0 : i32
      %dma_start3A_88 = tpu.memref_slice %arg12[%dma_start3A_86, %dma_start3A_87] : memref<208x64xf32, #tpu.memory_space<vmem>> -> memref<208x64xf32, #tpu.memory_space<vmem>>
      tpu.enqueue_dma source(%dma_start3A_88 : memref<208x64xf32, #tpu.memory_space<vmem>>) target(%dma_start3A_85 : memref<208x64xf32, #tpu.memory_space<vmem_shared>>) target_semaphore(%run_scoped3A : memref<!tpu.dma_semaphore, #tpu.memory_space<semaphore_mem>>)
      %dma_wait3A_89 = arith.constant 0 : i32
      %dma_wait3A_90 = arith.constant 0 : i32
      %dma_wait3A_91 = tpu.memref_slice %arg12[%dma_wait3A_89, %dma_wait3A_90] : memref<208x64xf32, #tpu.memory_space<vmem>> -> memref<208x64xf32, #tpu.memory_space<vmem>>
      %dma_wait3A_92 = arith.constant 0 : i32
      %dma_wait3A_93 = tpu.memref_slice %arg13[%multiple_of3A_17, %dma_wait3A_92] : memref<10000x64xf32, #tpu.memory_space<vmem_shared>> -> memref<208x64xf32, #tpu.memory_space<vmem_shared>>
      %dma_wait3A_94 = arith.constant 0 : i32
      %dma_wait3A_95 = tpu.memref_slice %arg13[%multiple_of3A_17, %dma_wait3A_94] : memref<10000x64xf32, #tpu.memory_space<vmem_shared>> -> memref<208x64xf32, #tpu.memory_space<vmem_shared>>
      %dma_wait3A_96 = arith.constant 0 : i32
      %dma_wait3A_97 = arith.constant 0 : i32
      %dma_wait3A_98 = tpu.memref_slice %arg12[%dma_wait3A_96, %dma_wait3A_97] : memref<208x64xf32, #tpu.memory_space<vmem>> -> memref<208x64xf32, #tpu.memory_space<vmem>>
      tpu.wait_dma2 semaphore(%run_scoped3A : memref<!tpu.dma_semaphore, #tpu.memory_space<semaphore_mem>>) src(%dma_wait3A_98 : memref<208x64xf32, #tpu.memory_space<vmem>>) dst(%dma_wait3A_95 : memref<208x64xf32, #tpu.memory_space<vmem_shared>>)
      tpu.yield
    }) : () -> ()
    %eq3A = arith.constant 15 : i32
    %eq3A_18 = arith.cmpi eq, %arg1, %eq3A : i32
    %convert_element_type3A = arith.extui %eq3A_18 : i1 to i32
    %cond3A = arith.constant 0 : i32
    %cond3A_19 = arith.cmpi ne, %convert_element_type3A, %cond3A : i32
    scf.if %cond3A_19 {
      "tpu.region"() ({
        %run_scoped3A = tpu.sem_alloc : memref<!tpu.dma_semaphore, #tpu.memory_space<semaphore_mem>>
        %dma_start3A_79 = arith.constant 0 : i32
        %dma_start3A_80 = arith.constant 0 : i32
        %dma_start3A_81 = tpu.memref_slice %arg12[%dma_start3A_79, %dma_start3A_80] : memref<208x64xf32, #tpu.memory_space<vmem>> -> memref<16x64xf32, #tpu.memory_space<vmem>>
        %dma_start3A_82 = arith.constant 9984 : i32
        %dma_start3A_83 = arith.constant 0 : i32
        %dma_start3A_84 = tpu.memref_slice %arg13[%dma_start3A_82, %dma_start3A_83] : memref<10000x64xf32, #tpu.memory_space<vmem_shared>> -> memref<16x64xf32, #tpu.memory_space<vmem_shared>>
        %dma_start3A_85 = arith.constant 9984 : i32
        %dma_start3A_86 = arith.constant 0 : i32
        %dma_start3A_87 = tpu.memref_slice %arg13[%dma_start3A_85, %dma_start3A_86] : memref<10000x64xf32, #tpu.memory_space<vmem_shared>> -> memref<16x64xf32, #tpu.memory_space<vmem_shared>>
        %dma_start3A_88 = arith.constant 0 : i32
        %dma_start3A_89 = arith.constant 0 : i32
        %dma_start3A_90 = tpu.memref_slice %arg12[%dma_start3A_88, %dma_start3A_89] : memref<208x64xf32, #tpu.memory_space<vmem>> -> memref<16x64xf32, #tpu.memory_space<vmem>>
        tpu.enqueue_dma source(%dma_start3A_90 : memref<16x64xf32, #tpu.memory_space<vmem>>) target(%dma_start3A_87 : memref<16x64xf32, #tpu.memory_space<vmem_shared>>) target_semaphore(%run_scoped3A : memref<!tpu.dma_semaphore, #tpu.memory_space<semaphore_mem>>)
        %dma_wait3A_91 = arith.constant 0 : i32
        %dma_wait3A_92 = arith.constant 0 : i32
        %dma_wait3A_93 = tpu.memref_slice %arg12[%dma_wait3A_91, %dma_wait3A_92] : memref<208x64xf32, #tpu.memory_space<vmem>> -> memref<16x64xf32, #tpu.memory_space<vmem>>
        %dma_wait3A_94 = arith.constant 9984 : i32
        %dma_wait3A_95 = arith.constant 0 : i32
        %dma_wait3A_96 = tpu.memref_slice %arg13[%dma_wait3A_94, %dma_wait3A_95] : memref<10000x64xf32, #tpu.memory_space<vmem_shared>> -> memref<16x64xf32, #tpu.memory_space<vmem_shared>>
        %dma_wait3A_97 = arith.constant 9984 : i32
        %dma_wait3A_98 = arith.constant 0 : i32
        %dma_wait3A_99 = tpu.memref_slice %arg13[%dma_wait3A_97, %dma_wait3A_98] : memref<10000x64xf32, #tpu.memory_space<vmem_shared>> -> memref<16x64xf32, #tpu.memory_space<vmem_shared>>
        %dma_wait3A_100 = arith.constant 0 : i32
        %dma_wait3A_101 = arith.constant 0 : i32
        %dma_wait3A_102 = tpu.memref_slice %arg12[%dma_wait3A_100, %dma_wait3A_101] : memref<208x64xf32, #tpu.memory_space<vmem>> -> memref<16x64xf32, #tpu.memory_space<vmem>>
        tpu.wait_dma2 semaphore(%run_scoped3A : memref<!tpu.dma_semaphore, #tpu.memory_space<semaphore_mem>>) src(%dma_wait3A_102 : memref<16x64xf32, #tpu.memory_space<vmem>>) dst(%dma_wait3A_99 : memref<16x64xf32, #tpu.memory_space<vmem_shared>>)
        tpu.yield
      }) : () -> ()
    } else {
    }
    %barrier3A = arith.constant 0 : index
    tpu.barrier barrier_id(%barrier3A)
    %dma_start3A = arith.constant 0 : i32
    %dma_start3A_20 = arith.constant 0 : i32
    %dma_start3A_21 = tpu.memref_slice %arg6[%dma_start3A, %dma_start3A_20] : memref<160x125xi32, #tpu.memory_space<vmem>> -> memref<1x125xi32, #tpu.memory_space<vmem>>
    %dma_start3A_22 = tpu.memref_squeeze %dma_start3A_21 : memref<1x125xi32, #tpu.memory_space<vmem>> -> memref<125xi32, #tpu.memory_space<vmem>>
    %dma_start3A_23 = arith.constant 0 : i32
    %dma_start3A_24 = arith.constant 0 : i32
    %dma_start3A_25 = tpu.memref_slice %arg2[%dma_start3A_23, %dma_start3A_24] : memref<20000x64xf32, #tpu.memory_space<hbm>> -> memref<20000x64xf32, #tpu.memory_space<hbm>>
    tpu.enqueue_indirect_dma source(%dma_start3A_25 : memref<20000x64xf32, #tpu.memory_space<hbm>>) target(%arg8 : memref<125x64xf32, #tpu.memory_space<vmem>>) offsets(%dma_start3A_22 : memref<125xi32, #tpu.memory_space<vmem>>) semaphore(%arg14 : memref<!tpu.dma_semaphore, #tpu.memory_space<semaphore_mem>>)
    %dma_start3A_26 = arith.constant 1 : i32
    %dma_start3A_27 = arith.constant 0 : i32
    %dma_start3A_28 = tpu.memref_slice %arg6[%dma_start3A_26, %dma_start3A_27] : memref<160x125xi32, #tpu.memory_space<vmem>> -> memref<1x125xi32, #tpu.memory_space<vmem>>
    %dma_start3A_29 = tpu.memref_squeeze %dma_start3A_28 : memref<1x125xi32, #tpu.memory_space<vmem>> -> memref<125xi32, #tpu.memory_space<vmem>>
    %dma_start3A_30 = arith.constant 0 : i32
    %dma_start3A_31 = arith.constant 0 : i32
    %dma_start3A_32 = tpu.memref_slice %arg2[%dma_start3A_30, %dma_start3A_31] : memref<20000x64xf32, #tpu.memory_space<hbm>> -> memref<20000x64xf32, #tpu.memory_space<hbm>>
    tpu.enqueue_indirect_dma source(%dma_start3A_32 : memref<20000x64xf32, #tpu.memory_space<hbm>>) target(%arg9 : memref<125x64xf32, #tpu.memory_space<vmem>>) offsets(%dma_start3A_29 : memref<125xi32, #tpu.memory_space<vmem>>) semaphore(%arg15 : memref<!tpu.dma_semaphore, #tpu.memory_space<semaphore_mem>>)
    %scan3A_33 = arith.constant 0 : i32
    %scan3A_34 = arith.constant 0 : i32
    %scan3A_35 = arith.constant 40 : i32
    %scan3A_36 = arith.addi %scan3A_34, %scan3A_35 : i32
    %scan3A_37 = arith.constant 1 : i32
    scf.for %scan3A_79 = %scan3A_34 to %scan3A_36 step %scan3A_37  : i32 {
      %mul3A_80 = arith.constant 4 : i32
      %mul3A_81 = arith.muli %scan3A_79, %mul3A_80 : i32
      %add3A_82 = arith.constant 0 : i32
      %add3A_83 = arith.addi %mul3A_81, %add3A_82 : i32
      %ge3A = arith.constant 2 : i32
      %ge3A_84 = arith.cmpi sge, %add3A_83, %ge3A : i32
      %convert_element_type3A_85 = arith.extui %ge3A_84 : i1 to i32
      %cond3A_86 = arith.constant 0 : i32
      %cond3A_87 = arith.cmpi ne, %convert_element_type3A_85, %cond3A_86 : i32
      scf.if %cond3A_87 {
        %dma_wait3A_194 = arith.constant 0 : i32
        %dma_wait3A_195 = arith.constant 0 : i32
        %dma_wait3A_196 = tpu.memref_slice %arg7[%dma_wait3A_194, %dma_wait3A_195] : memref<160x125xi32, #tpu.memory_space<vmem>> -> memref<1x125xi32, #tpu.memory_space<vmem>>
        %dma_wait3A_197 = tpu.memref_squeeze %dma_wait3A_196 : memref<1x125xi32, #tpu.memory_space<vmem>> -> memref<125xi32, #tpu.memory_space<vmem>>
        %dma_wait3A_198 = arith.constant 0 : i32
        %dma_wait3A_199 = arith.constant 0 : i32
        %dma_wait3A_200 = tpu.memref_slice %arg13[%dma_wait3A_198, %dma_wait3A_199] : memref<10000x64xf32, #tpu.memory_space<vmem_shared>> -> memref<10000x64xf32, #tpu.memory_space<vmem_shared>>
        tpu.wait_indirect_dma semaphore(%arg20 : memref<!tpu.dma_semaphore, #tpu.memory_space<semaphore_mem>>) src(%arg10 : memref<125x64xf32, #tpu.memory_space<vmem>>) dst(%dma_wait3A_200 : memref<10000x64xf32, #tpu.memory_space<vmem_shared>>)
      } else {
      }
      %add3A_88 = arith.constant 2 : i32
      %add3A_89 = arith.addi %add3A_83, %add3A_88 : i32
      %lt3A = arith.constant 160 : i32
      %lt3A_90 = arith.cmpi slt, %add3A_89, %lt3A : i32
      %convert_element_type3A_91 = arith.extui %lt3A_90 : i1 to i32
      %cond3A_92 = arith.constant 0 : i32
      %cond3A_93 = arith.cmpi ne, %convert_element_type3A_91, %cond3A_92 : i32
      scf.if %cond3A_93 {
        %add3A_194 = arith.constant 2 : i32
        %add3A_195 = arith.addi %add3A_83, %add3A_194 : i32
        %dma_start3A_196 = arith.constant 0 : i32
        %dma_start3A_197 = tpu.memref_slice %arg6[%add3A_195, %dma_start3A_196] : memref<160x125xi32, #tpu.memory_space<vmem>> -> memref<1x125xi32, #tpu.memory_space<vmem>>
        %dma_start3A_198 = tpu.memref_squeeze %dma_start3A_197 : memref<1x125xi32, #tpu.memory_space<vmem>> -> memref<125xi32, #tpu.memory_space<vmem>>
        %dma_start3A_199 = arith.constant 0 : i32
        %dma_start3A_200 = arith.constant 0 : i32
        %dma_start3A_201 = tpu.memref_slice %arg2[%dma_start3A_199, %dma_start3A_200] : memref<20000x64xf32, #tpu.memory_space<hbm>> -> memref<20000x64xf32, #tpu.memory_space<hbm>>
        tpu.enqueue_indirect_dma source(%dma_start3A_201 : memref<20000x64xf32, #tpu.memory_space<hbm>>) target(%arg10 : memref<125x64xf32, #tpu.memory_space<vmem>>) offsets(%dma_start3A_198 : memref<125xi32, #tpu.memory_space<vmem>>) semaphore(%arg16 : memref<!tpu.dma_semaphore, #tpu.memory_space<semaphore_mem>>)
      } else {
      }
      %dma_wait3A_94 = arith.constant 0 : i32
      %dma_wait3A_95 = arith.constant 0 : i32
      %dma_wait3A_96 = tpu.memref_slice %arg6[%dma_wait3A_94, %dma_wait3A_95] : memref<160x125xi32, #tpu.memory_space<vmem>> -> memref<1x125xi32, #tpu.memory_space<vmem>>
      %dma_wait3A_97 = tpu.memref_squeeze %dma_wait3A_96 : memref<1x125xi32, #tpu.memory_space<vmem>> -> memref<125xi32, #tpu.memory_space<vmem>>
      %dma_wait3A_98 = arith.constant 0 : i32
      %dma_wait3A_99 = arith.constant 0 : i32
      %dma_wait3A_100 = tpu.memref_slice %arg2[%dma_wait3A_98, %dma_wait3A_99] : memref<20000x64xf32, #tpu.memory_space<hbm>> -> memref<20000x64xf32, #tpu.memory_space<hbm>>
      tpu.wait_indirect_dma semaphore(%arg14 : memref<!tpu.dma_semaphore, #tpu.memory_space<semaphore_mem>>) src(%dma_wait3A_100 : memref<20000x64xf32, #tpu.memory_space<hbm>>) dst(%arg8 : memref<125x64xf32, #tpu.memory_space<vmem>>)
      %dma_start3A_101 = arith.constant 0 : i32
      %dma_start3A_102 = tpu.memref_slice %arg7[%add3A_83, %dma_start3A_101] : memref<160x125xi32, #tpu.memory_space<vmem>> -> memref<1x125xi32, #tpu.memory_space<vmem>>
      %dma_start3A_103 = tpu.memref_squeeze %dma_start3A_102 : memref<1x125xi32, #tpu.memory_space<vmem>> -> memref<125xi32, #tpu.memory_space<vmem>>
      %dma_start3A_104 = arith.constant 0 : i32
      %dma_start3A_105 = arith.constant 0 : i32
      %dma_start3A_106 = tpu.memref_slice %arg13[%dma_start3A_104, %dma_start3A_105] : memref<10000x64xf32, #tpu.memory_space<vmem_shared>> -> memref<10000x64xf32, #tpu.memory_space<vmem_shared>>
      tpu.enqueue_indirect_dma source(%arg8 : memref<125x64xf32, #tpu.memory_space<vmem>>) target(%dma_start3A_106 : memref<10000x64xf32, #tpu.memory_space<vmem_shared>>) offsets(%dma_start3A_103 : memref<125xi32, #tpu.memory_space<vmem>>) semaphore(%arg18 : memref<!tpu.dma_semaphore, #tpu.memory_space<semaphore_mem>>) {add = true}
      %mul3A_107 = arith.constant 4 : i32
      %mul3A_108 = arith.muli %scan3A_79, %mul3A_107 : i32
      %add3A_109 = arith.constant 1 : i32
      %add3A_110 = arith.addi %mul3A_108, %add3A_109 : i32
      %ge3A_111 = arith.constant 2 : i32
      %ge3A_112 = arith.cmpi sge, %add3A_110, %ge3A_111 : i32
      %convert_element_type3A_113 = arith.extui %ge3A_112 : i1 to i32
      %cond3A_114 = arith.constant 0 : i32
      %cond3A_115 = arith.cmpi ne, %convert_element_type3A_113, %cond3A_114 : i32
      scf.if %cond3A_115 {
        %dma_wait3A_194 = arith.constant 0 : i32
        %dma_wait3A_195 = arith.constant 0 : i32
        %dma_wait3A_196 = tpu.memref_slice %arg7[%dma_wait3A_194, %dma_wait3A_195] : memref<160x125xi32, #tpu.memory_space<vmem>> -> memref<1x125xi32, #tpu.memory_space<vmem>>
        %dma_wait3A_197 = tpu.memref_squeeze %dma_wait3A_196 : memref<1x125xi32, #tpu.memory_space<vmem>> -> memref<125xi32, #tpu.memory_space<vmem>>
        %dma_wait3A_198 = arith.constant 0 : i32
        %dma_wait3A_199 = arith.constant 0 : i32
        %dma_wait3A_200 = tpu.memref_slice %arg13[%dma_wait3A_198, %dma_wait3A_199] : memref<10000x64xf32, #tpu.memory_space<vmem_shared>> -> memref<10000x64xf32, #tpu.memory_space<vmem_shared>>
        tpu.wait_indirect_dma semaphore(%arg21 : memref<!tpu.dma_semaphore, #tpu.memory_space<semaphore_mem>>) src(%arg11 : memref<125x64xf32, #tpu.memory_space<vmem>>) dst(%dma_wait3A_200 : memref<10000x64xf32, #tpu.memory_space<vmem_shared>>)
      } else {
      }
      %add3A_116 = arith.constant 2 : i32
      %add3A_117 = arith.addi %add3A_110, %add3A_116 : i32
      %lt3A_118 = arith.constant 160 : i32
      %lt3A_119 = arith.cmpi slt, %add3A_117, %lt3A_118 : i32
      %convert_element_type3A_120 = arith.extui %lt3A_119 : i1 to i32
      %cond3A_121 = arith.constant 0 : i32
      %cond3A_122 = arith.cmpi ne, %convert_element_type3A_120, %cond3A_121 : i32
      scf.if %cond3A_122 {
        %add3A_194 = arith.constant 2 : i32
        %add3A_195 = arith.addi %add3A_110, %add3A_194 : i32
        %dma_start3A_196 = arith.constant 0 : i32
        %dma_start3A_197 = tpu.memref_slice %arg6[%add3A_195, %dma_start3A_196] : memref<160x125xi32, #tpu.memory_space<vmem>> -> memref<1x125xi32, #tpu.memory_space<vmem>>
        %dma_start3A_198 = tpu.memref_squeeze %dma_start3A_197 : memref<1x125xi32, #tpu.memory_space<vmem>> -> memref<125xi32, #tpu.memory_space<vmem>>
        %dma_start3A_199 = arith.constant 0 : i32
        %dma_start3A_200 = arith.constant 0 : i32
        %dma_start3A_201 = tpu.memref_slice %arg2[%dma_start3A_199, %dma_start3A_200] : memref<20000x64xf32, #tpu.memory_space<hbm>> -> memref<20000x64xf32, #tpu.memory_space<hbm>>
        tpu.enqueue_indirect_dma source(%dma_start3A_201 : memref<20000x64xf32, #tpu.memory_space<hbm>>) target(%arg11 : memref<125x64xf32, #tpu.memory_space<vmem>>) offsets(%dma_start3A_198 : memref<125xi32, #tpu.memory_space<vmem>>) semaphore(%arg17 : memref<!tpu.dma_semaphore, #tpu.memory_space<semaphore_mem>>)
      } else {
      }
      %dma_wait3A_123 = arith.constant 0 : i32
      %dma_wait3A_124 = arith.constant 0 : i32
      %dma_wait3A_125 = tpu.memref_slice %arg6[%dma_wait3A_123, %dma_wait3A_124] : memref<160x125xi32, #tpu.memory_space<vmem>> -> memref<1x125xi32, #tpu.memory_space<vmem>>
      %dma_wait3A_126 = tpu.memref_squeeze %dma_wait3A_125 : memref<1x125xi32, #tpu.memory_space<vmem>> -> memref<125xi32, #tpu.memory_space<vmem>>
      %dma_wait3A_127 = arith.constant 0 : i32
      %dma_wait3A_128 = arith.constant 0 : i32
      %dma_wait3A_129 = tpu.memref_slice %arg2[%dma_wait3A_127, %dma_wait3A_128] : memref<20000x64xf32, #tpu.memory_space<hbm>> -> memref<20000x64xf32, #tpu.memory_space<hbm>>
      tpu.wait_indirect_dma semaphore(%arg15 : memref<!tpu.dma_semaphore, #tpu.memory_space<semaphore_mem>>) src(%dma_wait3A_129 : memref<20000x64xf32, #tpu.memory_space<hbm>>) dst(%arg9 : memref<125x64xf32, #tpu.memory_space<vmem>>)
      %dma_start3A_130 = arith.constant 0 : i32
      %dma_start3A_131 = tpu.memref_slice %arg7[%add3A_110, %dma_start3A_130] : memref<160x125xi32, #tpu.memory_space<vmem>> -> memref<1x125xi32, #tpu.memory_space<vmem>>
      %dma_start3A_132 = tpu.memref_squeeze %dma_start3A_131 : memref<1x125xi32, #tpu.memory_space<vmem>> -> memref<125xi32, #tpu.memory_space<vmem>>
      %dma_start3A_133 = arith.constant 0 : i32
      %dma_start3A_134 = arith.constant 0 : i32
      %dma_start3A_135 = tpu.memref_slice %arg13[%dma_start3A_133, %dma_start3A_134] : memref<10000x64xf32, #tpu.memory_space<vmem_shared>> -> memref<10000x64xf32, #tpu.memory_space<vmem_shared>>
      tpu.enqueue_indirect_dma source(%arg9 : memref<125x64xf32, #tpu.memory_space<vmem>>) target(%dma_start3A_135 : memref<10000x64xf32, #tpu.memory_space<vmem_shared>>) offsets(%dma_start3A_132 : memref<125xi32, #tpu.memory_space<vmem>>) semaphore(%arg19 : memref<!tpu.dma_semaphore, #tpu.memory_space<semaphore_mem>>) {add = true}
      %mul3A_136 = arith.constant 4 : i32
      %mul3A_137 = arith.muli %scan3A_79, %mul3A_136 : i32
      %add3A_138 = arith.constant 2 : i32
      %add3A_139 = arith.addi %mul3A_137, %add3A_138 : i32
      %ge3A_140 = arith.constant 2 : i32
      %ge3A_141 = arith.cmpi sge, %add3A_139, %ge3A_140 : i32
      %convert_element_type3A_142 = arith.extui %ge3A_141 : i1 to i32
      %cond3A_143 = arith.constant 0 : i32
      %cond3A_144 = arith.cmpi ne, %convert_element_type3A_142, %cond3A_143 : i32
      scf.if %cond3A_144 {
        %dma_wait3A_194 = arith.constant 0 : i32
        %dma_wait3A_195 = arith.constant 0 : i32
        %dma_wait3A_196 = tpu.memref_slice %arg7[%dma_wait3A_194, %dma_wait3A_195] : memref<160x125xi32, #tpu.memory_space<vmem>> -> memref<1x125xi32, #tpu.memory_space<vmem>>
        %dma_wait3A_197 = tpu.memref_squeeze %dma_wait3A_196 : memref<1x125xi32, #tpu.memory_space<vmem>> -> memref<125xi32, #tpu.memory_space<vmem>>
        %dma_wait3A_198 = arith.constant 0 : i32
        %dma_wait3A_199 = arith.constant 0 : i32
        %dma_wait3A_200 = tpu.memref_slice %arg13[%dma_wait3A_198, %dma_wait3A_199] : memref<10000x64xf32, #tpu.memory_space<vmem_shared>> -> memref<10000x64xf32, #tpu.memory_space<vmem_shared>>
        tpu.wait_indirect_dma semaphore(%arg18 : memref<!tpu.dma_semaphore, #tpu.memory_space<semaphore_mem>>) src(%arg8 : memref<125x64xf32, #tpu.memory_space<vmem>>) dst(%dma_wait3A_200 : memref<10000x64xf32, #tpu.memory_space<vmem_shared>>)
      } else {
      }
      %add3A_145 = arith.constant 2 : i32
      %add3A_146 = arith.addi %add3A_139, %add3A_145 : i32
      %lt3A_147 = arith.constant 160 : i32
      %lt3A_148 = arith.cmpi slt, %add3A_146, %lt3A_147 : i32
      %convert_element_type3A_149 = arith.extui %lt3A_148 : i1 to i32
      %cond3A_150 = arith.constant 0 : i32
      %cond3A_151 = arith.cmpi ne, %convert_element_type3A_149, %cond3A_150 : i32
      scf.if %cond3A_151 {
        %add3A_194 = arith.constant 2 : i32
        %add3A_195 = arith.addi %add3A_139, %add3A_194 : i32
        %dma_start3A_196 = arith.constant 0 : i32
        %dma_start3A_197 = tpu.memref_slice %arg6[%add3A_195, %dma_start3A_196] : memref<160x125xi32, #tpu.memory_space<vmem>> -> memref<1x125xi32, #tpu.memory_space<vmem>>
        %dma_start3A_198 = tpu.memref_squeeze %dma_start3A_197 : memref<1x125xi32, #tpu.memory_space<vmem>> -> memref<125xi32, #tpu.memory_space<vmem>>
        %dma_start3A_199 = arith.constant 0 : i32
        %dma_start3A_200 = arith.constant 0 : i32
        %dma_start3A_201 = tpu.memref_slice %arg2[%dma_start3A_199, %dma_start3A_200] : memref<20000x64xf32, #tpu.memory_space<hbm>> -> memref<20000x64xf32, #tpu.memory_space<hbm>>
        tpu.enqueue_indirect_dma source(%dma_start3A_201 : memref<20000x64xf32, #tpu.memory_space<hbm>>) target(%arg8 : memref<125x64xf32, #tpu.memory_space<vmem>>) offsets(%dma_start3A_198 : memref<125xi32, #tpu.memory_space<vmem>>) semaphore(%arg14 : memref<!tpu.dma_semaphore, #tpu.memory_space<semaphore_mem>>)
      } else {
      }
      %dma_wait3A_152 = arith.constant 0 : i32
      %dma_wait3A_153 = arith.constant 0 : i32
      %dma_wait3A_154 = tpu.memref_slice %arg6[%dma_wait3A_152, %dma_wait3A_153] : memref<160x125xi32, #tpu.memory_space<vmem>> -> memref<1x125xi32, #tpu.memory_space<vmem>>
      %dma_wait3A_155 = tpu.memref_squeeze %dma_wait3A_154 : memref<1x125xi32, #tpu.memory_space<vmem>> -> memref<125xi32, #tpu.memory_space<vmem>>
      %dma_wait3A_156 = arith.constant 0 : i32
      %dma_wait3A_157 = arith.constant 0 : i32
      %dma_wait3A_158 = tpu.memref_slice %arg2[%dma_wait3A_156, %dma_wait3A_157] : memref<20000x64xf32, #tpu.memory_space<hbm>> -> memref<20000x64xf32, #tpu.memory_space<hbm>>
      tpu.wait_indirect_dma semaphore(%arg16 : memref<!tpu.dma_semaphore, #tpu.memory_space<semaphore_mem>>) src(%dma_wait3A_158 : memref<20000x64xf32, #tpu.memory_space<hbm>>) dst(%arg10 : memref<125x64xf32, #tpu.memory_space<vmem>>)
      %dma_start3A_159 = arith.constant 0 : i32
      %dma_start3A_160 = tpu.memref_slice %arg7[%add3A_139, %dma_start3A_159] : memref<160x125xi32, #tpu.memory_space<vmem>> -> memref<1x125xi32, #tpu.memory_space<vmem>>
      %dma_start3A_161 = tpu.memref_squeeze %dma_start3A_160 : memref<1x125xi32, #tpu.memory_space<vmem>> -> memref<125xi32, #tpu.memory_space<vmem>>
      %dma_start3A_162 = arith.constant 0 : i32
      %dma_start3A_163 = arith.constant 0 : i32
      %dma_start3A_164 = tpu.memref_slice %arg13[%dma_start3A_162, %dma_start3A_163] : memref<10000x64xf32, #tpu.memory_space<vmem_shared>> -> memref<10000x64xf32, #tpu.memory_space<vmem_shared>>
      tpu.enqueue_indirect_dma source(%arg10 : memref<125x64xf32, #tpu.memory_space<vmem>>) target(%dma_start3A_164 : memref<10000x64xf32, #tpu.memory_space<vmem_shared>>) offsets(%dma_start3A_161 : memref<125xi32, #tpu.memory_space<vmem>>) semaphore(%arg20 : memref<!tpu.dma_semaphore, #tpu.memory_space<semaphore_mem>>) {add = true}
      %mul3A_165 = arith.constant 4 : i32
      %mul3A_166 = arith.muli %scan3A_79, %mul3A_165 : i32
      %add3A_167 = arith.constant 3 : i32
      %add3A_168 = arith.addi %mul3A_166, %add3A_167 : i32
      %ge3A_169 = arith.constant 2 : i32
      %ge3A_170 = arith.cmpi sge, %add3A_168, %ge3A_169 : i32
      %convert_element_type3A_171 = arith.extui %ge3A_170 : i1 to i32
      %cond3A_172 = arith.constant 0 : i32
      %cond3A_173 = arith.cmpi ne, %convert_element_type3A_171, %cond3A_172 : i32
      scf.if %cond3A_173 {
        %dma_wait3A_194 = arith.constant 0 : i32
        %dma_wait3A_195 = arith.constant 0 : i32
        %dma_wait3A_196 = tpu.memref_slice %arg7[%dma_wait3A_194, %dma_wait3A_195] : memref<160x125xi32, #tpu.memory_space<vmem>> -> memref<1x125xi32, #tpu.memory_space<vmem>>
        %dma_wait3A_197 = tpu.memref_squeeze %dma_wait3A_196 : memref<1x125xi32, #tpu.memory_space<vmem>> -> memref<125xi32, #tpu.memory_space<vmem>>
        %dma_wait3A_198 = arith.constant 0 : i32
        %dma_wait3A_199 = arith.constant 0 : i32
        %dma_wait3A_200 = tpu.memref_slice %arg13[%dma_wait3A_198, %dma_wait3A_199] : memref<10000x64xf32, #tpu.memory_space<vmem_shared>> -> memref<10000x64xf32, #tpu.memory_space<vmem_shared>>
        tpu.wait_indirect_dma semaphore(%arg19 : memref<!tpu.dma_semaphore, #tpu.memory_space<semaphore_mem>>) src(%arg9 : memref<125x64xf32, #tpu.memory_space<vmem>>) dst(%dma_wait3A_200 : memref<10000x64xf32, #tpu.memory_space<vmem_shared>>)
      } else {
      }
      %add3A_174 = arith.constant 2 : i32
      %add3A_175 = arith.addi %add3A_168, %add3A_174 : i32
      %lt3A_176 = arith.constant 160 : i32
      %lt3A_177 = arith.cmpi slt, %add3A_175, %lt3A_176 : i32
      %convert_element_type3A_178 = arith.extui %lt3A_177 : i1 to i32
      %cond3A_179 = arith.constant 0 : i32
      %cond3A_180 = arith.cmpi ne, %convert_element_type3A_178, %cond3A_179 : i32
      scf.if %cond3A_180 {
        %add3A_194 = arith.constant 2 : i32
        %add3A_195 = arith.addi %add3A_168, %add3A_194 : i32
        %dma_start3A_196 = arith.constant 0 : i32
        %dma_start3A_197 = tpu.memref_slice %arg6[%add3A_195, %dma_start3A_196] : memref<160x125xi32, #tpu.memory_space<vmem>> -> memref<1x125xi32, #tpu.memory_space<vmem>>
        %dma_start3A_198 = tpu.memref_squeeze %dma_start3A_197 : memref<1x125xi32, #tpu.memory_space<vmem>> -> memref<125xi32, #tpu.memory_space<vmem>>
        %dma_start3A_199 = arith.constant 0 : i32
        %dma_start3A_200 = arith.constant 0 : i32
        %dma_start3A_201 = tpu.memref_slice %arg2[%dma_start3A_199, %dma_start3A_200] : memref<20000x64xf32, #tpu.memory_space<hbm>> -> memref<20000x64xf32, #tpu.memory_space<hbm>>
        tpu.enqueue_indirect_dma source(%dma_start3A_201 : memref<20000x64xf32, #tpu.memory_space<hbm>>) target(%arg9 : memref<125x64xf32, #tpu.memory_space<vmem>>) offsets(%dma_start3A_198 : memref<125xi32, #tpu.memory_space<vmem>>) semaphore(%arg15 : memref<!tpu.dma_semaphore, #tpu.memory_space<semaphore_mem>>)
      } else {
      }
      %dma_wait3A_181 = arith.constant 0 : i32
      %dma_wait3A_182 = arith.constant 0 : i32
      %dma_wait3A_183 = tpu.memref_slice %arg6[%dma_wait3A_181, %dma_wait3A_182] : memref<160x125xi32, #tpu.memory_space<vmem>> -> memref<1x125xi32, #tpu.memory_space<vmem>>
      %dma_wait3A_184 = tpu.memref_squeeze %dma_wait3A_183 : memref<1x125xi32, #tpu.memory_space<vmem>> -> memref<125xi32, #tpu.memory_space<vmem>>
      %dma_wait3A_185 = arith.constant 0 : i32
      %dma_wait3A_186 = arith.constant 0 : i32
      %dma_wait3A_187 = tpu.memref_slice %arg2[%dma_wait3A_185, %dma_wait3A_186] : memref<20000x64xf32, #tpu.memory_space<hbm>> -> memref<20000x64xf32, #tpu.memory_space<hbm>>
      tpu.wait_indirect_dma semaphore(%arg17 : memref<!tpu.dma_semaphore, #tpu.memory_space<semaphore_mem>>) src(%dma_wait3A_187 : memref<20000x64xf32, #tpu.memory_space<hbm>>) dst(%arg11 : memref<125x64xf32, #tpu.memory_space<vmem>>)
      %dma_start3A_188 = arith.constant 0 : i32
      %dma_start3A_189 = tpu.memref_slice %arg7[%add3A_168, %dma_start3A_188] : memref<160x125xi32, #tpu.memory_space<vmem>> -> memref<1x125xi32, #tpu.memory_space<vmem>>
      %dma_start3A_190 = tpu.memref_squeeze %dma_start3A_189 : memref<1x125xi32, #tpu.memory_space<vmem>> -> memref<125xi32, #tpu.memory_space<vmem>>
      %dma_start3A_191 = arith.constant 0 : i32
      %dma_start3A_192 = arith.constant 0 : i32
      %dma_start3A_193 = tpu.memref_slice %arg13[%dma_start3A_191, %dma_start3A_192] : memref<10000x64xf32, #tpu.memory_space<vmem_shared>> -> memref<10000x64xf32, #tpu.memory_space<vmem_shared>>
      tpu.enqueue_indirect_dma source(%arg11 : memref<125x64xf32, #tpu.memory_space<vmem>>) target(%dma_start3A_193 : memref<10000x64xf32, #tpu.memory_space<vmem_shared>>) offsets(%dma_start3A_190 : memref<125xi32, #tpu.memory_space<vmem>>) semaphore(%arg21 : memref<!tpu.dma_semaphore, #tpu.memory_space<semaphore_mem>>) {add = true}
    }
    %scan3A_38 = arith.constant 40 : i32
    %dma_wait3A = arith.constant 0 : i32
    %dma_wait3A_39 = arith.constant 0 : i32
    %dma_wait3A_40 = tpu.memref_slice %arg7[%dma_wait3A, %dma_wait3A_39] : memref<160x125xi32, #tpu.memory_space<vmem>> -> memref<1x125xi32, #tpu.memory_space<vmem>>
    %dma_wait3A_41 = tpu.memref_squeeze %dma_wait3A_40 : memref<1x125xi32, #tpu.memory_space<vmem>> -> memref<125xi32, #tpu.memory_space<vmem>>
    %dma_wait3A_42 = arith.constant 0 : i32
    %dma_wait3A_43 = arith.constant 0 : i32
    %dma_wait3A_44 = tpu.memref_slice %arg13[%dma_wait3A_42, %dma_wait3A_43] : memref<10000x64xf32, #tpu.memory_space<vmem_shared>> -> memref<10000x64xf32, #tpu.memory_space<vmem_shared>>
    tpu.wait_indirect_dma semaphore(%arg20 : memref<!tpu.dma_semaphore, #tpu.memory_space<semaphore_mem>>) src(%arg10 : memref<125x64xf32, #tpu.memory_space<vmem>>) dst(%dma_wait3A_44 : memref<10000x64xf32, #tpu.memory_space<vmem_shared>>)
    %dma_wait3A_45 = arith.constant 0 : i32
    %dma_wait3A_46 = arith.constant 0 : i32
    %dma_wait3A_47 = tpu.memref_slice %arg7[%dma_wait3A_45, %dma_wait3A_46] : memref<160x125xi32, #tpu.memory_space<vmem>> -> memref<1x125xi32, #tpu.memory_space<vmem>>
    %dma_wait3A_48 = tpu.memref_squeeze %dma_wait3A_47 : memref<1x125xi32, #tpu.memory_space<vmem>> -> memref<125xi32, #tpu.memory_space<vmem>>
    %dma_wait3A_49 = arith.constant 0 : i32
    %dma_wait3A_50 = arith.constant 0 : i32
    %dma_wait3A_51 = tpu.memref_slice %arg13[%dma_wait3A_49, %dma_wait3A_50] : memref<10000x64xf32, #tpu.memory_space<vmem_shared>> -> memref<10000x64xf32, #tpu.memory_space<vmem_shared>>
    tpu.wait_indirect_dma semaphore(%arg21 : memref<!tpu.dma_semaphore, #tpu.memory_space<semaphore_mem>>) src(%arg11 : memref<125x64xf32, #tpu.memory_space<vmem>>) dst(%dma_wait3A_51 : memref<10000x64xf32, #tpu.memory_space<vmem_shared>>)
    %barrier3A_52 = arith.constant 0 : index
    tpu.barrier barrier_id(%barrier3A_52)
    %mul3A_53 = arith.constant 624 : i32
    %mul3A_54 = arith.muli %arg1, %mul3A_53 : i32
    %add3A_55 = arith.constant 0 : i32
    %add3A_56 = arith.addi %mul3A_54, %add3A_55 : i32
    %multiple_of3A_57 = tpu.assume_multiple %add3A_56, 8 : i32
    "tpu.region"() ({
      %run_scoped3A = tpu.sem_alloc : memref<!tpu.dma_semaphore, #tpu.memory_space<semaphore_mem>>
      %dma_start3A_79 = arith.constant 0 : i32
      %dma_start3A_80 = arith.constant 0 : i32
      %dma_start3A_81 = tpu.memref_slice %arg12[%dma_start3A_79, %dma_start3A_80] : memref<208x64xf32, #tpu.memory_space<vmem>> -> memref<208x64xf32, #tpu.memory_space<vmem>>
      %dma_start3A_82 = arith.constant 0 : i32
      %dma_start3A_83 = tpu.memref_slice %arg13[%multiple_of3A_57, %dma_start3A_82] : memref<10000x64xf32, #tpu.memory_space<vmem_shared>> -> memref<208x64xf32, #tpu.memory_space<vmem_shared>>
      %dma_start3A_84 = arith.constant 0 : i32
      %dma_start3A_85 = arith.constant 0 : i32
      %dma_start3A_86 = tpu.memref_slice %arg12[%dma_start3A_84, %dma_start3A_85] : memref<208x64xf32, #tpu.memory_space<vmem>> -> memref<208x64xf32, #tpu.memory_space<vmem>>
      %dma_start3A_87 = arith.constant 0 : i32
      %dma_start3A_88 = tpu.memref_slice %arg13[%multiple_of3A_57, %dma_start3A_87] : memref<10000x64xf32, #tpu.memory_space<vmem_shared>> -> memref<208x64xf32, #tpu.memory_space<vmem_shared>>
      tpu.enqueue_dma source(%dma_start3A_88 : memref<208x64xf32, #tpu.memory_space<vmem_shared>>) target(%dma_start3A_86 : memref<208x64xf32, #tpu.memory_space<vmem>>) target_semaphore(%run_scoped3A : memref<!tpu.dma_semaphore, #tpu.memory_space<semaphore_mem>>)
      %dma_wait3A_89 = arith.constant 0 : i32
      %dma_wait3A_90 = arith.constant 0 : i32
      %dma_wait3A_91 = tpu.memref_slice %arg12[%dma_wait3A_89, %dma_wait3A_90] : memref<208x64xf32, #tpu.memory_space<vmem>> -> memref<208x64xf32, #tpu.memory_space<vmem>>
      %dma_wait3A_92 = arith.constant 0 : i32
      %dma_wait3A_93 = tpu.memref_slice %arg13[%multiple_of3A_57, %dma_wait3A_92] : memref<10000x64xf32, #tpu.memory_space<vmem_shared>> -> memref<208x64xf32, #tpu.memory_space<vmem_shared>>
      %dma_wait3A_94 = arith.constant 0 : i32
      %dma_wait3A_95 = arith.constant 0 : i32
      %dma_wait3A_96 = tpu.memref_slice %arg12[%dma_wait3A_94, %dma_wait3A_95] : memref<208x64xf32, #tpu.memory_space<vmem>> -> memref<208x64xf32, #tpu.memory_space<vmem>>
      %dma_wait3A_97 = arith.constant 0 : i32
      %dma_wait3A_98 = tpu.memref_slice %arg13[%multiple_of3A_57, %dma_wait3A_97] : memref<10000x64xf32, #tpu.memory_space<vmem_shared>> -> memref<208x64xf32, #tpu.memory_space<vmem_shared>>
      tpu.wait_dma2 semaphore(%run_scoped3A : memref<!tpu.dma_semaphore, #tpu.memory_space<semaphore_mem>>) src(%dma_wait3A_98 : memref<208x64xf32, #tpu.memory_space<vmem_shared>>) dst(%dma_wait3A_96 : memref<208x64xf32, #tpu.memory_space<vmem>>)
      tpu.yield
    }) : () -> ()
    %mul3A_58 = arith.constant 64 : i32
    %mul3A_59 = arith.muli %arg0, %mul3A_58 : i32
    "tpu.region"() ({
      %run_scoped3A = tpu.sem_alloc : memref<!tpu.dma_semaphore, #tpu.memory_space<semaphore_mem>>
      %dma_start3A_79 = arith.constant 0 : i32
      %dma_start3A_80 = arith.constant 0 : i32
      %dma_start3A_81 = tpu.memref_slice %arg12[%dma_start3A_79, %dma_start3A_80] : memref<208x64xf32, #tpu.memory_space<vmem>> -> memref<208x64xf32, #tpu.memory_space<vmem>>
      %dma_start3A_82 = tpu.memref_slice %arg5[%multiple_of3A_57, %mul3A_59] : memref<10000x128xf32, #tpu.memory_space<hbm>> -> memref<208x64xf32, #tpu.memory_space<hbm>>
      %dma_start3A_83 = tpu.memref_slice %arg5[%multiple_of3A_57, %mul3A_59] : memref<10000x128xf32, #tpu.memory_space<hbm>> -> memref<208x64xf32, #tpu.memory_space<hbm>>
      %dma_start3A_84 = arith.constant 0 : i32
      %dma_start3A_85 = arith.constant 0 : i32
      %dma_start3A_86 = tpu.memref_slice %arg12[%dma_start3A_84, %dma_start3A_85] : memref<208x64xf32, #tpu.memory_space<vmem>> -> memref<208x64xf32, #tpu.memory_space<vmem>>
      tpu.enqueue_dma source(%dma_start3A_86 : memref<208x64xf32, #tpu.memory_space<vmem>>) target(%dma_start3A_83 : memref<208x64xf32, #tpu.memory_space<hbm>>) target_semaphore(%run_scoped3A : memref<!tpu.dma_semaphore, #tpu.memory_space<semaphore_mem>>)
      %dma_wait3A_87 = arith.constant 0 : i32
      %dma_wait3A_88 = arith.constant 0 : i32
      %dma_wait3A_89 = tpu.memref_slice %arg12[%dma_wait3A_87, %dma_wait3A_88] : memref<208x64xf32, #tpu.memory_space<vmem>> -> memref<208x64xf32, #tpu.memory_space<vmem>>
      %dma_wait3A_90 = tpu.memref_slice %arg5[%multiple_of3A_57, %mul3A_59] : memref<10000x128xf32, #tpu.memory_space<hbm>> -> memref<208x64xf32, #tpu.memory_space<hbm>>
      %dma_wait3A_91 = tpu.memref_slice %arg5[%multiple_of3A_57, %mul3A_59] : memref<10000x128xf32, #tpu.memory_space<hbm>> -> memref<208x64xf32, #tpu.memory_space<hbm>>
      %dma_wait3A_92 = arith.constant 0 : i32
      %dma_wait3A_93 = arith.constant 0 : i32
      %dma_wait3A_94 = tpu.memref_slice %arg12[%dma_wait3A_92, %dma_wait3A_93] : memref<208x64xf32, #tpu.memory_space<vmem>> -> memref<208x64xf32, #tpu.memory_space<vmem>>
      tpu.wait_dma2 semaphore(%run_scoped3A : memref<!tpu.dma_semaphore, #tpu.memory_space<semaphore_mem>>) src(%dma_wait3A_94 : memref<208x64xf32, #tpu.memory_space<vmem>>) dst(%dma_wait3A_91 : memref<208x64xf32, #tpu.memory_space<hbm>>)
      tpu.yield
    }) : () -> ()
    %mul3A_60 = arith.constant 624 : i32
    %mul3A_61 = arith.muli %arg1, %mul3A_60 : i32
    %add3A_62 = arith.constant 208 : i32
    %add3A_63 = arith.addi %mul3A_61, %add3A_62 : i32
    %multiple_of3A_64 = tpu.assume_multiple %add3A_63, 8 : i32
    "tpu.region"() ({
      %run_scoped3A = tpu.sem_alloc : memref<!tpu.dma_semaphore, #tpu.memory_space<semaphore_mem>>
      %dma_start3A_79 = arith.constant 0 : i32
      %dma_start3A_80 = arith.constant 0 : i32
      %dma_start3A_81 = tpu.memref_slice %arg12[%dma_start3A_79, %dma_start3A_80] : memref<208x64xf32, #tpu.memory_space<vmem>> -> memref<208x64xf32, #tpu.memory_space<vmem>>
      %dma_start3A_82 = arith.constant 0 : i32
      %dma_start3A_83 = tpu.memref_slice %arg13[%multiple_of3A_64, %dma_start3A_82] : memref<10000x64xf32, #tpu.memory_space<vmem_shared>> -> memref<208x64xf32, #tpu.memory_space<vmem_shared>>
      %dma_start3A_84 = arith.constant 0 : i32
      %dma_start3A_85 = arith.constant 0 : i32
      %dma_start3A_86 = tpu.memref_slice %arg12[%dma_start3A_84, %dma_start3A_85] : memref<208x64xf32, #tpu.memory_space<vmem>> -> memref<208x64xf32, #tpu.memory_space<vmem>>
      %dma_start3A_87 = arith.constant 0 : i32
      %dma_start3A_88 = tpu.memref_slice %arg13[%multiple_of3A_64, %dma_start3A_87] : memref<10000x64xf32, #tpu.memory_space<vmem_shared>> -> memref<208x64xf32, #tpu.memory_space<vmem_shared>>
      tpu.enqueue_dma source(%dma_start3A_88 : memref<208x64xf32, #tpu.memory_space<vmem_shared>>) target(%dma_start3A_86 : memref<208x64xf32, #tpu.memory_space<vmem>>) target_semaphore(%run_scoped3A : memref<!tpu.dma_semaphore, #tpu.memory_space<semaphore_mem>>)
      %dma_wait3A_89 = arith.constant 0 : i32
      %dma_wait3A_90 = arith.constant 0 : i32
      %dma_wait3A_91 = tpu.memref_slice %arg12[%dma_wait3A_89, %dma_wait3A_90] : memref<208x64xf32, #tpu.memory_space<vmem>> -> memref<208x64xf32, #tpu.memory_space<vmem>>
      %dma_wait3A_92 = arith.constant 0 : i32
      %dma_wait3A_93 = tpu.memref_slice %arg13[%multiple_of3A_64, %dma_wait3A_92] : memref<10000x64xf32, #tpu.memory_space<vmem_shared>> -> memref<208x64xf32, #tpu.memory_space<vmem_shared>>
      %dma_wait3A_94 = arith.constant 0 : i32
      %dma_wait3A_95 = arith.constant 0 : i32
      %dma_wait3A_96 = tpu.memref_slice %arg12[%dma_wait3A_94, %dma_wait3A_95] : memref<208x64xf32, #tpu.memory_space<vmem>> -> memref<208x64xf32, #tpu.memory_space<vmem>>
      %dma_wait3A_97 = arith.constant 0 : i32
      %dma_wait3A_98 = tpu.memref_slice %arg13[%multiple_of3A_64, %dma_wait3A_97] : memref<10000x64xf32, #tpu.memory_space<vmem_shared>> -> memref<208x64xf32, #tpu.memory_space<vmem_shared>>
      tpu.wait_dma2 semaphore(%run_scoped3A : memref<!tpu.dma_semaphore, #tpu.memory_space<semaphore_mem>>) src(%dma_wait3A_98 : memref<208x64xf32, #tpu.memory_space<vmem_shared>>) dst(%dma_wait3A_96 : memref<208x64xf32, #tpu.memory_space<vmem>>)
      tpu.yield
    }) : () -> ()
    %mul3A_65 = arith.constant 64 : i32
    %mul3A_66 = arith.muli %arg0, %mul3A_65 : i32
    "tpu.region"() ({
      %run_scoped3A = tpu.sem_alloc : memref<!tpu.dma_semaphore, #tpu.memory_space<semaphore_mem>>
      %dma_start3A_79 = arith.constant 0 : i32
      %dma_start3A_80 = arith.constant 0 : i32
      %dma_start3A_81 = tpu.memref_slice %arg12[%dma_start3A_79, %dma_start3A_80] : memref<208x64xf32, #tpu.memory_space<vmem>> -> memref<208x64xf32, #tpu.memory_space<vmem>>
      %dma_start3A_82 = tpu.memref_slice %arg5[%multiple_of3A_64, %mul3A_66] : memref<10000x128xf32, #tpu.memory_space<hbm>> -> memref<208x64xf32, #tpu.memory_space<hbm>>
      %dma_start3A_83 = tpu.memref_slice %arg5[%multiple_of3A_64, %mul3A_66] : memref<10000x128xf32, #tpu.memory_space<hbm>> -> memref<208x64xf32, #tpu.memory_space<hbm>>
      %dma_start3A_84 = arith.constant 0 : i32
      %dma_start3A_85 = arith.constant 0 : i32
      %dma_start3A_86 = tpu.memref_slice %arg12[%dma_start3A_84, %dma_start3A_85] : memref<208x64xf32, #tpu.memory_space<vmem>> -> memref<208x64xf32, #tpu.memory_space<vmem>>
      tpu.enqueue_dma source(%dma_start3A_86 : memref<208x64xf32, #tpu.memory_space<vmem>>) target(%dma_start3A_83 : memref<208x64xf32, #tpu.memory_space<hbm>>) target_semaphore(%run_scoped3A : memref<!tpu.dma_semaphore, #tpu.memory_space<semaphore_mem>>)
      %dma_wait3A_87 = arith.constant 0 : i32
      %dma_wait3A_88 = arith.constant 0 : i32
      %dma_wait3A_89 = tpu.memref_slice %arg12[%dma_wait3A_87, %dma_wait3A_88] : memref<208x64xf32, #tpu.memory_space<vmem>> -> memref<208x64xf32, #tpu.memory_space<vmem>>
      %dma_wait3A_90 = tpu.memref_slice %arg5[%multiple_of3A_64, %mul3A_66] : memref<10000x128xf32, #tpu.memory_space<hbm>> -> memref<208x64xf32, #tpu.memory_space<hbm>>
      %dma_wait3A_91 = tpu.memref_slice %arg5[%multiple_of3A_64, %mul3A_66] : memref<10000x128xf32, #tpu.memory_space<hbm>> -> memref<208x64xf32, #tpu.memory_space<hbm>>
      %dma_wait3A_92 = arith.constant 0 : i32
      %dma_wait3A_93 = arith.constant 0 : i32
      %dma_wait3A_94 = tpu.memref_slice %arg12[%dma_wait3A_92, %dma_wait3A_93] : memref<208x64xf32, #tpu.memory_space<vmem>> -> memref<208x64xf32, #tpu.memory_space<vmem>>
      tpu.wait_dma2 semaphore(%run_scoped3A : memref<!tpu.dma_semaphore, #tpu.memory_space<semaphore_mem>>) src(%dma_wait3A_94 : memref<208x64xf32, #tpu.memory_space<vmem>>) dst(%dma_wait3A_91 : memref<208x64xf32, #tpu.memory_space<hbm>>)
      tpu.yield
    }) : () -> ()
    %mul3A_67 = arith.constant 624 : i32
    %mul3A_68 = arith.muli %arg1, %mul3A_67 : i32
    %add3A_69 = arith.constant 416 : i32
    %add3A_70 = arith.addi %mul3A_68, %add3A_69 : i32
    %multiple_of3A_71 = tpu.assume_multiple %add3A_70, 8 : i32
    "tpu.region"() ({
      %run_scoped3A = tpu.sem_alloc : memref<!tpu.dma_semaphore, #tpu.memory_space<semaphore_mem>>
      %dma_start3A_79 = arith.constant 0 : i32
      %dma_start3A_80 = arith.constant 0 : i32
      %dma_start3A_81 = tpu.memref_slice %arg12[%dma_start3A_79, %dma_start3A_80] : memref<208x64xf32, #tpu.memory_space<vmem>> -> memref<208x64xf32, #tpu.memory_space<vmem>>
      %dma_start3A_82 = arith.constant 0 : i32
      %dma_start3A_83 = tpu.memref_slice %arg13[%multiple_of3A_71, %dma_start3A_82] : memref<10000x64xf32, #tpu.memory_space<vmem_shared>> -> memref<208x64xf32, #tpu.memory_space<vmem_shared>>
      %dma_start3A_84 = arith.constant 0 : i32
      %dma_start3A_85 = arith.constant 0 : i32
      %dma_start3A_86 = tpu.memref_slice %arg12[%dma_start3A_84, %dma_start3A_85] : memref<208x64xf32, #tpu.memory_space<vmem>> -> memref<208x64xf32, #tpu.memory_space<vmem>>
      %dma_start3A_87 = arith.constant 0 : i32
      %dma_start3A_88 = tpu.memref_slice %arg13[%multiple_of3A_71, %dma_start3A_87] : memref<10000x64xf32, #tpu.memory_space<vmem_shared>> -> memref<208x64xf32, #tpu.memory_space<vmem_shared>>
      tpu.enqueue_dma source(%dma_start3A_88 : memref<208x64xf32, #tpu.memory_space<vmem_shared>>) target(%dma_start3A_86 : memref<208x64xf32, #tpu.memory_space<vmem>>) target_semaphore(%run_scoped3A : memref<!tpu.dma_semaphore, #tpu.memory_space<semaphore_mem>>)
      %dma_wait3A_89 = arith.constant 0 : i32
      %dma_wait3A_90 = arith.constant 0 : i32
      %dma_wait3A_91 = tpu.memref_slice %arg12[%dma_wait3A_89, %dma_wait3A_90] : memref<208x64xf32, #tpu.memory_space<vmem>> -> memref<208x64xf32, #tpu.memory_space<vmem>>
      %dma_wait3A_92 = arith.constant 0 : i32
      %dma_wait3A_93 = tpu.memref_slice %arg13[%multiple_of3A_71, %dma_wait3A_92] : memref<10000x64xf32, #tpu.memory_space<vmem_shared>> -> memref<208x64xf32, #tpu.memory_space<vmem_shared>>
      %dma_wait3A_94 = arith.constant 0 : i32
      %dma_wait3A_95 = arith.constant 0 : i32
      %dma_wait3A_96 = tpu.memref_slice %arg12[%dma_wait3A_94, %dma_wait3A_95] : memref<208x64xf32, #tpu.memory_space<vmem>> -> memref<208x64xf32, #tpu.memory_space<vmem>>
      %dma_wait3A_97 = arith.constant 0 : i32
      %dma_wait3A_98 = tpu.memref_slice %arg13[%multiple_of3A_71, %dma_wait3A_97] : memref<10000x64xf32, #tpu.memory_space<vmem_shared>> -> memref<208x64xf32, #tpu.memory_space<vmem_shared>>
      tpu.wait_dma2 semaphore(%run_scoped3A : memref<!tpu.dma_semaphore, #tpu.memory_space<semaphore_mem>>) src(%dma_wait3A_98 : memref<208x64xf32, #tpu.memory_space<vmem_shared>>) dst(%dma_wait3A_96 : memref<208x64xf32, #tpu.memory_space<vmem>>)
      tpu.yield
    }) : () -> ()
    %mul3A_72 = arith.constant 64 : i32
    %mul3A_73 = arith.muli %arg0, %mul3A_72 : i32
    "tpu.region"() ({
      %run_scoped3A = tpu.sem_alloc : memref<!tpu.dma_semaphore, #tpu.memory_space<semaphore_mem>>
      %dma_start3A_79 = arith.constant 0 : i32
      %dma_start3A_80 = arith.constant 0 : i32
      %dma_start3A_81 = tpu.memref_slice %arg12[%dma_start3A_79, %dma_start3A_80] : memref<208x64xf32, #tpu.memory_space<vmem>> -> memref<208x64xf32, #tpu.memory_space<vmem>>
      %dma_start3A_82 = tpu.memref_slice %arg5[%multiple_of3A_71, %mul3A_73] : memref<10000x128xf32, #tpu.memory_space<hbm>> -> memref<208x64xf32, #tpu.memory_space<hbm>>
      %dma_start3A_83 = tpu.memref_slice %arg5[%multiple_of3A_71, %mul3A_73] : memref<10000x128xf32, #tpu.memory_space<hbm>> -> memref<208x64xf32, #tpu.memory_space<hbm>>
      %dma_start3A_84 = arith.constant 0 : i32
      %dma_start3A_85 = arith.constant 0 : i32
      %dma_start3A_86 = tpu.memref_slice %arg12[%dma_start3A_84, %dma_start3A_85] : memref<208x64xf32, #tpu.memory_space<vmem>> -> memref<208x64xf32, #tpu.memory_space<vmem>>
      tpu.enqueue_dma source(%dma_start3A_86 : memref<208x64xf32, #tpu.memory_space<vmem>>) target(%dma_start3A_83 : memref<208x64xf32, #tpu.memory_space<hbm>>) target_semaphore(%run_scoped3A : memref<!tpu.dma_semaphore, #tpu.memory_space<semaphore_mem>>)
      %dma_wait3A_87 = arith.constant 0 : i32
      %dma_wait3A_88 = arith.constant 0 : i32
      %dma_wait3A_89 = tpu.memref_slice %arg12[%dma_wait3A_87, %dma_wait3A_88] : memref<208x64xf32, #tpu.memory_space<vmem>> -> memref<208x64xf32, #tpu.memory_space<vmem>>
      %dma_wait3A_90 = tpu.memref_slice %arg5[%multiple_of3A_71, %mul3A_73] : memref<10000x128xf32, #tpu.memory_space<hbm>> -> memref<208x64xf32, #tpu.memory_space<hbm>>
      %dma_wait3A_91 = tpu.memref_slice %arg5[%multiple_of3A_71, %mul3A_73] : memref<10000x128xf32, #tpu.memory_space<hbm>> -> memref<208x64xf32, #tpu.memory_space<hbm>>
      %dma_wait3A_92 = arith.constant 0 : i32
      %dma_wait3A_93 = arith.constant 0 : i32
      %dma_wait3A_94 = tpu.memref_slice %arg12[%dma_wait3A_92, %dma_wait3A_93] : memref<208x64xf32, #tpu.memory_space<vmem>> -> memref<208x64xf32, #tpu.memory_space<vmem>>
      tpu.wait_dma2 semaphore(%run_scoped3A : memref<!tpu.dma_semaphore, #tpu.memory_space<semaphore_mem>>) src(%dma_wait3A_94 : memref<208x64xf32, #tpu.memory_space<vmem>>) dst(%dma_wait3A_91 : memref<208x64xf32, #tpu.memory_space<hbm>>)
      tpu.yield
    }) : () -> ()
    %eq3A_74 = arith.constant 15 : i32
    %eq3A_75 = arith.cmpi eq, %arg1, %eq3A_74 : i32
    %convert_element_type3A_76 = arith.extui %eq3A_75 : i1 to i32
    %cond3A_77 = arith.constant 0 : i32
    %cond3A_78 = arith.cmpi ne, %convert_element_type3A_76, %cond3A_77 : i32
    scf.if %cond3A_78 {
      "tpu.region"() ({
        %run_scoped3A = tpu.sem_alloc : memref<!tpu.dma_semaphore, #tpu.memory_space<semaphore_mem>>
        %dma_start3A_81 = arith.constant 0 : i32
        %dma_start3A_82 = arith.constant 0 : i32
        %dma_start3A_83 = tpu.memref_slice %arg12[%dma_start3A_81, %dma_start3A_82] : memref<208x64xf32, #tpu.memory_space<vmem>> -> memref<16x64xf32, #tpu.memory_space<vmem>>
        %dma_start3A_84 = arith.constant 9984 : i32
        %dma_start3A_85 = arith.constant 0 : i32
        %dma_start3A_86 = tpu.memref_slice %arg13[%dma_start3A_84, %dma_start3A_85] : memref<10000x64xf32, #tpu.memory_space<vmem_shared>> -> memref<16x64xf32, #tpu.memory_space<vmem_shared>>
        %dma_start3A_87 = arith.constant 0 : i32
        %dma_start3A_88 = arith.constant 0 : i32
        %dma_start3A_89 = tpu.memref_slice %arg12[%dma_start3A_87, %dma_start3A_88] : memref<208x64xf32, #tpu.memory_space<vmem>> -> memref<16x64xf32, #tpu.memory_space<vmem>>
        %dma_start3A_90 = arith.constant 9984 : i32
        %dma_start3A_91 = arith.constant 0 : i32
        %dma_start3A_92 = tpu.memref_slice %arg13[%dma_start3A_90, %dma_start3A_91] : memref<10000x64xf32, #tpu.memory_space<vmem_shared>> -> memref<16x64xf32, #tpu.memory_space<vmem_shared>>
        tpu.enqueue_dma source(%dma_start3A_92 : memref<16x64xf32, #tpu.memory_space<vmem_shared>>) target(%dma_start3A_89 : memref<16x64xf32, #tpu.memory_space<vmem>>) target_semaphore(%run_scoped3A : memref<!tpu.dma_semaphore, #tpu.memory_space<semaphore_mem>>)
        %dma_wait3A_93 = arith.constant 0 : i32
        %dma_wait3A_94 = arith.constant 0 : i32
        %dma_wait3A_95 = tpu.memref_slice %arg12[%dma_wait3A_93, %dma_wait3A_94] : memref<208x64xf32, #tpu.memory_space<vmem>> -> memref<16x64xf32, #tpu.memory_space<vmem>>
        %dma_wait3A_96 = arith.constant 9984 : i32
        %dma_wait3A_97 = arith.constant 0 : i32
        %dma_wait3A_98 = tpu.memref_slice %arg13[%dma_wait3A_96, %dma_wait3A_97] : memref<10000x64xf32, #tpu.memory_space<vmem_shared>> -> memref<16x64xf32, #tpu.memory_space<vmem_shared>>
        %dma_wait3A_99 = arith.constant 0 : i32
        %dma_wait3A_100 = arith.constant 0 : i32
        %dma_wait3A_101 = tpu.memref_slice %arg12[%dma_wait3A_99, %dma_wait3A_100] : memref<208x64xf32, #tpu.memory_space<vmem>> -> memref<16x64xf32, #tpu.memory_space<vmem>>
        %dma_wait3A_102 = arith.constant 9984 : i32
        %dma_wait3A_103 = arith.constant 0 : i32
        %dma_wait3A_104 = tpu.memref_slice %arg13[%dma_wait3A_102, %dma_wait3A_103] : memref<10000x64xf32, #tpu.memory_space<vmem_shared>> -> memref<16x64xf32, #tpu.memory_space<vmem_shared>>
        tpu.wait_dma2 semaphore(%run_scoped3A : memref<!tpu.dma_semaphore, #tpu.memory_space<semaphore_mem>>) src(%dma_wait3A_104 : memref<16x64xf32, #tpu.memory_space<vmem_shared>>) dst(%dma_wait3A_101 : memref<16x64xf32, #tpu.memory_space<vmem>>)
        tpu.yield
      }) : () -> ()
      %mul3A_79 = arith.constant 64 : i32
      %mul3A_80 = arith.muli %arg0, %mul3A_79 : i32
      "tpu.region"() ({
        %run_scoped3A = tpu.sem_alloc : memref<!tpu.dma_semaphore, #tpu.memory_space<semaphore_mem>>
        %dma_start3A_81 = arith.constant 0 : i32
        %dma_start3A_82 = arith.constant 0 : i32
        %dma_start3A_83 = tpu.memref_slice %arg12[%dma_start3A_81, %dma_start3A_82] : memref<208x64xf32, #tpu.memory_space<vmem>> -> memref<16x64xf32, #tpu.memory_space<vmem>>
        %dma_start3A_84 = arith.constant 9984 : i32
        %dma_start3A_85 = tpu.memref_slice %arg5[%dma_start3A_84, %mul3A_80] : memref<10000x128xf32, #tpu.memory_space<hbm>> -> memref<16x64xf32, #tpu.memory_space<hbm>>
        %dma_start3A_86 = arith.constant 9984 : i32
        %dma_start3A_87 = tpu.memref_slice %arg5[%dma_start3A_86, %mul3A_80] : memref<10000x128xf32, #tpu.memory_space<hbm>> -> memref<16x64xf32, #tpu.memory_space<hbm>>
        %dma_start3A_88 = arith.constant 0 : i32
        %dma_start3A_89 = arith.constant 0 : i32
        %dma_start3A_90 = tpu.memref_slice %arg12[%dma_start3A_88, %dma_start3A_89] : memref<208x64xf32, #tpu.memory_space<vmem>> -> memref<16x64xf32, #tpu.memory_space<vmem>>
        tpu.enqueue_dma source(%dma_start3A_90 : memref<16x64xf32, #tpu.memory_space<vmem>>) target(%dma_start3A_87 : memref<16x64xf32, #tpu.memory_space<hbm>>) target_semaphore(%run_scoped3A : memref<!tpu.dma_semaphore, #tpu.memory_space<semaphore_mem>>)
        %dma_wait3A_91 = arith.constant 0 : i32
        %dma_wait3A_92 = arith.constant 0 : i32
        %dma_wait3A_93 = tpu.memref_slice %arg12[%dma_wait3A_91, %dma_wait3A_92] : memref<208x64xf32, #tpu.memory_space<vmem>> -> memref<16x64xf32, #tpu.memory_space<vmem>>
        %dma_wait3A_94 = arith.constant 9984 : i32
        %dma_wait3A_95 = tpu.memref_slice %arg5[%dma_wait3A_94, %mul3A_80] : memref<10000x128xf32, #tpu.memory_space<hbm>> -> memref<16x64xf32, #tpu.memory_space<hbm>>
        %dma_wait3A_96 = arith.constant 9984 : i32
        %dma_wait3A_97 = tpu.memref_slice %arg5[%dma_wait3A_96, %mul3A_80] : memref<10000x128xf32, #tpu.memory_space<hbm>> -> memref<16x64xf32, #tpu.memory_space<hbm>>
        %dma_wait3A_98 = arith.constant 0 : i32
        %dma_wait3A_99 = arith.constant 0 : i32
        %dma_wait3A_100 = tpu.memref_slice %arg12[%dma_wait3A_98, %dma_wait3A_99] : memref<208x64xf32, #tpu.memory_space<vmem>> -> memref<16x64xf32, #tpu.memory_space<vmem>>
        tpu.wait_dma2 semaphore(%run_scoped3A : memref<!tpu.dma_semaphore, #tpu.memory_space<semaphore_mem>>) src(%dma_wait3A_100 : memref<16x64xf32, #tpu.memory_space<vmem>>) dst(%dma_wait3A_97 : memref<16x64xf32, #tpu.memory_space<hbm>>)
        tpu.yield
      }) : () -> ()
    } else {
    }
    return
  }
}

#map = affine_map<(d0, d1) -> (0, 0)>
#map1 = affine_map<(d0, d1) -> (0, 0, 0, 0)>
#map2 = affine_map<(d0, d1) -> (0, 0, 0)>
module attributes {stable_mosaic.version = 14 : i64} {
  func.func @prop_kernel(%arg0: i32, %arg1: i32, %arg2: memref<20000x32xf32, #tpu.memory_space<hbm>>, %arg3: memref<2x16x160x125xi32, #tpu.memory_space<hbm>>, %arg4: memref<16x160x125xi32, #tpu.memory_space<hbm>>, %arg5: memref<10000x128xf32, #tpu.memory_space<hbm>>, %arg6: memref<160x125xi32, #tpu.memory_space<vmem>>, %arg7: memref<160x125xi32, #tpu.memory_space<vmem>>, %arg8: memref<125x32xf32, #tpu.memory_space<vmem>>, %arg9: memref<125x32xf32, #tpu.memory_space<vmem>>, %arg10: memref<125x32xf32, #tpu.memory_space<vmem>>, %arg11: memref<125x32xf32, #tpu.memory_space<vmem>>, %arg12: memref<125x32xf32, #tpu.memory_space<vmem>>, %arg13: memref<125x32xf32, #tpu.memory_space<vmem>>, %arg14: memref<125x32xf32, #tpu.memory_space<vmem>>, %arg15: memref<125x32xf32, #tpu.memory_space<vmem>>, %arg16: memref<208x32xf32, #tpu.memory_space<vmem>>, %arg17: memref<10000x32xf32, #tpu.memory_space<vmem_shared>>, %arg18: memref<!tpu.dma_semaphore, #tpu.memory_space<semaphore_mem>>, %arg19: memref<!tpu.dma_semaphore, #tpu.memory_space<semaphore_mem>>, %arg20: memref<!tpu.dma_semaphore, #tpu.memory_space<semaphore_mem>>, %arg21: memref<!tpu.dma_semaphore, #tpu.memory_space<semaphore_mem>>, %arg22: memref<!tpu.dma_semaphore, #tpu.memory_space<semaphore_mem>>, %arg23: memref<!tpu.dma_semaphore, #tpu.memory_space<semaphore_mem>>, %arg24: memref<!tpu.dma_semaphore, #tpu.memory_space<semaphore_mem>>, %arg25: memref<!tpu.dma_semaphore, #tpu.memory_space<semaphore_mem>>, %arg26: memref<!tpu.dma_semaphore, #tpu.memory_space<semaphore_mem>>, %arg27: memref<!tpu.dma_semaphore, #tpu.memory_space<semaphore_mem>>, %arg28: memref<!tpu.dma_semaphore, #tpu.memory_space<semaphore_mem>>, %arg29: memref<!tpu.dma_semaphore, #tpu.memory_space<semaphore_mem>>, %arg30: memref<!tpu.dma_semaphore, #tpu.memory_space<semaphore_mem>>, %arg31: memref<!tpu.dma_semaphore, #tpu.memory_space<semaphore_mem>>, %arg32: memref<!tpu.dma_semaphore, #tpu.memory_space<semaphore_mem>>, %arg33: memref<!tpu.dma_semaphore, #tpu.memory_space<semaphore_mem>>) attributes {dimension_semantics = [#tpu.dimension_semantics<core_parallel>, #tpu.dimension_semantics<subcore_parallel>], iteration_bounds = array<i64: 2, 16>, scalar_prefetch = 0 : i64, scratch_operands = 28 : i64, tpu.core_type = #tpu.core_type<sc_vector_subcore>, window_params = [{transform_indices = #map}, {transform_indices = #map1}, {transform_indices = #map2}, {transform_indices = #map}]} {
    "tpu.region"() ({
      %run_scoped3A = tpu.sem_alloc : memref<!tpu.dma_semaphore, #tpu.memory_space<semaphore_mem>>
      %dma_start3A_107 = arith.constant 0 : i32
      %dma_start3A_108 = arith.constant 0 : i32
      %dma_start3A_109 = tpu.memref_slice %arg3[%arg0, %arg1, %dma_start3A_107, %dma_start3A_108] : memref<2x16x160x125xi32, #tpu.memory_space<hbm>> -> memref<1x1x160x125xi32, #tpu.memory_space<hbm>>
      %dma_start3A_110 = tpu.memref_squeeze %dma_start3A_109 : memref<1x1x160x125xi32, #tpu.memory_space<hbm>> -> memref<160x125xi32, #tpu.memory_space<hbm>>
      %dma_start3A_111 = arith.constant 0 : i32
      %dma_start3A_112 = arith.constant 0 : i32
      %dma_start3A_113 = tpu.memref_slice %arg3[%arg0, %arg1, %dma_start3A_111, %dma_start3A_112] : memref<2x16x160x125xi32, #tpu.memory_space<hbm>> -> memref<1x1x160x125xi32, #tpu.memory_space<hbm>>
      %dma_start3A_114 = tpu.memref_squeeze %dma_start3A_113 : memref<1x1x160x125xi32, #tpu.memory_space<hbm>> -> memref<160x125xi32, #tpu.memory_space<hbm>>
      tpu.enqueue_dma source(%dma_start3A_114 : memref<160x125xi32, #tpu.memory_space<hbm>>) target(%arg6 : memref<160x125xi32, #tpu.memory_space<vmem>>) target_semaphore(%run_scoped3A : memref<!tpu.dma_semaphore, #tpu.memory_space<semaphore_mem>>)
      %dma_wait3A_115 = arith.constant 0 : i32
      %dma_wait3A_116 = arith.constant 0 : i32
      %dma_wait3A_117 = tpu.memref_slice %arg3[%arg0, %arg1, %dma_wait3A_115, %dma_wait3A_116] : memref<2x16x160x125xi32, #tpu.memory_space<hbm>> -> memref<1x1x160x125xi32, #tpu.memory_space<hbm>>
      %dma_wait3A_118 = tpu.memref_squeeze %dma_wait3A_117 : memref<1x1x160x125xi32, #tpu.memory_space<hbm>> -> memref<160x125xi32, #tpu.memory_space<hbm>>
      %dma_wait3A_119 = arith.constant 0 : i32
      %dma_wait3A_120 = arith.constant 0 : i32
      %dma_wait3A_121 = tpu.memref_slice %arg3[%arg0, %arg1, %dma_wait3A_119, %dma_wait3A_120] : memref<2x16x160x125xi32, #tpu.memory_space<hbm>> -> memref<1x1x160x125xi32, #tpu.memory_space<hbm>>
      %dma_wait3A_122 = tpu.memref_squeeze %dma_wait3A_121 : memref<1x1x160x125xi32, #tpu.memory_space<hbm>> -> memref<160x125xi32, #tpu.memory_space<hbm>>
      tpu.wait_dma2 semaphore(%run_scoped3A : memref<!tpu.dma_semaphore, #tpu.memory_space<semaphore_mem>>) src(%dma_wait3A_122 : memref<160x125xi32, #tpu.memory_space<hbm>>) dst(%arg6 : memref<160x125xi32, #tpu.memory_space<vmem>>)
      tpu.yield
    }) : () -> ()
    "tpu.region"() ({
      %run_scoped3A = tpu.sem_alloc : memref<!tpu.dma_semaphore, #tpu.memory_space<semaphore_mem>>
      %dma_start3A_107 = arith.constant 0 : i32
      %dma_start3A_108 = arith.constant 0 : i32
      %dma_start3A_109 = tpu.memref_slice %arg4[%arg1, %dma_start3A_107, %dma_start3A_108] : memref<16x160x125xi32, #tpu.memory_space<hbm>> -> memref<1x160x125xi32, #tpu.memory_space<hbm>>
      %dma_start3A_110 = tpu.memref_squeeze %dma_start3A_109 : memref<1x160x125xi32, #tpu.memory_space<hbm>> -> memref<160x125xi32, #tpu.memory_space<hbm>>
      %dma_start3A_111 = arith.constant 0 : i32
      %dma_start3A_112 = arith.constant 0 : i32
      %dma_start3A_113 = tpu.memref_slice %arg4[%arg1, %dma_start3A_111, %dma_start3A_112] : memref<16x160x125xi32, #tpu.memory_space<hbm>> -> memref<1x160x125xi32, #tpu.memory_space<hbm>>
      %dma_start3A_114 = tpu.memref_squeeze %dma_start3A_113 : memref<1x160x125xi32, #tpu.memory_space<hbm>> -> memref<160x125xi32, #tpu.memory_space<hbm>>
      tpu.enqueue_dma source(%dma_start3A_114 : memref<160x125xi32, #tpu.memory_space<hbm>>) target(%arg7 : memref<160x125xi32, #tpu.memory_space<vmem>>) target_semaphore(%run_scoped3A : memref<!tpu.dma_semaphore, #tpu.memory_space<semaphore_mem>>)
      %dma_wait3A_115 = arith.constant 0 : i32
      %dma_wait3A_116 = arith.constant 0 : i32
      %dma_wait3A_117 = tpu.memref_slice %arg4[%arg1, %dma_wait3A_115, %dma_wait3A_116] : memref<16x160x125xi32, #tpu.memory_space<hbm>> -> memref<1x160x125xi32, #tpu.memory_space<hbm>>
      %dma_wait3A_118 = tpu.memref_squeeze %dma_wait3A_117 : memref<1x160x125xi32, #tpu.memory_space<hbm>> -> memref<160x125xi32, #tpu.memory_space<hbm>>
      %dma_wait3A_119 = arith.constant 0 : i32
      %dma_wait3A_120 = arith.constant 0 : i32
      %dma_wait3A_121 = tpu.memref_slice %arg4[%arg1, %dma_wait3A_119, %dma_wait3A_120] : memref<16x160x125xi32, #tpu.memory_space<hbm>> -> memref<1x160x125xi32, #tpu.memory_space<hbm>>
      %dma_wait3A_122 = tpu.memref_squeeze %dma_wait3A_121 : memref<1x160x125xi32, #tpu.memory_space<hbm>> -> memref<160x125xi32, #tpu.memory_space<hbm>>
      tpu.wait_dma2 semaphore(%run_scoped3A : memref<!tpu.dma_semaphore, #tpu.memory_space<semaphore_mem>>) src(%dma_wait3A_122 : memref<160x125xi32, #tpu.memory_space<hbm>>) dst(%arg7 : memref<160x125xi32, #tpu.memory_space<vmem>>)
      tpu.yield
    }) : () -> ()
    %broadcast_in_dim3A = arith.constant 0.000000e+00 : f32
    %broadcast_in_dim3A_0 = vector.broadcast %broadcast_in_dim3A : f32 to vector<16xf32>
    %scan3A = arith.constant 0 : i32
    %scan3A_1 = arith.constant 0 : i32
    %scan3A_2 = arith.constant 208 : i32
    %scan3A_3 = arith.addi %scan3A_1, %scan3A_2 : i32
    %scan3A_4 = arith.constant 1 : i32
    scf.for %scan3A_107 = %scan3A_1 to %scan3A_3 step %scan3A_4  : i32 {
      %swap3A = arith.index_cast %scan3A_107 : i32 to index
      %swap3A_108 = arith.constant 0 : index
      %swap3A_109 = tpu.vector_load %arg16[%swap3A, %swap3A_108] {strides = array<i32>} : memref<208x32xf32, #tpu.memory_space<vmem>>, vector<1x16xf32>,
      %swap3A_110 = vector.shape_cast %swap3A_109 : vector<1x16xf32> to vector<16xf32>
      %swap3A_111 = vector.shape_cast %broadcast_in_dim3A_0 : vector<16xf32> to vector<1x16xf32>
      tpu.vector_store %arg16[%swap3A, %swap3A_108], %swap3A_111 {strides = array<i32>} : memref<208x32xf32, #tpu.memory_space<vmem>>, vector<1x16xf32>,
      %swap3A_112 = arith.index_cast %scan3A_107 : i32 to index
      %swap3A_113 = arith.constant 16 : index
      %swap3A_114 = tpu.vector_load %arg16[%swap3A_112, %swap3A_113] {strides = array<i32>} : memref<208x32xf32, #tpu.memory_space<vmem>>, vector<1x16xf32>,
      %swap3A_115 = vector.shape_cast %swap3A_114 : vector<1x16xf32> to vector<16xf32>
      %swap3A_116 = vector.shape_cast %broadcast_in_dim3A_0 : vector<16xf32> to vector<1x16xf32>
      tpu.vector_store %arg16[%swap3A_112, %swap3A_113], %swap3A_116 {strides = array<i32>} : memref<208x32xf32, #tpu.memory_space<vmem>>, vector<1x16xf32>,
    }
    %scan3A_5 = arith.constant 208 : i32
    %mul3A = arith.constant 624 : i32
    %mul3A_6 = arith.muli %arg1, %mul3A : i32
    %add3A = arith.constant 0 : i32
    %add3A_7 = arith.addi %mul3A_6, %add3A : i32
    %multiple_of3A = tpu.assume_multiple %add3A_7, 8 : i32
    "tpu.region"() ({
      %run_scoped3A = tpu.sem_alloc : memref<!tpu.dma_semaphore, #tpu.memory_space<semaphore_mem>>
      %dma_start3A_107 = arith.constant 0 : i32
      %dma_start3A_108 = arith.constant 0 : i32
      %dma_start3A_109 = tpu.memref_slice %arg16[%dma_start3A_107, %dma_start3A_108] : memref<208x32xf32, #tpu.memory_space<vmem>> -> memref<208x32xf32, #tpu.memory_space<vmem>>
      %dma_start3A_110 = arith.constant 0 : i32
      %dma_start3A_111 = tpu.memref_slice %arg17[%multiple_of3A, %dma_start3A_110] : memref<10000x32xf32, #tpu.memory_space<vmem_shared>> -> memref<208x32xf32, #tpu.memory_space<vmem_shared>>
      %dma_start3A_112 = arith.constant 0 : i32
      %dma_start3A_113 = tpu.memref_slice %arg17[%multiple_of3A, %dma_start3A_112] : memref<10000x32xf32, #tpu.memory_space<vmem_shared>> -> memref<208x32xf32, #tpu.memory_space<vmem_shared>>
      %dma_start3A_114 = arith.constant 0 : i32
      %dma_start3A_115 = arith.constant 0 : i32
      %dma_start3A_116 = tpu.memref_slice %arg16[%dma_start3A_114, %dma_start3A_115] : memref<208x32xf32, #tpu.memory_space<vmem>> -> memref<208x32xf32, #tpu.memory_space<vmem>>
      tpu.enqueue_dma source(%dma_start3A_116 : memref<208x32xf32, #tpu.memory_space<vmem>>) target(%dma_start3A_113 : memref<208x32xf32, #tpu.memory_space<vmem_shared>>) target_semaphore(%run_scoped3A : memref<!tpu.dma_semaphore, #tpu.memory_space<semaphore_mem>>)
      %dma_wait3A_117 = arith.constant 0 : i32
      %dma_wait3A_118 = arith.constant 0 : i32
      %dma_wait3A_119 = tpu.memref_slice %arg16[%dma_wait3A_117, %dma_wait3A_118] : memref<208x32xf32, #tpu.memory_space<vmem>> -> memref<208x32xf32, #tpu.memory_space<vmem>>
      %dma_wait3A_120 = arith.constant 0 : i32
      %dma_wait3A_121 = tpu.memref_slice %arg17[%multiple_of3A, %dma_wait3A_120] : memref<10000x32xf32, #tpu.memory_space<vmem_shared>> -> memref<208x32xf32, #tpu.memory_space<vmem_shared>>
      %dma_wait3A_122 = arith.constant 0 : i32
      %dma_wait3A_123 = tpu.memref_slice %arg17[%multiple_of3A, %dma_wait3A_122] : memref<10000x32xf32, #tpu.memory_space<vmem_shared>> -> memref<208x32xf32, #tpu.memory_space<vmem_shared>>
      %dma_wait3A_124 = arith.constant 0 : i32
      %dma_wait3A_125 = arith.constant 0 : i32
      %dma_wait3A_126 = tpu.memref_slice %arg16[%dma_wait3A_124, %dma_wait3A_125] : memref<208x32xf32, #tpu.memory_space<vmem>> -> memref<208x32xf32, #tpu.memory_space<vmem>>
      tpu.wait_dma2 semaphore(%run_scoped3A : memref<!tpu.dma_semaphore, #tpu.memory_space<semaphore_mem>>) src(%dma_wait3A_126 : memref<208x32xf32, #tpu.memory_space<vmem>>) dst(%dma_wait3A_123 : memref<208x32xf32, #tpu.memory_space<vmem_shared>>)
      tpu.yield
    }) : () -> ()
    %mul3A_8 = arith.constant 624 : i32
    %mul3A_9 = arith.muli %arg1, %mul3A_8 : i32
    %add3A_10 = arith.constant 208 : i32
    %add3A_11 = arith.addi %mul3A_9, %add3A_10 : i32
    %multiple_of3A_12 = tpu.assume_multiple %add3A_11, 8 : i32
    "tpu.region"() ({
      %run_scoped3A = tpu.sem_alloc : memref<!tpu.dma_semaphore, #tpu.memory_space<semaphore_mem>>
      %dma_start3A_107 = arith.constant 0 : i32
      %dma_start3A_108 = arith.constant 0 : i32
      %dma_start3A_109 = tpu.memref_slice %arg16[%dma_start3A_107, %dma_start3A_108] : memref<208x32xf32, #tpu.memory_space<vmem>> -> memref<208x32xf32, #tpu.memory_space<vmem>>
      %dma_start3A_110 = arith.constant 0 : i32
      %dma_start3A_111 = tpu.memref_slice %arg17[%multiple_of3A_12, %dma_start3A_110] : memref<10000x32xf32, #tpu.memory_space<vmem_shared>> -> memref<208x32xf32, #tpu.memory_space<vmem_shared>>
      %dma_start3A_112 = arith.constant 0 : i32
      %dma_start3A_113 = tpu.memref_slice %arg17[%multiple_of3A_12, %dma_start3A_112] : memref<10000x32xf32, #tpu.memory_space<vmem_shared>> -> memref<208x32xf32, #tpu.memory_space<vmem_shared>>
      %dma_start3A_114 = arith.constant 0 : i32
      %dma_start3A_115 = arith.constant 0 : i32
      %dma_start3A_116 = tpu.memref_slice %arg16[%dma_start3A_114, %dma_start3A_115] : memref<208x32xf32, #tpu.memory_space<vmem>> -> memref<208x32xf32, #tpu.memory_space<vmem>>
      tpu.enqueue_dma source(%dma_start3A_116 : memref<208x32xf32, #tpu.memory_space<vmem>>) target(%dma_start3A_113 : memref<208x32xf32, #tpu.memory_space<vmem_shared>>) target_semaphore(%run_scoped3A : memref<!tpu.dma_semaphore, #tpu.memory_space<semaphore_mem>>)
      %dma_wait3A_117 = arith.constant 0 : i32
      %dma_wait3A_118 = arith.constant 0 : i32
      %dma_wait3A_119 = tpu.memref_slice %arg16[%dma_wait3A_117, %dma_wait3A_118] : memref<208x32xf32, #tpu.memory_space<vmem>> -> memref<208x32xf32, #tpu.memory_space<vmem>>
      %dma_wait3A_120 = arith.constant 0 : i32
      %dma_wait3A_121 = tpu.memref_slice %arg17[%multiple_of3A_12, %dma_wait3A_120] : memref<10000x32xf32, #tpu.memory_space<vmem_shared>> -> memref<208x32xf32, #tpu.memory_space<vmem_shared>>
      %dma_wait3A_122 = arith.constant 0 : i32
      %dma_wait3A_123 = tpu.memref_slice %arg17[%multiple_of3A_12, %dma_wait3A_122] : memref<10000x32xf32, #tpu.memory_space<vmem_shared>> -> memref<208x32xf32, #tpu.memory_space<vmem_shared>>
      %dma_wait3A_124 = arith.constant 0 : i32
      %dma_wait3A_125 = arith.constant 0 : i32
      %dma_wait3A_126 = tpu.memref_slice %arg16[%dma_wait3A_124, %dma_wait3A_125] : memref<208x32xf32, #tpu.memory_space<vmem>> -> memref<208x32xf32, #tpu.memory_space<vmem>>
      tpu.wait_dma2 semaphore(%run_scoped3A : memref<!tpu.dma_semaphore, #tpu.memory_space<semaphore_mem>>) src(%dma_wait3A_126 : memref<208x32xf32, #tpu.memory_space<vmem>>) dst(%dma_wait3A_123 : memref<208x32xf32, #tpu.memory_space<vmem_shared>>)
      tpu.yield
    }) : () -> ()
    %mul3A_13 = arith.constant 624 : i32
    %mul3A_14 = arith.muli %arg1, %mul3A_13 : i32
    %add3A_15 = arith.constant 416 : i32
    %add3A_16 = arith.addi %mul3A_14, %add3A_15 : i32
    %multiple_of3A_17 = tpu.assume_multiple %add3A_16, 8 : i32
    "tpu.region"() ({
      %run_scoped3A = tpu.sem_alloc : memref<!tpu.dma_semaphore, #tpu.memory_space<semaphore_mem>>
      %dma_start3A_107 = arith.constant 0 : i32
      %dma_start3A_108 = arith.constant 0 : i32
      %dma_start3A_109 = tpu.memref_slice %arg16[%dma_start3A_107, %dma_start3A_108] : memref<208x32xf32, #tpu.memory_space<vmem>> -> memref<208x32xf32, #tpu.memory_space<vmem>>
      %dma_start3A_110 = arith.constant 0 : i32
      %dma_start3A_111 = tpu.memref_slice %arg17[%multiple_of3A_17, %dma_start3A_110] : memref<10000x32xf32, #tpu.memory_space<vmem_shared>> -> memref<208x32xf32, #tpu.memory_space<vmem_shared>>
      %dma_start3A_112 = arith.constant 0 : i32
      %dma_start3A_113 = tpu.memref_slice %arg17[%multiple_of3A_17, %dma_start3A_112] : memref<10000x32xf32, #tpu.memory_space<vmem_shared>> -> memref<208x32xf32, #tpu.memory_space<vmem_shared>>
      %dma_start3A_114 = arith.constant 0 : i32
      %dma_start3A_115 = arith.constant 0 : i32
      %dma_start3A_116 = tpu.memref_slice %arg16[%dma_start3A_114, %dma_start3A_115] : memref<208x32xf32, #tpu.memory_space<vmem>> -> memref<208x32xf32, #tpu.memory_space<vmem>>
      tpu.enqueue_dma source(%dma_start3A_116 : memref<208x32xf32, #tpu.memory_space<vmem>>) target(%dma_start3A_113 : memref<208x32xf32, #tpu.memory_space<vmem_shared>>) target_semaphore(%run_scoped3A : memref<!tpu.dma_semaphore, #tpu.memory_space<semaphore_mem>>)
      %dma_wait3A_117 = arith.constant 0 : i32
      %dma_wait3A_118 = arith.constant 0 : i32
      %dma_wait3A_119 = tpu.memref_slice %arg16[%dma_wait3A_117, %dma_wait3A_118] : memref<208x32xf32, #tpu.memory_space<vmem>> -> memref<208x32xf32, #tpu.memory_space<vmem>>
      %dma_wait3A_120 = arith.constant 0 : i32
      %dma_wait3A_121 = tpu.memref_slice %arg17[%multiple_of3A_17, %dma_wait3A_120] : memref<10000x32xf32, #tpu.memory_space<vmem_shared>> -> memref<208x32xf32, #tpu.memory_space<vmem_shared>>
      %dma_wait3A_122 = arith.constant 0 : i32
      %dma_wait3A_123 = tpu.memref_slice %arg17[%multiple_of3A_17, %dma_wait3A_122] : memref<10000x32xf32, #tpu.memory_space<vmem_shared>> -> memref<208x32xf32, #tpu.memory_space<vmem_shared>>
      %dma_wait3A_124 = arith.constant 0 : i32
      %dma_wait3A_125 = arith.constant 0 : i32
      %dma_wait3A_126 = tpu.memref_slice %arg16[%dma_wait3A_124, %dma_wait3A_125] : memref<208x32xf32, #tpu.memory_space<vmem>> -> memref<208x32xf32, #tpu.memory_space<vmem>>
      tpu.wait_dma2 semaphore(%run_scoped3A : memref<!tpu.dma_semaphore, #tpu.memory_space<semaphore_mem>>) src(%dma_wait3A_126 : memref<208x32xf32, #tpu.memory_space<vmem>>) dst(%dma_wait3A_123 : memref<208x32xf32, #tpu.memory_space<vmem_shared>>)
      tpu.yield
    }) : () -> ()
    %eq3A = arith.constant 15 : i32
    %eq3A_18 = arith.cmpi eq, %arg1, %eq3A : i32
    %convert_element_type3A = arith.extui %eq3A_18 : i1 to i32
    %cond3A = arith.constant 0 : i32
    %cond3A_19 = arith.cmpi ne, %convert_element_type3A, %cond3A : i32
    scf.if %cond3A_19 {
      "tpu.region"() ({
        %run_scoped3A = tpu.sem_alloc : memref<!tpu.dma_semaphore, #tpu.memory_space<semaphore_mem>>
        %dma_start3A_107 = arith.constant 0 : i32
        %dma_start3A_108 = arith.constant 0 : i32
        %dma_start3A_109 = tpu.memref_slice %arg16[%dma_start3A_107, %dma_start3A_108] : memref<208x32xf32, #tpu.memory_space<vmem>> -> memref<16x32xf32, #tpu.memory_space<vmem>>
        %dma_start3A_110 = arith.constant 9984 : i32
        %dma_start3A_111 = arith.constant 0 : i32
        %dma_start3A_112 = tpu.memref_slice %arg17[%dma_start3A_110, %dma_start3A_111] : memref<10000x32xf32, #tpu.memory_space<vmem_shared>> -> memref<16x32xf32, #tpu.memory_space<vmem_shared>>
        %dma_start3A_113 = arith.constant 9984 : i32
        %dma_start3A_114 = arith.constant 0 : i32
        %dma_start3A_115 = tpu.memref_slice %arg17[%dma_start3A_113, %dma_start3A_114] : memref<10000x32xf32, #tpu.memory_space<vmem_shared>> -> memref<16x32xf32, #tpu.memory_space<vmem_shared>>
        %dma_start3A_116 = arith.constant 0 : i32
        %dma_start3A_117 = arith.constant 0 : i32
        %dma_start3A_118 = tpu.memref_slice %arg16[%dma_start3A_116, %dma_start3A_117] : memref<208x32xf32, #tpu.memory_space<vmem>> -> memref<16x32xf32, #tpu.memory_space<vmem>>
        tpu.enqueue_dma source(%dma_start3A_118 : memref<16x32xf32, #tpu.memory_space<vmem>>) target(%dma_start3A_115 : memref<16x32xf32, #tpu.memory_space<vmem_shared>>) target_semaphore(%run_scoped3A : memref<!tpu.dma_semaphore, #tpu.memory_space<semaphore_mem>>)
        %dma_wait3A_119 = arith.constant 0 : i32
        %dma_wait3A_120 = arith.constant 0 : i32
        %dma_wait3A_121 = tpu.memref_slice %arg16[%dma_wait3A_119, %dma_wait3A_120] : memref<208x32xf32, #tpu.memory_space<vmem>> -> memref<16x32xf32, #tpu.memory_space<vmem>>
        %dma_wait3A_122 = arith.constant 9984 : i32
        %dma_wait3A_123 = arith.constant 0 : i32
        %dma_wait3A_124 = tpu.memref_slice %arg17[%dma_wait3A_122, %dma_wait3A_123] : memref<10000x32xf32, #tpu.memory_space<vmem_shared>> -> memref<16x32xf32, #tpu.memory_space<vmem_shared>>
        %dma_wait3A_125 = arith.constant 9984 : i32
        %dma_wait3A_126 = arith.constant 0 : i32
        %dma_wait3A_127 = tpu.memref_slice %arg17[%dma_wait3A_125, %dma_wait3A_126] : memref<10000x32xf32, #tpu.memory_space<vmem_shared>> -> memref<16x32xf32, #tpu.memory_space<vmem_shared>>
        %dma_wait3A_128 = arith.constant 0 : i32
        %dma_wait3A_129 = arith.constant 0 : i32
        %dma_wait3A_130 = tpu.memref_slice %arg16[%dma_wait3A_128, %dma_wait3A_129] : memref<208x32xf32, #tpu.memory_space<vmem>> -> memref<16x32xf32, #tpu.memory_space<vmem>>
        tpu.wait_dma2 semaphore(%run_scoped3A : memref<!tpu.dma_semaphore, #tpu.memory_space<semaphore_mem>>) src(%dma_wait3A_130 : memref<16x32xf32, #tpu.memory_space<vmem>>) dst(%dma_wait3A_127 : memref<16x32xf32, #tpu.memory_space<vmem_shared>>)
        tpu.yield
      }) : () -> ()
    } else {
    }
    %barrier3A = arith.constant 0 : index
    tpu.barrier barrier_id(%barrier3A)
    %dma_start3A = arith.constant 0 : i32
    %dma_start3A_20 = arith.constant 0 : i32
    %dma_start3A_21 = tpu.memref_slice %arg6[%dma_start3A, %dma_start3A_20] : memref<160x125xi32, #tpu.memory_space<vmem>> -> memref<1x125xi32, #tpu.memory_space<vmem>>
    %dma_start3A_22 = tpu.memref_squeeze %dma_start3A_21 : memref<1x125xi32, #tpu.memory_space<vmem>> -> memref<125xi32, #tpu.memory_space<vmem>>
    %dma_start3A_23 = arith.constant 0 : i32
    %dma_start3A_24 = arith.constant 0 : i32
    %dma_start3A_25 = tpu.memref_slice %arg2[%dma_start3A_23, %dma_start3A_24] : memref<20000x32xf32, #tpu.memory_space<hbm>> -> memref<20000x32xf32, #tpu.memory_space<hbm>>
    tpu.enqueue_indirect_dma source(%dma_start3A_25 : memref<20000x32xf32, #tpu.memory_space<hbm>>) target(%arg8 : memref<125x32xf32, #tpu.memory_space<vmem>>) offsets(%dma_start3A_22 : memref<125xi32, #tpu.memory_space<vmem>>) semaphore(%arg18 : memref<!tpu.dma_semaphore, #tpu.memory_space<semaphore_mem>>)
    %dma_start3A_26 = arith.constant 1 : i32
    %dma_start3A_27 = arith.constant 0 : i32
    %dma_start3A_28 = tpu.memref_slice %arg6[%dma_start3A_26, %dma_start3A_27] : memref<160x125xi32, #tpu.memory_space<vmem>> -> memref<1x125xi32, #tpu.memory_space<vmem>>
    %dma_start3A_29 = tpu.memref_squeeze %dma_start3A_28 : memref<1x125xi32, #tpu.memory_space<vmem>> -> memref<125xi32, #tpu.memory_space<vmem>>
    %dma_start3A_30 = arith.constant 0 : i32
    %dma_start3A_31 = arith.constant 0 : i32
    %dma_start3A_32 = tpu.memref_slice %arg2[%dma_start3A_30, %dma_start3A_31] : memref<20000x32xf32, #tpu.memory_space<hbm>> -> memref<20000x32xf32, #tpu.memory_space<hbm>>
    tpu.enqueue_indirect_dma source(%dma_start3A_32 : memref<20000x32xf32, #tpu.memory_space<hbm>>) target(%arg9 : memref<125x32xf32, #tpu.memory_space<vmem>>) offsets(%dma_start3A_29 : memref<125xi32, #tpu.memory_space<vmem>>) semaphore(%arg19 : memref<!tpu.dma_semaphore, #tpu.memory_space<semaphore_mem>>)
    %dma_start3A_33 = arith.constant 2 : i32
    %dma_start3A_34 = arith.constant 0 : i32
    %dma_start3A_35 = tpu.memref_slice %arg6[%dma_start3A_33, %dma_start3A_34] : memref<160x125xi32, #tpu.memory_space<vmem>> -> memref<1x125xi32, #tpu.memory_space<vmem>>
    %dma_start3A_36 = tpu.memref_squeeze %dma_start3A_35 : memref<1x125xi32, #tpu.memory_space<vmem>> -> memref<125xi32, #tpu.memory_space<vmem>>
    %dma_start3A_37 = arith.constant 0 : i32
    %dma_start3A_38 = arith.constant 0 : i32
    %dma_start3A_39 = tpu.memref_slice %arg2[%dma_start3A_37, %dma_start3A_38] : memref<20000x32xf32, #tpu.memory_space<hbm>> -> memref<20000x32xf32, #tpu.memory_space<hbm>>
    tpu.enqueue_indirect_dma source(%dma_start3A_39 : memref<20000x32xf32, #tpu.memory_space<hbm>>) target(%arg10 : memref<125x32xf32, #tpu.memory_space<vmem>>) offsets(%dma_start3A_36 : memref<125xi32, #tpu.memory_space<vmem>>) semaphore(%arg20 : memref<!tpu.dma_semaphore, #tpu.memory_space<semaphore_mem>>)
    %dma_start3A_40 = arith.constant 3 : i32
    %dma_start3A_41 = arith.constant 0 : i32
    %dma_start3A_42 = tpu.memref_slice %arg6[%dma_start3A_40, %dma_start3A_41] : memref<160x125xi32, #tpu.memory_space<vmem>> -> memref<1x125xi32, #tpu.memory_space<vmem>>
    %dma_start3A_43 = tpu.memref_squeeze %dma_start3A_42 : memref<1x125xi32, #tpu.memory_space<vmem>> -> memref<125xi32, #tpu.memory_space<vmem>>
    %dma_start3A_44 = arith.constant 0 : i32
    %dma_start3A_45 = arith.constant 0 : i32
    %dma_start3A_46 = tpu.memref_slice %arg2[%dma_start3A_44, %dma_start3A_45] : memref<20000x32xf32, #tpu.memory_space<hbm>> -> memref<20000x32xf32, #tpu.memory_space<hbm>>
    tpu.enqueue_indirect_dma source(%dma_start3A_46 : memref<20000x32xf32, #tpu.memory_space<hbm>>) target(%arg11 : memref<125x32xf32, #tpu.memory_space<vmem>>) offsets(%dma_start3A_43 : memref<125xi32, #tpu.memory_space<vmem>>) semaphore(%arg21 : memref<!tpu.dma_semaphore, #tpu.memory_space<semaphore_mem>>)
    %scan3A_47 = arith.constant 0 : i32
    %scan3A_48 = arith.constant 0 : i32
    %scan3A_49 = arith.constant 20 : i32
    %scan3A_50 = arith.addi %scan3A_48, %scan3A_49 : i32
    %scan3A_51 = arith.constant 1 : i32
    scf.for %scan3A_107 = %scan3A_48 to %scan3A_50 step %scan3A_51  : i32 {
      %mul3A_108 = arith.constant 8 : i32
      %mul3A_109 = arith.muli %scan3A_107, %mul3A_108 : i32
      %add3A_110 = arith.constant 0 : i32
      %add3A_111 = arith.addi %mul3A_109, %add3A_110 : i32
      %ge3A = arith.constant 4 : i32
      %ge3A_112 = arith.cmpi sge, %add3A_111, %ge3A : i32
      %convert_element_type3A_113 = arith.extui %ge3A_112 : i1 to i32
      %cond3A_114 = arith.constant 0 : i32
      %cond3A_115 = arith.cmpi ne, %convert_element_type3A_113, %cond3A_114 : i32
      scf.if %cond3A_115 {
        %dma_wait3A_338 = arith.constant 0 : i32
        %dma_wait3A_339 = arith.constant 0 : i32
        %dma_wait3A_340 = tpu.memref_slice %arg7[%dma_wait3A_338, %dma_wait3A_339] : memref<160x125xi32, #tpu.memory_space<vmem>> -> memref<1x125xi32, #tpu.memory_space<vmem>>
        %dma_wait3A_341 = tpu.memref_squeeze %dma_wait3A_340 : memref<1x125xi32, #tpu.memory_space<vmem>> -> memref<125xi32, #tpu.memory_space<vmem>>
        %dma_wait3A_342 = arith.constant 0 : i32
        %dma_wait3A_343 = arith.constant 0 : i32
        %dma_wait3A_344 = tpu.memref_slice %arg17[%dma_wait3A_342, %dma_wait3A_343] : memref<10000x32xf32, #tpu.memory_space<vmem_shared>> -> memref<10000x32xf32, #tpu.memory_space<vmem_shared>>
        tpu.wait_indirect_dma semaphore(%arg30 : memref<!tpu.dma_semaphore, #tpu.memory_space<semaphore_mem>>) src(%arg12 : memref<125x32xf32, #tpu.memory_space<vmem>>) dst(%dma_wait3A_344 : memref<10000x32xf32, #tpu.memory_space<vmem_shared>>)
      } else {
      }
      %add3A_116 = arith.constant 4 : i32
      %add3A_117 = arith.addi %add3A_111, %add3A_116 : i32
      %lt3A = arith.constant 160 : i32
      %lt3A_118 = arith.cmpi slt, %add3A_117, %lt3A : i32
      %convert_element_type3A_119 = arith.extui %lt3A_118 : i1 to i32
      %cond3A_120 = arith.constant 0 : i32
      %cond3A_121 = arith.cmpi ne, %convert_element_type3A_119, %cond3A_120 : i32
      scf.if %cond3A_121 {
        %add3A_338 = arith.constant 4 : i32
        %add3A_339 = arith.addi %add3A_111, %add3A_338 : i32
        %dma_start3A_340 = arith.constant 0 : i32
        %dma_start3A_341 = tpu.memref_slice %arg6[%add3A_339, %dma_start3A_340] : memref<160x125xi32, #tpu.memory_space<vmem>> -> memref<1x125xi32, #tpu.memory_space<vmem>>
        %dma_start3A_342 = tpu.memref_squeeze %dma_start3A_341 : memref<1x125xi32, #tpu.memory_space<vmem>> -> memref<125xi32, #tpu.memory_space<vmem>>
        %dma_start3A_343 = arith.constant 0 : i32
        %dma_start3A_344 = arith.constant 0 : i32
        %dma_start3A_345 = tpu.memref_slice %arg2[%dma_start3A_343, %dma_start3A_344] : memref<20000x32xf32, #tpu.memory_space<hbm>> -> memref<20000x32xf32, #tpu.memory_space<hbm>>
        tpu.enqueue_indirect_dma source(%dma_start3A_345 : memref<20000x32xf32, #tpu.memory_space<hbm>>) target(%arg12 : memref<125x32xf32, #tpu.memory_space<vmem>>) offsets(%dma_start3A_342 : memref<125xi32, #tpu.memory_space<vmem>>) semaphore(%arg22 : memref<!tpu.dma_semaphore, #tpu.memory_space<semaphore_mem>>)
      } else {
      }
      %dma_wait3A_122 = arith.constant 0 : i32
      %dma_wait3A_123 = arith.constant 0 : i32
      %dma_wait3A_124 = tpu.memref_slice %arg6[%dma_wait3A_122, %dma_wait3A_123] : memref<160x125xi32, #tpu.memory_space<vmem>> -> memref<1x125xi32, #tpu.memory_space<vmem>>
      %dma_wait3A_125 = tpu.memref_squeeze %dma_wait3A_124 : memref<1x125xi32, #tpu.memory_space<vmem>> -> memref<125xi32, #tpu.memory_space<vmem>>
      %dma_wait3A_126 = arith.constant 0 : i32
      %dma_wait3A_127 = arith.constant 0 : i32
      %dma_wait3A_128 = tpu.memref_slice %arg2[%dma_wait3A_126, %dma_wait3A_127] : memref<20000x32xf32, #tpu.memory_space<hbm>> -> memref<20000x32xf32, #tpu.memory_space<hbm>>
      tpu.wait_indirect_dma semaphore(%arg18 : memref<!tpu.dma_semaphore, #tpu.memory_space<semaphore_mem>>) src(%dma_wait3A_128 : memref<20000x32xf32, #tpu.memory_space<hbm>>) dst(%arg8 : memref<125x32xf32, #tpu.memory_space<vmem>>)
      %dma_start3A_129 = arith.constant 0 : i32
      %dma_start3A_130 = tpu.memref_slice %arg7[%add3A_111, %dma_start3A_129] : memref<160x125xi32, #tpu.memory_space<vmem>> -> memref<1x125xi32, #tpu.memory_space<vmem>>
      %dma_start3A_131 = tpu.memref_squeeze %dma_start3A_130 : memref<1x125xi32, #tpu.memory_space<vmem>> -> memref<125xi32, #tpu.memory_space<vmem>>
      %dma_start3A_132 = arith.constant 0 : i32
      %dma_start3A_133 = arith.constant 0 : i32
      %dma_start3A_134 = tpu.memref_slice %arg17[%dma_start3A_132, %dma_start3A_133] : memref<10000x32xf32, #tpu.memory_space<vmem_shared>> -> memref<10000x32xf32, #tpu.memory_space<vmem_shared>>
      tpu.enqueue_indirect_dma source(%arg8 : memref<125x32xf32, #tpu.memory_space<vmem>>) target(%dma_start3A_134 : memref<10000x32xf32, #tpu.memory_space<vmem_shared>>) offsets(%dma_start3A_131 : memref<125xi32, #tpu.memory_space<vmem>>) semaphore(%arg26 : memref<!tpu.dma_semaphore, #tpu.memory_space<semaphore_mem>>) {add = true}
      %mul3A_135 = arith.constant 8 : i32
      %mul3A_136 = arith.muli %scan3A_107, %mul3A_135 : i32
      %add3A_137 = arith.constant 1 : i32
      %add3A_138 = arith.addi %mul3A_136, %add3A_137 : i32
      %ge3A_139 = arith.constant 4 : i32
      %ge3A_140 = arith.cmpi sge, %add3A_138, %ge3A_139 : i32
      %convert_element_type3A_141 = arith.extui %ge3A_140 : i1 to i32
      %cond3A_142 = arith.constant 0 : i32
      %cond3A_143 = arith.cmpi ne, %convert_element_type3A_141, %cond3A_142 : i32
      scf.if %cond3A_143 {
        %dma_wait3A_338 = arith.constant 0 : i32
        %dma_wait3A_339 = arith.constant 0 : i32
        %dma_wait3A_340 = tpu.memref_slice %arg7[%dma_wait3A_338, %dma_wait3A_339] : memref<160x125xi32, #tpu.memory_space<vmem>> -> memref<1x125xi32, #tpu.memory_space<vmem>>
        %dma_wait3A_341 = tpu.memref_squeeze %dma_wait3A_340 : memref<1x125xi32, #tpu.memory_space<vmem>> -> memref<125xi32, #tpu.memory_space<vmem>>
        %dma_wait3A_342 = arith.constant 0 : i32
        %dma_wait3A_343 = arith.constant 0 : i32
        %dma_wait3A_344 = tpu.memref_slice %arg17[%dma_wait3A_342, %dma_wait3A_343] : memref<10000x32xf32, #tpu.memory_space<vmem_shared>> -> memref<10000x32xf32, #tpu.memory_space<vmem_shared>>
        tpu.wait_indirect_dma semaphore(%arg31 : memref<!tpu.dma_semaphore, #tpu.memory_space<semaphore_mem>>) src(%arg13 : memref<125x32xf32, #tpu.memory_space<vmem>>) dst(%dma_wait3A_344 : memref<10000x32xf32, #tpu.memory_space<vmem_shared>>)
      } else {
      }
      %add3A_144 = arith.constant 4 : i32
      %add3A_145 = arith.addi %add3A_138, %add3A_144 : i32
      %lt3A_146 = arith.constant 160 : i32
      %lt3A_147 = arith.cmpi slt, %add3A_145, %lt3A_146 : i32
      %convert_element_type3A_148 = arith.extui %lt3A_147 : i1 to i32
      %cond3A_149 = arith.constant 0 : i32
      %cond3A_150 = arith.cmpi ne, %convert_element_type3A_148, %cond3A_149 : i32
      scf.if %cond3A_150 {
        %add3A_338 = arith.constant 4 : i32
        %add3A_339 = arith.addi %add3A_138, %add3A_338 : i32
        %dma_start3A_340 = arith.constant 0 : i32
        %dma_start3A_341 = tpu.memref_slice %arg6[%add3A_339, %dma_start3A_340] : memref<160x125xi32, #tpu.memory_space<vmem>> -> memref<1x125xi32, #tpu.memory_space<vmem>>
        %dma_start3A_342 = tpu.memref_squeeze %dma_start3A_341 : memref<1x125xi32, #tpu.memory_space<vmem>> -> memref<125xi32, #tpu.memory_space<vmem>>
        %dma_start3A_343 = arith.constant 0 : i32
        %dma_start3A_344 = arith.constant 0 : i32
        %dma_start3A_345 = tpu.memref_slice %arg2[%dma_start3A_343, %dma_start3A_344] : memref<20000x32xf32, #tpu.memory_space<hbm>> -> memref<20000x32xf32, #tpu.memory_space<hbm>>
        tpu.enqueue_indirect_dma source(%dma_start3A_345 : memref<20000x32xf32, #tpu.memory_space<hbm>>) target(%arg13 : memref<125x32xf32, #tpu.memory_space<vmem>>) offsets(%dma_start3A_342 : memref<125xi32, #tpu.memory_space<vmem>>) semaphore(%arg23 : memref<!tpu.dma_semaphore, #tpu.memory_space<semaphore_mem>>)
      } else {
      }
      %dma_wait3A_151 = arith.constant 0 : i32
      %dma_wait3A_152 = arith.constant 0 : i32
      %dma_wait3A_153 = tpu.memref_slice %arg6[%dma_wait3A_151, %dma_wait3A_152] : memref<160x125xi32, #tpu.memory_space<vmem>> -> memref<1x125xi32, #tpu.memory_space<vmem>>
      %dma_wait3A_154 = tpu.memref_squeeze %dma_wait3A_153 : memref<1x125xi32, #tpu.memory_space<vmem>> -> memref<125xi32, #tpu.memory_space<vmem>>
      %dma_wait3A_155 = arith.constant 0 : i32
      %dma_wait3A_156 = arith.constant 0 : i32
      %dma_wait3A_157 = tpu.memref_slice %arg2[%dma_wait3A_155, %dma_wait3A_156] : memref<20000x32xf32, #tpu.memory_space<hbm>> -> memref<20000x32xf32, #tpu.memory_space<hbm>>
      tpu.wait_indirect_dma semaphore(%arg19 : memref<!tpu.dma_semaphore, #tpu.memory_space<semaphore_mem>>) src(%dma_wait3A_157 : memref<20000x32xf32, #tpu.memory_space<hbm>>) dst(%arg9 : memref<125x32xf32, #tpu.memory_space<vmem>>)
      %dma_start3A_158 = arith.constant 0 : i32
      %dma_start3A_159 = tpu.memref_slice %arg7[%add3A_138, %dma_start3A_158] : memref<160x125xi32, #tpu.memory_space<vmem>> -> memref<1x125xi32, #tpu.memory_space<vmem>>
      %dma_start3A_160 = tpu.memref_squeeze %dma_start3A_159 : memref<1x125xi32, #tpu.memory_space<vmem>> -> memref<125xi32, #tpu.memory_space<vmem>>
      %dma_start3A_161 = arith.constant 0 : i32
      %dma_start3A_162 = arith.constant 0 : i32
      %dma_start3A_163 = tpu.memref_slice %arg17[%dma_start3A_161, %dma_start3A_162] : memref<10000x32xf32, #tpu.memory_space<vmem_shared>> -> memref<10000x32xf32, #tpu.memory_space<vmem_shared>>
      tpu.enqueue_indirect_dma source(%arg9 : memref<125x32xf32, #tpu.memory_space<vmem>>) target(%dma_start3A_163 : memref<10000x32xf32, #tpu.memory_space<vmem_shared>>) offsets(%dma_start3A_160 : memref<125xi32, #tpu.memory_space<vmem>>) semaphore(%arg27 : memref<!tpu.dma_semaphore, #tpu.memory_space<semaphore_mem>>) {add = true}
      %mul3A_164 = arith.constant 8 : i32
      %mul3A_165 = arith.muli %scan3A_107, %mul3A_164 : i32
      %add3A_166 = arith.constant 2 : i32
      %add3A_167 = arith.addi %mul3A_165, %add3A_166 : i32
      %ge3A_168 = arith.constant 4 : i32
      %ge3A_169 = arith.cmpi sge, %add3A_167, %ge3A_168 : i32
      %convert_element_type3A_170 = arith.extui %ge3A_169 : i1 to i32
      %cond3A_171 = arith.constant 0 : i32
      %cond3A_172 = arith.cmpi ne, %convert_element_type3A_170, %cond3A_171 : i32
      scf.if %cond3A_172 {
        %dma_wait3A_338 = arith.constant 0 : i32
        %dma_wait3A_339 = arith.constant 0 : i32
        %dma_wait3A_340 = tpu.memref_slice %arg7[%dma_wait3A_338, %dma_wait3A_339] : memref<160x125xi32, #tpu.memory_space<vmem>> -> memref<1x125xi32, #tpu.memory_space<vmem>>
        %dma_wait3A_341 = tpu.memref_squeeze %dma_wait3A_340 : memref<1x125xi32, #tpu.memory_space<vmem>> -> memref<125xi32, #tpu.memory_space<vmem>>
        %dma_wait3A_342 = arith.constant 0 : i32
        %dma_wait3A_343 = arith.constant 0 : i32
        %dma_wait3A_344 = tpu.memref_slice %arg17[%dma_wait3A_342, %dma_wait3A_343] : memref<10000x32xf32, #tpu.memory_space<vmem_shared>> -> memref<10000x32xf32, #tpu.memory_space<vmem_shared>>
        tpu.wait_indirect_dma semaphore(%arg32 : memref<!tpu.dma_semaphore, #tpu.memory_space<semaphore_mem>>) src(%arg14 : memref<125x32xf32, #tpu.memory_space<vmem>>) dst(%dma_wait3A_344 : memref<10000x32xf32, #tpu.memory_space<vmem_shared>>)
      } else {
      }
      %add3A_173 = arith.constant 4 : i32
      %add3A_174 = arith.addi %add3A_167, %add3A_173 : i32
      %lt3A_175 = arith.constant 160 : i32
      %lt3A_176 = arith.cmpi slt, %add3A_174, %lt3A_175 : i32
      %convert_element_type3A_177 = arith.extui %lt3A_176 : i1 to i32
      %cond3A_178 = arith.constant 0 : i32
      %cond3A_179 = arith.cmpi ne, %convert_element_type3A_177, %cond3A_178 : i32
      scf.if %cond3A_179 {
        %add3A_338 = arith.constant 4 : i32
        %add3A_339 = arith.addi %add3A_167, %add3A_338 : i32
        %dma_start3A_340 = arith.constant 0 : i32
        %dma_start3A_341 = tpu.memref_slice %arg6[%add3A_339, %dma_start3A_340] : memref<160x125xi32, #tpu.memory_space<vmem>> -> memref<1x125xi32, #tpu.memory_space<vmem>>
        %dma_start3A_342 = tpu.memref_squeeze %dma_start3A_341 : memref<1x125xi32, #tpu.memory_space<vmem>> -> memref<125xi32, #tpu.memory_space<vmem>>
        %dma_start3A_343 = arith.constant 0 : i32
        %dma_start3A_344 = arith.constant 0 : i32
        %dma_start3A_345 = tpu.memref_slice %arg2[%dma_start3A_343, %dma_start3A_344] : memref<20000x32xf32, #tpu.memory_space<hbm>> -> memref<20000x32xf32, #tpu.memory_space<hbm>>
        tpu.enqueue_indirect_dma source(%dma_start3A_345 : memref<20000x32xf32, #tpu.memory_space<hbm>>) target(%arg14 : memref<125x32xf32, #tpu.memory_space<vmem>>) offsets(%dma_start3A_342 : memref<125xi32, #tpu.memory_space<vmem>>) semaphore(%arg24 : memref<!tpu.dma_semaphore, #tpu.memory_space<semaphore_mem>>)
      } else {
      }
      %dma_wait3A_180 = arith.constant 0 : i32
      %dma_wait3A_181 = arith.constant 0 : i32
      %dma_wait3A_182 = tpu.memref_slice %arg6[%dma_wait3A_180, %dma_wait3A_181] : memref<160x125xi32, #tpu.memory_space<vmem>> -> memref<1x125xi32, #tpu.memory_space<vmem>>
      %dma_wait3A_183 = tpu.memref_squeeze %dma_wait3A_182 : memref<1x125xi32, #tpu.memory_space<vmem>> -> memref<125xi32, #tpu.memory_space<vmem>>
      %dma_wait3A_184 = arith.constant 0 : i32
      %dma_wait3A_185 = arith.constant 0 : i32
      %dma_wait3A_186 = tpu.memref_slice %arg2[%dma_wait3A_184, %dma_wait3A_185] : memref<20000x32xf32, #tpu.memory_space<hbm>> -> memref<20000x32xf32, #tpu.memory_space<hbm>>
      tpu.wait_indirect_dma semaphore(%arg20 : memref<!tpu.dma_semaphore, #tpu.memory_space<semaphore_mem>>) src(%dma_wait3A_186 : memref<20000x32xf32, #tpu.memory_space<hbm>>) dst(%arg10 : memref<125x32xf32, #tpu.memory_space<vmem>>)
      %dma_start3A_187 = arith.constant 0 : i32
      %dma_start3A_188 = tpu.memref_slice %arg7[%add3A_167, %dma_start3A_187] : memref<160x125xi32, #tpu.memory_space<vmem>> -> memref<1x125xi32, #tpu.memory_space<vmem>>
      %dma_start3A_189 = tpu.memref_squeeze %dma_start3A_188 : memref<1x125xi32, #tpu.memory_space<vmem>> -> memref<125xi32, #tpu.memory_space<vmem>>
      %dma_start3A_190 = arith.constant 0 : i32
      %dma_start3A_191 = arith.constant 0 : i32
      %dma_start3A_192 = tpu.memref_slice %arg17[%dma_start3A_190, %dma_start3A_191] : memref<10000x32xf32, #tpu.memory_space<vmem_shared>> -> memref<10000x32xf32, #tpu.memory_space<vmem_shared>>
      tpu.enqueue_indirect_dma source(%arg10 : memref<125x32xf32, #tpu.memory_space<vmem>>) target(%dma_start3A_192 : memref<10000x32xf32, #tpu.memory_space<vmem_shared>>) offsets(%dma_start3A_189 : memref<125xi32, #tpu.memory_space<vmem>>) semaphore(%arg28 : memref<!tpu.dma_semaphore, #tpu.memory_space<semaphore_mem>>) {add = true}
      %mul3A_193 = arith.constant 8 : i32
      %mul3A_194 = arith.muli %scan3A_107, %mul3A_193 : i32
      %add3A_195 = arith.constant 3 : i32
      %add3A_196 = arith.addi %mul3A_194, %add3A_195 : i32
      %ge3A_197 = arith.constant 4 : i32
      %ge3A_198 = arith.cmpi sge, %add3A_196, %ge3A_197 : i32
      %convert_element_type3A_199 = arith.extui %ge3A_198 : i1 to i32
      %cond3A_200 = arith.constant 0 : i32
      %cond3A_201 = arith.cmpi ne, %convert_element_type3A_199, %cond3A_200 : i32
      scf.if %cond3A_201 {
        %dma_wait3A_338 = arith.constant 0 : i32
        %dma_wait3A_339 = arith.constant 0 : i32
        %dma_wait3A_340 = tpu.memref_slice %arg7[%dma_wait3A_338, %dma_wait3A_339] : memref<160x125xi32, #tpu.memory_space<vmem>> -> memref<1x125xi32, #tpu.memory_space<vmem>>
        %dma_wait3A_341 = tpu.memref_squeeze %dma_wait3A_340 : memref<1x125xi32, #tpu.memory_space<vmem>> -> memref<125xi32, #tpu.memory_space<vmem>>
        %dma_wait3A_342 = arith.constant 0 : i32
        %dma_wait3A_343 = arith.constant 0 : i32
        %dma_wait3A_344 = tpu.memref_slice %arg17[%dma_wait3A_342, %dma_wait3A_343] : memref<10000x32xf32, #tpu.memory_space<vmem_shared>> -> memref<10000x32xf32, #tpu.memory_space<vmem_shared>>
        tpu.wait_indirect_dma semaphore(%arg33 : memref<!tpu.dma_semaphore, #tpu.memory_space<semaphore_mem>>) src(%arg15 : memref<125x32xf32, #tpu.memory_space<vmem>>) dst(%dma_wait3A_344 : memref<10000x32xf32, #tpu.memory_space<vmem_shared>>)
      } else {
      }
      %add3A_202 = arith.constant 4 : i32
      %add3A_203 = arith.addi %add3A_196, %add3A_202 : i32
      %lt3A_204 = arith.constant 160 : i32
      %lt3A_205 = arith.cmpi slt, %add3A_203, %lt3A_204 : i32
      %convert_element_type3A_206 = arith.extui %lt3A_205 : i1 to i32
      %cond3A_207 = arith.constant 0 : i32
      %cond3A_208 = arith.cmpi ne, %convert_element_type3A_206, %cond3A_207 : i32
      scf.if %cond3A_208 {
        %add3A_338 = arith.constant 4 : i32
        %add3A_339 = arith.addi %add3A_196, %add3A_338 : i32
        %dma_start3A_340 = arith.constant 0 : i32
        %dma_start3A_341 = tpu.memref_slice %arg6[%add3A_339, %dma_start3A_340] : memref<160x125xi32, #tpu.memory_space<vmem>> -> memref<1x125xi32, #tpu.memory_space<vmem>>
        %dma_start3A_342 = tpu.memref_squeeze %dma_start3A_341 : memref<1x125xi32, #tpu.memory_space<vmem>> -> memref<125xi32, #tpu.memory_space<vmem>>
        %dma_start3A_343 = arith.constant 0 : i32
        %dma_start3A_344 = arith.constant 0 : i32
        %dma_start3A_345 = tpu.memref_slice %arg2[%dma_start3A_343, %dma_start3A_344] : memref<20000x32xf32, #tpu.memory_space<hbm>> -> memref<20000x32xf32, #tpu.memory_space<hbm>>
        tpu.enqueue_indirect_dma source(%dma_start3A_345 : memref<20000x32xf32, #tpu.memory_space<hbm>>) target(%arg15 : memref<125x32xf32, #tpu.memory_space<vmem>>) offsets(%dma_start3A_342 : memref<125xi32, #tpu.memory_space<vmem>>) semaphore(%arg25 : memref<!tpu.dma_semaphore, #tpu.memory_space<semaphore_mem>>)
      } else {
      }
      %dma_wait3A_209 = arith.constant 0 : i32
      %dma_wait3A_210 = arith.constant 0 : i32
      %dma_wait3A_211 = tpu.memref_slice %arg6[%dma_wait3A_209, %dma_wait3A_210] : memref<160x125xi32, #tpu.memory_space<vmem>> -> memref<1x125xi32, #tpu.memory_space<vmem>>
      %dma_wait3A_212 = tpu.memref_squeeze %dma_wait3A_211 : memref<1x125xi32, #tpu.memory_space<vmem>> -> memref<125xi32, #tpu.memory_space<vmem>>
      %dma_wait3A_213 = arith.constant 0 : i32
      %dma_wait3A_214 = arith.constant 0 : i32
      %dma_wait3A_215 = tpu.memref_slice %arg2[%dma_wait3A_213, %dma_wait3A_214] : memref<20000x32xf32, #tpu.memory_space<hbm>> -> memref<20000x32xf32, #tpu.memory_space<hbm>>
      tpu.wait_indirect_dma semaphore(%arg21 : memref<!tpu.dma_semaphore, #tpu.memory_space<semaphore_mem>>) src(%dma_wait3A_215 : memref<20000x32xf32, #tpu.memory_space<hbm>>) dst(%arg11 : memref<125x32xf32, #tpu.memory_space<vmem>>)
      %dma_start3A_216 = arith.constant 0 : i32
      %dma_start3A_217 = tpu.memref_slice %arg7[%add3A_196, %dma_start3A_216] : memref<160x125xi32, #tpu.memory_space<vmem>> -> memref<1x125xi32, #tpu.memory_space<vmem>>
      %dma_start3A_218 = tpu.memref_squeeze %dma_start3A_217 : memref<1x125xi32, #tpu.memory_space<vmem>> -> memref<125xi32, #tpu.memory_space<vmem>>
      %dma_start3A_219 = arith.constant 0 : i32
      %dma_start3A_220 = arith.constant 0 : i32
      %dma_start3A_221 = tpu.memref_slice %arg17[%dma_start3A_219, %dma_start3A_220] : memref<10000x32xf32, #tpu.memory_space<vmem_shared>> -> memref<10000x32xf32, #tpu.memory_space<vmem_shared>>
      tpu.enqueue_indirect_dma source(%arg11 : memref<125x32xf32, #tpu.memory_space<vmem>>) target(%dma_start3A_221 : memref<10000x32xf32, #tpu.memory_space<vmem_shared>>) offsets(%dma_start3A_218 : memref<125xi32, #tpu.memory_space<vmem>>) semaphore(%arg29 : memref<!tpu.dma_semaphore, #tpu.memory_space<semaphore_mem>>) {add = true}
      %mul3A_222 = arith.constant 8 : i32
      %mul3A_223 = arith.muli %scan3A_107, %mul3A_222 : i32
      %add3A_224 = arith.constant 4 : i32
      %add3A_225 = arith.addi %mul3A_223, %add3A_224 : i32
      %ge3A_226 = arith.constant 4 : i32
      %ge3A_227 = arith.cmpi sge, %add3A_225, %ge3A_226 : i32
      %convert_element_type3A_228 = arith.extui %ge3A_227 : i1 to i32
      %cond3A_229 = arith.constant 0 : i32
      %cond3A_230 = arith.cmpi ne, %convert_element_type3A_228, %cond3A_229 : i32
      scf.if %cond3A_230 {
        %dma_wait3A_338 = arith.constant 0 : i32
        %dma_wait3A_339 = arith.constant 0 : i32
        %dma_wait3A_340 = tpu.memref_slice %arg7[%dma_wait3A_338, %dma_wait3A_339] : memref<160x125xi32, #tpu.memory_space<vmem>> -> memref<1x125xi32, #tpu.memory_space<vmem>>
        %dma_wait3A_341 = tpu.memref_squeeze %dma_wait3A_340 : memref<1x125xi32, #tpu.memory_space<vmem>> -> memref<125xi32, #tpu.memory_space<vmem>>
        %dma_wait3A_342 = arith.constant 0 : i32
        %dma_wait3A_343 = arith.constant 0 : i32
        %dma_wait3A_344 = tpu.memref_slice %arg17[%dma_wait3A_342, %dma_wait3A_343] : memref<10000x32xf32, #tpu.memory_space<vmem_shared>> -> memref<10000x32xf32, #tpu.memory_space<vmem_shared>>
        tpu.wait_indirect_dma semaphore(%arg26 : memref<!tpu.dma_semaphore, #tpu.memory_space<semaphore_mem>>) src(%arg8 : memref<125x32xf32, #tpu.memory_space<vmem>>) dst(%dma_wait3A_344 : memref<10000x32xf32, #tpu.memory_space<vmem_shared>>)
      } else {
      }
      %add3A_231 = arith.constant 4 : i32
      %add3A_232 = arith.addi %add3A_225, %add3A_231 : i32
      %lt3A_233 = arith.constant 160 : i32
      %lt3A_234 = arith.cmpi slt, %add3A_232, %lt3A_233 : i32
      %convert_element_type3A_235 = arith.extui %lt3A_234 : i1 to i32
      %cond3A_236 = arith.constant 0 : i32
      %cond3A_237 = arith.cmpi ne, %convert_element_type3A_235, %cond3A_236 : i32
      scf.if %cond3A_237 {
        %add3A_338 = arith.constant 4 : i32
        %add3A_339 = arith.addi %add3A_225, %add3A_338 : i32
        %dma_start3A_340 = arith.constant 0 : i32
        %dma_start3A_341 = tpu.memref_slice %arg6[%add3A_339, %dma_start3A_340] : memref<160x125xi32, #tpu.memory_space<vmem>> -> memref<1x125xi32, #tpu.memory_space<vmem>>
        %dma_start3A_342 = tpu.memref_squeeze %dma_start3A_341 : memref<1x125xi32, #tpu.memory_space<vmem>> -> memref<125xi32, #tpu.memory_space<vmem>>
        %dma_start3A_343 = arith.constant 0 : i32
        %dma_start3A_344 = arith.constant 0 : i32
        %dma_start3A_345 = tpu.memref_slice %arg2[%dma_start3A_343, %dma_start3A_344] : memref<20000x32xf32, #tpu.memory_space<hbm>> -> memref<20000x32xf32, #tpu.memory_space<hbm>>
        tpu.enqueue_indirect_dma source(%dma_start3A_345 : memref<20000x32xf32, #tpu.memory_space<hbm>>) target(%arg8 : memref<125x32xf32, #tpu.memory_space<vmem>>) offsets(%dma_start3A_342 : memref<125xi32, #tpu.memory_space<vmem>>) semaphore(%arg18 : memref<!tpu.dma_semaphore, #tpu.memory_space<semaphore_mem>>)
      } else {
      }
      %dma_wait3A_238 = arith.constant 0 : i32
      %dma_wait3A_239 = arith.constant 0 : i32
      %dma_wait3A_240 = tpu.memref_slice %arg6[%dma_wait3A_238, %dma_wait3A_239] : memref<160x125xi32, #tpu.memory_space<vmem>> -> memref<1x125xi32, #tpu.memory_space<vmem>>
      %dma_wait3A_241 = tpu.memref_squeeze %dma_wait3A_240 : memref<1x125xi32, #tpu.memory_space<vmem>> -> memref<125xi32, #tpu.memory_space<vmem>>
      %dma_wait3A_242 = arith.constant 0 : i32
      %dma_wait3A_243 = arith.constant 0 : i32
      %dma_wait3A_244 = tpu.memref_slice %arg2[%dma_wait3A_242, %dma_wait3A_243] : memref<20000x32xf32, #tpu.memory_space<hbm>> -> memref<20000x32xf32, #tpu.memory_space<hbm>>
      tpu.wait_indirect_dma semaphore(%arg22 : memref<!tpu.dma_semaphore, #tpu.memory_space<semaphore_mem>>) src(%dma_wait3A_244 : memref<20000x32xf32, #tpu.memory_space<hbm>>) dst(%arg12 : memref<125x32xf32, #tpu.memory_space<vmem>>)
      %dma_start3A_245 = arith.constant 0 : i32
      %dma_start3A_246 = tpu.memref_slice %arg7[%add3A_225, %dma_start3A_245] : memref<160x125xi32, #tpu.memory_space<vmem>> -> memref<1x125xi32, #tpu.memory_space<vmem>>
      %dma_start3A_247 = tpu.memref_squeeze %dma_start3A_246 : memref<1x125xi32, #tpu.memory_space<vmem>> -> memref<125xi32, #tpu.memory_space<vmem>>
      %dma_start3A_248 = arith.constant 0 : i32
      %dma_start3A_249 = arith.constant 0 : i32
      %dma_start3A_250 = tpu.memref_slice %arg17[%dma_start3A_248, %dma_start3A_249] : memref<10000x32xf32, #tpu.memory_space<vmem_shared>> -> memref<10000x32xf32, #tpu.memory_space<vmem_shared>>
      tpu.enqueue_indirect_dma source(%arg12 : memref<125x32xf32, #tpu.memory_space<vmem>>) target(%dma_start3A_250 : memref<10000x32xf32, #tpu.memory_space<vmem_shared>>) offsets(%dma_start3A_247 : memref<125xi32, #tpu.memory_space<vmem>>) semaphore(%arg30 : memref<!tpu.dma_semaphore, #tpu.memory_space<semaphore_mem>>) {add = true}
      %mul3A_251 = arith.constant 8 : i32
      %mul3A_252 = arith.muli %scan3A_107, %mul3A_251 : i32
      %add3A_253 = arith.constant 5 : i32
      %add3A_254 = arith.addi %mul3A_252, %add3A_253 : i32
      %ge3A_255 = arith.constant 4 : i32
      %ge3A_256 = arith.cmpi sge, %add3A_254, %ge3A_255 : i32
      %convert_element_type3A_257 = arith.extui %ge3A_256 : i1 to i32
      %cond3A_258 = arith.constant 0 : i32
      %cond3A_259 = arith.cmpi ne, %convert_element_type3A_257, %cond3A_258 : i32
      scf.if %cond3A_259 {
        %dma_wait3A_338 = arith.constant 0 : i32
        %dma_wait3A_339 = arith.constant 0 : i32
        %dma_wait3A_340 = tpu.memref_slice %arg7[%dma_wait3A_338, %dma_wait3A_339] : memref<160x125xi32, #tpu.memory_space<vmem>> -> memref<1x125xi32, #tpu.memory_space<vmem>>
        %dma_wait3A_341 = tpu.memref_squeeze %dma_wait3A_340 : memref<1x125xi32, #tpu.memory_space<vmem>> -> memref<125xi32, #tpu.memory_space<vmem>>
        %dma_wait3A_342 = arith.constant 0 : i32
        %dma_wait3A_343 = arith.constant 0 : i32
        %dma_wait3A_344 = tpu.memref_slice %arg17[%dma_wait3A_342, %dma_wait3A_343] : memref<10000x32xf32, #tpu.memory_space<vmem_shared>> -> memref<10000x32xf32, #tpu.memory_space<vmem_shared>>
        tpu.wait_indirect_dma semaphore(%arg27 : memref<!tpu.dma_semaphore, #tpu.memory_space<semaphore_mem>>) src(%arg9 : memref<125x32xf32, #tpu.memory_space<vmem>>) dst(%dma_wait3A_344 : memref<10000x32xf32, #tpu.memory_space<vmem_shared>>)
      } else {
      }
      %add3A_260 = arith.constant 4 : i32
      %add3A_261 = arith.addi %add3A_254, %add3A_260 : i32
      %lt3A_262 = arith.constant 160 : i32
      %lt3A_263 = arith.cmpi slt, %add3A_261, %lt3A_262 : i32
      %convert_element_type3A_264 = arith.extui %lt3A_263 : i1 to i32
      %cond3A_265 = arith.constant 0 : i32
      %cond3A_266 = arith.cmpi ne, %convert_element_type3A_264, %cond3A_265 : i32
      scf.if %cond3A_266 {
        %add3A_338 = arith.constant 4 : i32
        %add3A_339 = arith.addi %add3A_254, %add3A_338 : i32
        %dma_start3A_340 = arith.constant 0 : i32
        %dma_start3A_341 = tpu.memref_slice %arg6[%add3A_339, %dma_start3A_340] : memref<160x125xi32, #tpu.memory_space<vmem>> -> memref<1x125xi32, #tpu.memory_space<vmem>>
        %dma_start3A_342 = tpu.memref_squeeze %dma_start3A_341 : memref<1x125xi32, #tpu.memory_space<vmem>> -> memref<125xi32, #tpu.memory_space<vmem>>
        %dma_start3A_343 = arith.constant 0 : i32
        %dma_start3A_344 = arith.constant 0 : i32
        %dma_start3A_345 = tpu.memref_slice %arg2[%dma_start3A_343, %dma_start3A_344] : memref<20000x32xf32, #tpu.memory_space<hbm>> -> memref<20000x32xf32, #tpu.memory_space<hbm>>
        tpu.enqueue_indirect_dma source(%dma_start3A_345 : memref<20000x32xf32, #tpu.memory_space<hbm>>) target(%arg9 : memref<125x32xf32, #tpu.memory_space<vmem>>) offsets(%dma_start3A_342 : memref<125xi32, #tpu.memory_space<vmem>>) semaphore(%arg19 : memref<!tpu.dma_semaphore, #tpu.memory_space<semaphore_mem>>)
      } else {
      }
      %dma_wait3A_267 = arith.constant 0 : i32
      %dma_wait3A_268 = arith.constant 0 : i32
      %dma_wait3A_269 = tpu.memref_slice %arg6[%dma_wait3A_267, %dma_wait3A_268] : memref<160x125xi32, #tpu.memory_space<vmem>> -> memref<1x125xi32, #tpu.memory_space<vmem>>
      %dma_wait3A_270 = tpu.memref_squeeze %dma_wait3A_269 : memref<1x125xi32, #tpu.memory_space<vmem>> -> memref<125xi32, #tpu.memory_space<vmem>>
      %dma_wait3A_271 = arith.constant 0 : i32
      %dma_wait3A_272 = arith.constant 0 : i32
      %dma_wait3A_273 = tpu.memref_slice %arg2[%dma_wait3A_271, %dma_wait3A_272] : memref<20000x32xf32, #tpu.memory_space<hbm>> -> memref<20000x32xf32, #tpu.memory_space<hbm>>
      tpu.wait_indirect_dma semaphore(%arg23 : memref<!tpu.dma_semaphore, #tpu.memory_space<semaphore_mem>>) src(%dma_wait3A_273 : memref<20000x32xf32, #tpu.memory_space<hbm>>) dst(%arg13 : memref<125x32xf32, #tpu.memory_space<vmem>>)
      %dma_start3A_274 = arith.constant 0 : i32
      %dma_start3A_275 = tpu.memref_slice %arg7[%add3A_254, %dma_start3A_274] : memref<160x125xi32, #tpu.memory_space<vmem>> -> memref<1x125xi32, #tpu.memory_space<vmem>>
      %dma_start3A_276 = tpu.memref_squeeze %dma_start3A_275 : memref<1x125xi32, #tpu.memory_space<vmem>> -> memref<125xi32, #tpu.memory_space<vmem>>
      %dma_start3A_277 = arith.constant 0 : i32
      %dma_start3A_278 = arith.constant 0 : i32
      %dma_start3A_279 = tpu.memref_slice %arg17[%dma_start3A_277, %dma_start3A_278] : memref<10000x32xf32, #tpu.memory_space<vmem_shared>> -> memref<10000x32xf32, #tpu.memory_space<vmem_shared>>
      tpu.enqueue_indirect_dma source(%arg13 : memref<125x32xf32, #tpu.memory_space<vmem>>) target(%dma_start3A_279 : memref<10000x32xf32, #tpu.memory_space<vmem_shared>>) offsets(%dma_start3A_276 : memref<125xi32, #tpu.memory_space<vmem>>) semaphore(%arg31 : memref<!tpu.dma_semaphore, #tpu.memory_space<semaphore_mem>>) {add = true}
      %mul3A_280 = arith.constant 8 : i32
      %mul3A_281 = arith.muli %scan3A_107, %mul3A_280 : i32
      %add3A_282 = arith.constant 6 : i32
      %add3A_283 = arith.addi %mul3A_281, %add3A_282 : i32
      %ge3A_284 = arith.constant 4 : i32
      %ge3A_285 = arith.cmpi sge, %add3A_283, %ge3A_284 : i32
      %convert_element_type3A_286 = arith.extui %ge3A_285 : i1 to i32
      %cond3A_287 = arith.constant 0 : i32
      %cond3A_288 = arith.cmpi ne, %convert_element_type3A_286, %cond3A_287 : i32
      scf.if %cond3A_288 {
        %dma_wait3A_338 = arith.constant 0 : i32
        %dma_wait3A_339 = arith.constant 0 : i32
        %dma_wait3A_340 = tpu.memref_slice %arg7[%dma_wait3A_338, %dma_wait3A_339] : memref<160x125xi32, #tpu.memory_space<vmem>> -> memref<1x125xi32, #tpu.memory_space<vmem>>
        %dma_wait3A_341 = tpu.memref_squeeze %dma_wait3A_340 : memref<1x125xi32, #tpu.memory_space<vmem>> -> memref<125xi32, #tpu.memory_space<vmem>>
        %dma_wait3A_342 = arith.constant 0 : i32
        %dma_wait3A_343 = arith.constant 0 : i32
        %dma_wait3A_344 = tpu.memref_slice %arg17[%dma_wait3A_342, %dma_wait3A_343] : memref<10000x32xf32, #tpu.memory_space<vmem_shared>> -> memref<10000x32xf32, #tpu.memory_space<vmem_shared>>
        tpu.wait_indirect_dma semaphore(%arg28 : memref<!tpu.dma_semaphore, #tpu.memory_space<semaphore_mem>>) src(%arg10 : memref<125x32xf32, #tpu.memory_space<vmem>>) dst(%dma_wait3A_344 : memref<10000x32xf32, #tpu.memory_space<vmem_shared>>)
      } else {
      }
      %add3A_289 = arith.constant 4 : i32
      %add3A_290 = arith.addi %add3A_283, %add3A_289 : i32
      %lt3A_291 = arith.constant 160 : i32
      %lt3A_292 = arith.cmpi slt, %add3A_290, %lt3A_291 : i32
      %convert_element_type3A_293 = arith.extui %lt3A_292 : i1 to i32
      %cond3A_294 = arith.constant 0 : i32
      %cond3A_295 = arith.cmpi ne, %convert_element_type3A_293, %cond3A_294 : i32
      scf.if %cond3A_295 {
        %add3A_338 = arith.constant 4 : i32
        %add3A_339 = arith.addi %add3A_283, %add3A_338 : i32
        %dma_start3A_340 = arith.constant 0 : i32
        %dma_start3A_341 = tpu.memref_slice %arg6[%add3A_339, %dma_start3A_340] : memref<160x125xi32, #tpu.memory_space<vmem>> -> memref<1x125xi32, #tpu.memory_space<vmem>>
        %dma_start3A_342 = tpu.memref_squeeze %dma_start3A_341 : memref<1x125xi32, #tpu.memory_space<vmem>> -> memref<125xi32, #tpu.memory_space<vmem>>
        %dma_start3A_343 = arith.constant 0 : i32
        %dma_start3A_344 = arith.constant 0 : i32
        %dma_start3A_345 = tpu.memref_slice %arg2[%dma_start3A_343, %dma_start3A_344] : memref<20000x32xf32, #tpu.memory_space<hbm>> -> memref<20000x32xf32, #tpu.memory_space<hbm>>
        tpu.enqueue_indirect_dma source(%dma_start3A_345 : memref<20000x32xf32, #tpu.memory_space<hbm>>) target(%arg10 : memref<125x32xf32, #tpu.memory_space<vmem>>) offsets(%dma_start3A_342 : memref<125xi32, #tpu.memory_space<vmem>>) semaphore(%arg20 : memref<!tpu.dma_semaphore, #tpu.memory_space<semaphore_mem>>)
      } else {
      }
      %dma_wait3A_296 = arith.constant 0 : i32
      %dma_wait3A_297 = arith.constant 0 : i32
      %dma_wait3A_298 = tpu.memref_slice %arg6[%dma_wait3A_296, %dma_wait3A_297] : memref<160x125xi32, #tpu.memory_space<vmem>> -> memref<1x125xi32, #tpu.memory_space<vmem>>
      %dma_wait3A_299 = tpu.memref_squeeze %dma_wait3A_298 : memref<1x125xi32, #tpu.memory_space<vmem>> -> memref<125xi32, #tpu.memory_space<vmem>>
      %dma_wait3A_300 = arith.constant 0 : i32
      %dma_wait3A_301 = arith.constant 0 : i32
      %dma_wait3A_302 = tpu.memref_slice %arg2[%dma_wait3A_300, %dma_wait3A_301] : memref<20000x32xf32, #tpu.memory_space<hbm>> -> memref<20000x32xf32, #tpu.memory_space<hbm>>
      tpu.wait_indirect_dma semaphore(%arg24 : memref<!tpu.dma_semaphore, #tpu.memory_space<semaphore_mem>>) src(%dma_wait3A_302 : memref<20000x32xf32, #tpu.memory_space<hbm>>) dst(%arg14 : memref<125x32xf32, #tpu.memory_space<vmem>>)
      %dma_start3A_303 = arith.constant 0 : i32
      %dma_start3A_304 = tpu.memref_slice %arg7[%add3A_283, %dma_start3A_303] : memref<160x125xi32, #tpu.memory_space<vmem>> -> memref<1x125xi32, #tpu.memory_space<vmem>>
      %dma_start3A_305 = tpu.memref_squeeze %dma_start3A_304 : memref<1x125xi32, #tpu.memory_space<vmem>> -> memref<125xi32, #tpu.memory_space<vmem>>
      %dma_start3A_306 = arith.constant 0 : i32
      %dma_start3A_307 = arith.constant 0 : i32
      %dma_start3A_308 = tpu.memref_slice %arg17[%dma_start3A_306, %dma_start3A_307] : memref<10000x32xf32, #tpu.memory_space<vmem_shared>> -> memref<10000x32xf32, #tpu.memory_space<vmem_shared>>
      tpu.enqueue_indirect_dma source(%arg14 : memref<125x32xf32, #tpu.memory_space<vmem>>) target(%dma_start3A_308 : memref<10000x32xf32, #tpu.memory_space<vmem_shared>>) offsets(%dma_start3A_305 : memref<125xi32, #tpu.memory_space<vmem>>) semaphore(%arg32 : memref<!tpu.dma_semaphore, #tpu.memory_space<semaphore_mem>>) {add = true}
      %mul3A_309 = arith.constant 8 : i32
      %mul3A_310 = arith.muli %scan3A_107, %mul3A_309 : i32
      %add3A_311 = arith.constant 7 : i32
      %add3A_312 = arith.addi %mul3A_310, %add3A_311 : i32
      %ge3A_313 = arith.constant 4 : i32
      %ge3A_314 = arith.cmpi sge, %add3A_312, %ge3A_313 : i32
      %convert_element_type3A_315 = arith.extui %ge3A_314 : i1 to i32
      %cond3A_316 = arith.constant 0 : i32
      %cond3A_317 = arith.cmpi ne, %convert_element_type3A_315, %cond3A_316 : i32
      scf.if %cond3A_317 {
        %dma_wait3A_338 = arith.constant 0 : i32
        %dma_wait3A_339 = arith.constant 0 : i32
        %dma_wait3A_340 = tpu.memref_slice %arg7[%dma_wait3A_338, %dma_wait3A_339] : memref<160x125xi32, #tpu.memory_space<vmem>> -> memref<1x125xi32, #tpu.memory_space<vmem>>
        %dma_wait3A_341 = tpu.memref_squeeze %dma_wait3A_340 : memref<1x125xi32, #tpu.memory_space<vmem>> -> memref<125xi32, #tpu.memory_space<vmem>>
        %dma_wait3A_342 = arith.constant 0 : i32
        %dma_wait3A_343 = arith.constant 0 : i32
        %dma_wait3A_344 = tpu.memref_slice %arg17[%dma_wait3A_342, %dma_wait3A_343] : memref<10000x32xf32, #tpu.memory_space<vmem_shared>> -> memref<10000x32xf32, #tpu.memory_space<vmem_shared>>
        tpu.wait_indirect_dma semaphore(%arg29 : memref<!tpu.dma_semaphore, #tpu.memory_space<semaphore_mem>>) src(%arg11 : memref<125x32xf32, #tpu.memory_space<vmem>>) dst(%dma_wait3A_344 : memref<10000x32xf32, #tpu.memory_space<vmem_shared>>)
      } else {
      }
      %add3A_318 = arith.constant 4 : i32
      %add3A_319 = arith.addi %add3A_312, %add3A_318 : i32
      %lt3A_320 = arith.constant 160 : i32
      %lt3A_321 = arith.cmpi slt, %add3A_319, %lt3A_320 : i32
      %convert_element_type3A_322 = arith.extui %lt3A_321 : i1 to i32
      %cond3A_323 = arith.constant 0 : i32
      %cond3A_324 = arith.cmpi ne, %convert_element_type3A_322, %cond3A_323 : i32
      scf.if %cond3A_324 {
        %add3A_338 = arith.constant 4 : i32
        %add3A_339 = arith.addi %add3A_312, %add3A_338 : i32
        %dma_start3A_340 = arith.constant 0 : i32
        %dma_start3A_341 = tpu.memref_slice %arg6[%add3A_339, %dma_start3A_340] : memref<160x125xi32, #tpu.memory_space<vmem>> -> memref<1x125xi32, #tpu.memory_space<vmem>>
        %dma_start3A_342 = tpu.memref_squeeze %dma_start3A_341 : memref<1x125xi32, #tpu.memory_space<vmem>> -> memref<125xi32, #tpu.memory_space<vmem>>
        %dma_start3A_343 = arith.constant 0 : i32
        %dma_start3A_344 = arith.constant 0 : i32
        %dma_start3A_345 = tpu.memref_slice %arg2[%dma_start3A_343, %dma_start3A_344] : memref<20000x32xf32, #tpu.memory_space<hbm>> -> memref<20000x32xf32, #tpu.memory_space<hbm>>
        tpu.enqueue_indirect_dma source(%dma_start3A_345 : memref<20000x32xf32, #tpu.memory_space<hbm>>) target(%arg11 : memref<125x32xf32, #tpu.memory_space<vmem>>) offsets(%dma_start3A_342 : memref<125xi32, #tpu.memory_space<vmem>>) semaphore(%arg21 : memref<!tpu.dma_semaphore, #tpu.memory_space<semaphore_mem>>)
      } else {
      }
      %dma_wait3A_325 = arith.constant 0 : i32
      %dma_wait3A_326 = arith.constant 0 : i32
      %dma_wait3A_327 = tpu.memref_slice %arg6[%dma_wait3A_325, %dma_wait3A_326] : memref<160x125xi32, #tpu.memory_space<vmem>> -> memref<1x125xi32, #tpu.memory_space<vmem>>
      %dma_wait3A_328 = tpu.memref_squeeze %dma_wait3A_327 : memref<1x125xi32, #tpu.memory_space<vmem>> -> memref<125xi32, #tpu.memory_space<vmem>>
      %dma_wait3A_329 = arith.constant 0 : i32
      %dma_wait3A_330 = arith.constant 0 : i32
      %dma_wait3A_331 = tpu.memref_slice %arg2[%dma_wait3A_329, %dma_wait3A_330] : memref<20000x32xf32, #tpu.memory_space<hbm>> -> memref<20000x32xf32, #tpu.memory_space<hbm>>
      tpu.wait_indirect_dma semaphore(%arg25 : memref<!tpu.dma_semaphore, #tpu.memory_space<semaphore_mem>>) src(%dma_wait3A_331 : memref<20000x32xf32, #tpu.memory_space<hbm>>) dst(%arg15 : memref<125x32xf32, #tpu.memory_space<vmem>>)
      %dma_start3A_332 = arith.constant 0 : i32
      %dma_start3A_333 = tpu.memref_slice %arg7[%add3A_312, %dma_start3A_332] : memref<160x125xi32, #tpu.memory_space<vmem>> -> memref<1x125xi32, #tpu.memory_space<vmem>>
      %dma_start3A_334 = tpu.memref_squeeze %dma_start3A_333 : memref<1x125xi32, #tpu.memory_space<vmem>> -> memref<125xi32, #tpu.memory_space<vmem>>
      %dma_start3A_335 = arith.constant 0 : i32
      %dma_start3A_336 = arith.constant 0 : i32
      %dma_start3A_337 = tpu.memref_slice %arg17[%dma_start3A_335, %dma_start3A_336] : memref<10000x32xf32, #tpu.memory_space<vmem_shared>> -> memref<10000x32xf32, #tpu.memory_space<vmem_shared>>
      tpu.enqueue_indirect_dma source(%arg15 : memref<125x32xf32, #tpu.memory_space<vmem>>) target(%dma_start3A_337 : memref<10000x32xf32, #tpu.memory_space<vmem_shared>>) offsets(%dma_start3A_334 : memref<125xi32, #tpu.memory_space<vmem>>) semaphore(%arg33 : memref<!tpu.dma_semaphore, #tpu.memory_space<semaphore_mem>>) {add = true}
    }
    %scan3A_52 = arith.constant 20 : i32
    %dma_wait3A = arith.constant 0 : i32
    %dma_wait3A_53 = arith.constant 0 : i32
    %dma_wait3A_54 = tpu.memref_slice %arg7[%dma_wait3A, %dma_wait3A_53] : memref<160x125xi32, #tpu.memory_space<vmem>> -> memref<1x125xi32, #tpu.memory_space<vmem>>
    %dma_wait3A_55 = tpu.memref_squeeze %dma_wait3A_54 : memref<1x125xi32, #tpu.memory_space<vmem>> -> memref<125xi32, #tpu.memory_space<vmem>>
    %dma_wait3A_56 = arith.constant 0 : i32
    %dma_wait3A_57 = arith.constant 0 : i32
    %dma_wait3A_58 = tpu.memref_slice %arg17[%dma_wait3A_56, %dma_wait3A_57] : memref<10000x32xf32, #tpu.memory_space<vmem_shared>> -> memref<10000x32xf32, #tpu.memory_space<vmem_shared>>
    tpu.wait_indirect_dma semaphore(%arg30 : memref<!tpu.dma_semaphore, #tpu.memory_space<semaphore_mem>>) src(%arg12 : memref<125x32xf32, #tpu.memory_space<vmem>>) dst(%dma_wait3A_58 : memref<10000x32xf32, #tpu.memory_space<vmem_shared>>)
    %dma_wait3A_59 = arith.constant 0 : i32
    %dma_wait3A_60 = arith.constant 0 : i32
    %dma_wait3A_61 = tpu.memref_slice %arg7[%dma_wait3A_59, %dma_wait3A_60] : memref<160x125xi32, #tpu.memory_space<vmem>> -> memref<1x125xi32, #tpu.memory_space<vmem>>
    %dma_wait3A_62 = tpu.memref_squeeze %dma_wait3A_61 : memref<1x125xi32, #tpu.memory_space<vmem>> -> memref<125xi32, #tpu.memory_space<vmem>>
    %dma_wait3A_63 = arith.constant 0 : i32
    %dma_wait3A_64 = arith.constant 0 : i32
    %dma_wait3A_65 = tpu.memref_slice %arg17[%dma_wait3A_63, %dma_wait3A_64] : memref<10000x32xf32, #tpu.memory_space<vmem_shared>> -> memref<10000x32xf32, #tpu.memory_space<vmem_shared>>
    tpu.wait_indirect_dma semaphore(%arg31 : memref<!tpu.dma_semaphore, #tpu.memory_space<semaphore_mem>>) src(%arg13 : memref<125x32xf32, #tpu.memory_space<vmem>>) dst(%dma_wait3A_65 : memref<10000x32xf32, #tpu.memory_space<vmem_shared>>)
    %dma_wait3A_66 = arith.constant 0 : i32
    %dma_wait3A_67 = arith.constant 0 : i32
    %dma_wait3A_68 = tpu.memref_slice %arg7[%dma_wait3A_66, %dma_wait3A_67] : memref<160x125xi32, #tpu.memory_space<vmem>> -> memref<1x125xi32, #tpu.memory_space<vmem>>
    %dma_wait3A_69 = tpu.memref_squeeze %dma_wait3A_68 : memref<1x125xi32, #tpu.memory_space<vmem>> -> memref<125xi32, #tpu.memory_space<vmem>>
    %dma_wait3A_70 = arith.constant 0 : i32
    %dma_wait3A_71 = arith.constant 0 : i32
    %dma_wait3A_72 = tpu.memref_slice %arg17[%dma_wait3A_70, %dma_wait3A_71] : memref<10000x32xf32, #tpu.memory_space<vmem_shared>> -> memref<10000x32xf32, #tpu.memory_space<vmem_shared>>
    tpu.wait_indirect_dma semaphore(%arg32 : memref<!tpu.dma_semaphore, #tpu.memory_space<semaphore_mem>>) src(%arg14 : memref<125x32xf32, #tpu.memory_space<vmem>>) dst(%dma_wait3A_72 : memref<10000x32xf32, #tpu.memory_space<vmem_shared>>)
    %dma_wait3A_73 = arith.constant 0 : i32
    %dma_wait3A_74 = arith.constant 0 : i32
    %dma_wait3A_75 = tpu.memref_slice %arg7[%dma_wait3A_73, %dma_wait3A_74] : memref<160x125xi32, #tpu.memory_space<vmem>> -> memref<1x125xi32, #tpu.memory_space<vmem>>
    %dma_wait3A_76 = tpu.memref_squeeze %dma_wait3A_75 : memref<1x125xi32, #tpu.memory_space<vmem>> -> memref<125xi32, #tpu.memory_space<vmem>>
    %dma_wait3A_77 = arith.constant 0 : i32
    %dma_wait3A_78 = arith.constant 0 : i32
    %dma_wait3A_79 = tpu.memref_slice %arg17[%dma_wait3A_77, %dma_wait3A_78] : memref<10000x32xf32, #tpu.memory_space<vmem_shared>> -> memref<10000x32xf32, #tpu.memory_space<vmem_shared>>
    tpu.wait_indirect_dma semaphore(%arg33 : memref<!tpu.dma_semaphore, #tpu.memory_space<semaphore_mem>>) src(%arg15 : memref<125x32xf32, #tpu.memory_space<vmem>>) dst(%dma_wait3A_79 : memref<10000x32xf32, #tpu.memory_space<vmem_shared>>)
    %barrier3A_80 = arith.constant 0 : index
    tpu.barrier barrier_id(%barrier3A_80)
    %mul3A_81 = arith.constant 624 : i32
    %mul3A_82 = arith.muli %arg1, %mul3A_81 : i32
    %add3A_83 = arith.constant 0 : i32
    %add3A_84 = arith.addi %mul3A_82, %add3A_83 : i32
    %multiple_of3A_85 = tpu.assume_multiple %add3A_84, 8 : i32
    "tpu.region"() ({
      %run_scoped3A = tpu.sem_alloc : memref<!tpu.dma_semaphore, #tpu.memory_space<semaphore_mem>>
      %dma_start3A_107 = arith.constant 0 : i32
      %dma_start3A_108 = arith.constant 0 : i32
      %dma_start3A_109 = tpu.memref_slice %arg16[%dma_start3A_107, %dma_start3A_108] : memref<208x32xf32, #tpu.memory_space<vmem>> -> memref<208x32xf32, #tpu.memory_space<vmem>>
      %dma_start3A_110 = arith.constant 0 : i32
      %dma_start3A_111 = tpu.memref_slice %arg17[%multiple_of3A_85, %dma_start3A_110] : memref<10000x32xf32, #tpu.memory_space<vmem_shared>> -> memref<208x32xf32, #tpu.memory_space<vmem_shared>>
      %dma_start3A_112 = arith.constant 0 : i32
      %dma_start3A_113 = arith.constant 0 : i32
      %dma_start3A_114 = tpu.memref_slice %arg16[%dma_start3A_112, %dma_start3A_113] : memref<208x32xf32, #tpu.memory_space<vmem>> -> memref<208x32xf32, #tpu.memory_space<vmem>>
      %dma_start3A_115 = arith.constant 0 : i32
      %dma_start3A_116 = tpu.memref_slice %arg17[%multiple_of3A_85, %dma_start3A_115] : memref<10000x32xf32, #tpu.memory_space<vmem_shared>> -> memref<208x32xf32, #tpu.memory_space<vmem_shared>>
      tpu.enqueue_dma source(%dma_start3A_116 : memref<208x32xf32, #tpu.memory_space<vmem_shared>>) target(%dma_start3A_114 : memref<208x32xf32, #tpu.memory_space<vmem>>) target_semaphore(%run_scoped3A : memref<!tpu.dma_semaphore, #tpu.memory_space<semaphore_mem>>)
      %dma_wait3A_117 = arith.constant 0 : i32
      %dma_wait3A_118 = arith.constant 0 : i32
      %dma_wait3A_119 = tpu.memref_slice %arg16[%dma_wait3A_117, %dma_wait3A_118] : memref<208x32xf32, #tpu.memory_space<vmem>> -> memref<208x32xf32, #tpu.memory_space<vmem>>
      %dma_wait3A_120 = arith.constant 0 : i32
      %dma_wait3A_121 = tpu.memref_slice %arg17[%multiple_of3A_85, %dma_wait3A_120] : memref<10000x32xf32, #tpu.memory_space<vmem_shared>> -> memref<208x32xf32, #tpu.memory_space<vmem_shared>>
      %dma_wait3A_122 = arith.constant 0 : i32
      %dma_wait3A_123 = arith.constant 0 : i32
      %dma_wait3A_124 = tpu.memref_slice %arg16[%dma_wait3A_122, %dma_wait3A_123] : memref<208x32xf32, #tpu.memory_space<vmem>> -> memref<208x32xf32, #tpu.memory_space<vmem>>
      %dma_wait3A_125 = arith.constant 0 : i32
      %dma_wait3A_126 = tpu.memref_slice %arg17[%multiple_of3A_85, %dma_wait3A_125] : memref<10000x32xf32, #tpu.memory_space<vmem_shared>> -> memref<208x32xf32, #tpu.memory_space<vmem_shared>>
      tpu.wait_dma2 semaphore(%run_scoped3A : memref<!tpu.dma_semaphore, #tpu.memory_space<semaphore_mem>>) src(%dma_wait3A_126 : memref<208x32xf32, #tpu.memory_space<vmem_shared>>) dst(%dma_wait3A_124 : memref<208x32xf32, #tpu.memory_space<vmem>>)
      tpu.yield
    }) : () -> ()
    %mul3A_86 = arith.constant 32 : i32
    %mul3A_87 = arith.muli %arg0, %mul3A_86 : i32
    "tpu.region"() ({
      %run_scoped3A = tpu.sem_alloc : memref<!tpu.dma_semaphore, #tpu.memory_space<semaphore_mem>>
      %dma_start3A_107 = arith.constant 0 : i32
      %dma_start3A_108 = arith.constant 0 : i32
      %dma_start3A_109 = tpu.memref_slice %arg16[%dma_start3A_107, %dma_start3A_108] : memref<208x32xf32, #tpu.memory_space<vmem>> -> memref<208x32xf32, #tpu.memory_space<vmem>>
      %dma_start3A_110 = tpu.memref_slice %arg5[%multiple_of3A_85, %mul3A_87] : memref<10000x128xf32, #tpu.memory_space<hbm>> -> memref<208x32xf32, #tpu.memory_space<hbm>>
      %dma_start3A_111 = tpu.memref_slice %arg5[%multiple_of3A_85, %mul3A_87] : memref<10000x128xf32, #tpu.memory_space<hbm>> -> memref<208x32xf32, #tpu.memory_space<hbm>>
      %dma_start3A_112 = arith.constant 0 : i32
      %dma_start3A_113 = arith.constant 0 : i32
      %dma_start3A_114 = tpu.memref_slice %arg16[%dma_start3A_112, %dma_start3A_113] : memref<208x32xf32, #tpu.memory_space<vmem>> -> memref<208x32xf32, #tpu.memory_space<vmem>>
      tpu.enqueue_dma source(%dma_start3A_114 : memref<208x32xf32, #tpu.memory_space<vmem>>) target(%dma_start3A_111 : memref<208x32xf32, #tpu.memory_space<hbm>>) target_semaphore(%run_scoped3A : memref<!tpu.dma_semaphore, #tpu.memory_space<semaphore_mem>>)
      %dma_wait3A_115 = arith.constant 0 : i32
      %dma_wait3A_116 = arith.constant 0 : i32
      %dma_wait3A_117 = tpu.memref_slice %arg16[%dma_wait3A_115, %dma_wait3A_116] : memref<208x32xf32, #tpu.memory_space<vmem>> -> memref<208x32xf32, #tpu.memory_space<vmem>>
      %dma_wait3A_118 = tpu.memref_slice %arg5[%multiple_of3A_85, %mul3A_87] : memref<10000x128xf32, #tpu.memory_space<hbm>> -> memref<208x32xf32, #tpu.memory_space<hbm>>
      %dma_wait3A_119 = tpu.memref_slice %arg5[%multiple_of3A_85, %mul3A_87] : memref<10000x128xf32, #tpu.memory_space<hbm>> -> memref<208x32xf32, #tpu.memory_space<hbm>>
      %dma_wait3A_120 = arith.constant 0 : i32
      %dma_wait3A_121 = arith.constant 0 : i32
      %dma_wait3A_122 = tpu.memref_slice %arg16[%dma_wait3A_120, %dma_wait3A_121] : memref<208x32xf32, #tpu.memory_space<vmem>> -> memref<208x32xf32, #tpu.memory_space<vmem>>
      tpu.wait_dma2 semaphore(%run_scoped3A : memref<!tpu.dma_semaphore, #tpu.memory_space<semaphore_mem>>) src(%dma_wait3A_122 : memref<208x32xf32, #tpu.memory_space<vmem>>) dst(%dma_wait3A_119 : memref<208x32xf32, #tpu.memory_space<hbm>>)
      tpu.yield
    }) : () -> ()
    %mul3A_88 = arith.constant 624 : i32
    %mul3A_89 = arith.muli %arg1, %mul3A_88 : i32
    %add3A_90 = arith.constant 208 : i32
    %add3A_91 = arith.addi %mul3A_89, %add3A_90 : i32
    %multiple_of3A_92 = tpu.assume_multiple %add3A_91, 8 : i32
    "tpu.region"() ({
      %run_scoped3A = tpu.sem_alloc : memref<!tpu.dma_semaphore, #tpu.memory_space<semaphore_mem>>
      %dma_start3A_107 = arith.constant 0 : i32
      %dma_start3A_108 = arith.constant 0 : i32
      %dma_start3A_109 = tpu.memref_slice %arg16[%dma_start3A_107, %dma_start3A_108] : memref<208x32xf32, #tpu.memory_space<vmem>> -> memref<208x32xf32, #tpu.memory_space<vmem>>
      %dma_start3A_110 = arith.constant 0 : i32
      %dma_start3A_111 = tpu.memref_slice %arg17[%multiple_of3A_92, %dma_start3A_110] : memref<10000x32xf32, #tpu.memory_space<vmem_shared>> -> memref<208x32xf32, #tpu.memory_space<vmem_shared>>
      %dma_start3A_112 = arith.constant 0 : i32
      %dma_start3A_113 = arith.constant 0 : i32
      %dma_start3A_114 = tpu.memref_slice %arg16[%dma_start3A_112, %dma_start3A_113] : memref<208x32xf32, #tpu.memory_space<vmem>> -> memref<208x32xf32, #tpu.memory_space<vmem>>
      %dma_start3A_115 = arith.constant 0 : i32
      %dma_start3A_116 = tpu.memref_slice %arg17[%multiple_of3A_92, %dma_start3A_115] : memref<10000x32xf32, #tpu.memory_space<vmem_shared>> -> memref<208x32xf32, #tpu.memory_space<vmem_shared>>
      tpu.enqueue_dma source(%dma_start3A_116 : memref<208x32xf32, #tpu.memory_space<vmem_shared>>) target(%dma_start3A_114 : memref<208x32xf32, #tpu.memory_space<vmem>>) target_semaphore(%run_scoped3A : memref<!tpu.dma_semaphore, #tpu.memory_space<semaphore_mem>>)
      %dma_wait3A_117 = arith.constant 0 : i32
      %dma_wait3A_118 = arith.constant 0 : i32
      %dma_wait3A_119 = tpu.memref_slice %arg16[%dma_wait3A_117, %dma_wait3A_118] : memref<208x32xf32, #tpu.memory_space<vmem>> -> memref<208x32xf32, #tpu.memory_space<vmem>>
      %dma_wait3A_120 = arith.constant 0 : i32
      %dma_wait3A_121 = tpu.memref_slice %arg17[%multiple_of3A_92, %dma_wait3A_120] : memref<10000x32xf32, #tpu.memory_space<vmem_shared>> -> memref<208x32xf32, #tpu.memory_space<vmem_shared>>
      %dma_wait3A_122 = arith.constant 0 : i32
      %dma_wait3A_123 = arith.constant 0 : i32
      %dma_wait3A_124 = tpu.memref_slice %arg16[%dma_wait3A_122, %dma_wait3A_123] : memref<208x32xf32, #tpu.memory_space<vmem>> -> memref<208x32xf32, #tpu.memory_space<vmem>>
      %dma_wait3A_125 = arith.constant 0 : i32
      %dma_wait3A_126 = tpu.memref_slice %arg17[%multiple_of3A_92, %dma_wait3A_125] : memref<10000x32xf32, #tpu.memory_space<vmem_shared>> -> memref<208x32xf32, #tpu.memory_space<vmem_shared>>
      tpu.wait_dma2 semaphore(%run_scoped3A : memref<!tpu.dma_semaphore, #tpu.memory_space<semaphore_mem>>) src(%dma_wait3A_126 : memref<208x32xf32, #tpu.memory_space<vmem_shared>>) dst(%dma_wait3A_124 : memref<208x32xf32, #tpu.memory_space<vmem>>)
      tpu.yield
    }) : () -> ()
    %mul3A_93 = arith.constant 32 : i32
    %mul3A_94 = arith.muli %arg0, %mul3A_93 : i32
    "tpu.region"() ({
      %run_scoped3A = tpu.sem_alloc : memref<!tpu.dma_semaphore, #tpu.memory_space<semaphore_mem>>
      %dma_start3A_107 = arith.constant 0 : i32
      %dma_start3A_108 = arith.constant 0 : i32
      %dma_start3A_109 = tpu.memref_slice %arg16[%dma_start3A_107, %dma_start3A_108] : memref<208x32xf32, #tpu.memory_space<vmem>> -> memref<208x32xf32, #tpu.memory_space<vmem>>
      %dma_start3A_110 = tpu.memref_slice %arg5[%multiple_of3A_92, %mul3A_94] : memref<10000x128xf32, #tpu.memory_space<hbm>> -> memref<208x32xf32, #tpu.memory_space<hbm>>
      %dma_start3A_111 = tpu.memref_slice %arg5[%multiple_of3A_92, %mul3A_94] : memref<10000x128xf32, #tpu.memory_space<hbm>> -> memref<208x32xf32, #tpu.memory_space<hbm>>
      %dma_start3A_112 = arith.constant 0 : i32
      %dma_start3A_113 = arith.constant 0 : i32
      %dma_start3A_114 = tpu.memref_slice %arg16[%dma_start3A_112, %dma_start3A_113] : memref<208x32xf32, #tpu.memory_space<vmem>> -> memref<208x32xf32, #tpu.memory_space<vmem>>
      tpu.enqueue_dma source(%dma_start3A_114 : memref<208x32xf32, #tpu.memory_space<vmem>>) target(%dma_start3A_111 : memref<208x32xf32, #tpu.memory_space<hbm>>) target_semaphore(%run_scoped3A : memref<!tpu.dma_semaphore, #tpu.memory_space<semaphore_mem>>)
      %dma_wait3A_115 = arith.constant 0 : i32
      %dma_wait3A_116 = arith.constant 0 : i32
      %dma_wait3A_117 = tpu.memref_slice %arg16[%dma_wait3A_115, %dma_wait3A_116] : memref<208x32xf32, #tpu.memory_space<vmem>> -> memref<208x32xf32, #tpu.memory_space<vmem>>
      %dma_wait3A_118 = tpu.memref_slice %arg5[%multiple_of3A_92, %mul3A_94] : memref<10000x128xf32, #tpu.memory_space<hbm>> -> memref<208x32xf32, #tpu.memory_space<hbm>>
      %dma_wait3A_119 = tpu.memref_slice %arg5[%multiple_of3A_92, %mul3A_94] : memref<10000x128xf32, #tpu.memory_space<hbm>> -> memref<208x32xf32, #tpu.memory_space<hbm>>
      %dma_wait3A_120 = arith.constant 0 : i32
      %dma_wait3A_121 = arith.constant 0 : i32
      %dma_wait3A_122 = tpu.memref_slice %arg16[%dma_wait3A_120, %dma_wait3A_121] : memref<208x32xf32, #tpu.memory_space<vmem>> -> memref<208x32xf32, #tpu.memory_space<vmem>>
      tpu.wait_dma2 semaphore(%run_scoped3A : memref<!tpu.dma_semaphore, #tpu.memory_space<semaphore_mem>>) src(%dma_wait3A_122 : memref<208x32xf32, #tpu.memory_space<vmem>>) dst(%dma_wait3A_119 : memref<208x32xf32, #tpu.memory_space<hbm>>)
      tpu.yield
    }) : () -> ()
    %mul3A_95 = arith.constant 624 : i32
    %mul3A_96 = arith.muli %arg1, %mul3A_95 : i32
    %add3A_97 = arith.constant 416 : i32
    %add3A_98 = arith.addi %mul3A_96, %add3A_97 : i32
    %multiple_of3A_99 = tpu.assume_multiple %add3A_98, 8 : i32
    "tpu.region"() ({
      %run_scoped3A = tpu.sem_alloc : memref<!tpu.dma_semaphore, #tpu.memory_space<semaphore_mem>>
      %dma_start3A_107 = arith.constant 0 : i32
      %dma_start3A_108 = arith.constant 0 : i32
      %dma_start3A_109 = tpu.memref_slice %arg16[%dma_start3A_107, %dma_start3A_108] : memref<208x32xf32, #tpu.memory_space<vmem>> -> memref<208x32xf32, #tpu.memory_space<vmem>>
      %dma_start3A_110 = arith.constant 0 : i32
      %dma_start3A_111 = tpu.memref_slice %arg17[%multiple_of3A_99, %dma_start3A_110] : memref<10000x32xf32, #tpu.memory_space<vmem_shared>> -> memref<208x32xf32, #tpu.memory_space<vmem_shared>>
      %dma_start3A_112 = arith.constant 0 : i32
      %dma_start3A_113 = arith.constant 0 : i32
      %dma_start3A_114 = tpu.memref_slice %arg16[%dma_start3A_112, %dma_start3A_113] : memref<208x32xf32, #tpu.memory_space<vmem>> -> memref<208x32xf32, #tpu.memory_space<vmem>>
      %dma_start3A_115 = arith.constant 0 : i32
      %dma_start3A_116 = tpu.memref_slice %arg17[%multiple_of3A_99, %dma_start3A_115] : memref<10000x32xf32, #tpu.memory_space<vmem_shared>> -> memref<208x32xf32, #tpu.memory_space<vmem_shared>>
      tpu.enqueue_dma source(%dma_start3A_116 : memref<208x32xf32, #tpu.memory_space<vmem_shared>>) target(%dma_start3A_114 : memref<208x32xf32, #tpu.memory_space<vmem>>) target_semaphore(%run_scoped3A : memref<!tpu.dma_semaphore, #tpu.memory_space<semaphore_mem>>)
      %dma_wait3A_117 = arith.constant 0 : i32
      %dma_wait3A_118 = arith.constant 0 : i32
      %dma_wait3A_119 = tpu.memref_slice %arg16[%dma_wait3A_117, %dma_wait3A_118] : memref<208x32xf32, #tpu.memory_space<vmem>> -> memref<208x32xf32, #tpu.memory_space<vmem>>
      %dma_wait3A_120 = arith.constant 0 : i32
      %dma_wait3A_121 = tpu.memref_slice %arg17[%multiple_of3A_99, %dma_wait3A_120] : memref<10000x32xf32, #tpu.memory_space<vmem_shared>> -> memref<208x32xf32, #tpu.memory_space<vmem_shared>>
      %dma_wait3A_122 = arith.constant 0 : i32
      %dma_wait3A_123 = arith.constant 0 : i32
      %dma_wait3A_124 = tpu.memref_slice %arg16[%dma_wait3A_122, %dma_wait3A_123] : memref<208x32xf32, #tpu.memory_space<vmem>> -> memref<208x32xf32, #tpu.memory_space<vmem>>
      %dma_wait3A_125 = arith.constant 0 : i32
      %dma_wait3A_126 = tpu.memref_slice %arg17[%multiple_of3A_99, %dma_wait3A_125] : memref<10000x32xf32, #tpu.memory_space<vmem_shared>> -> memref<208x32xf32, #tpu.memory_space<vmem_shared>>
      tpu.wait_dma2 semaphore(%run_scoped3A : memref<!tpu.dma_semaphore, #tpu.memory_space<semaphore_mem>>) src(%dma_wait3A_126 : memref<208x32xf32, #tpu.memory_space<vmem_shared>>) dst(%dma_wait3A_124 : memref<208x32xf32, #tpu.memory_space<vmem>>)
      tpu.yield
    }) : () -> ()
    %mul3A_100 = arith.constant 32 : i32
    %mul3A_101 = arith.muli %arg0, %mul3A_100 : i32
    "tpu.region"() ({
      %run_scoped3A = tpu.sem_alloc : memref<!tpu.dma_semaphore, #tpu.memory_space<semaphore_mem>>
      %dma_start3A_107 = arith.constant 0 : i32
      %dma_start3A_108 = arith.constant 0 : i32
      %dma_start3A_109 = tpu.memref_slice %arg16[%dma_start3A_107, %dma_start3A_108] : memref<208x32xf32, #tpu.memory_space<vmem>> -> memref<208x32xf32, #tpu.memory_space<vmem>>
      %dma_start3A_110 = tpu.memref_slice %arg5[%multiple_of3A_99, %mul3A_101] : memref<10000x128xf32, #tpu.memory_space<hbm>> -> memref<208x32xf32, #tpu.memory_space<hbm>>
      %dma_start3A_111 = tpu.memref_slice %arg5[%multiple_of3A_99, %mul3A_101] : memref<10000x128xf32, #tpu.memory_space<hbm>> -> memref<208x32xf32, #tpu.memory_space<hbm>>
      %dma_start3A_112 = arith.constant 0 : i32
      %dma_start3A_113 = arith.constant 0 : i32
      %dma_start3A_114 = tpu.memref_slice %arg16[%dma_start3A_112, %dma_start3A_113] : memref<208x32xf32, #tpu.memory_space<vmem>> -> memref<208x32xf32, #tpu.memory_space<vmem>>
      tpu.enqueue_dma source(%dma_start3A_114 : memref<208x32xf32, #tpu.memory_space<vmem>>) target(%dma_start3A_111 : memref<208x32xf32, #tpu.memory_space<hbm>>) target_semaphore(%run_scoped3A : memref<!tpu.dma_semaphore, #tpu.memory_space<semaphore_mem>>)
      %dma_wait3A_115 = arith.constant 0 : i32
      %dma_wait3A_116 = arith.constant 0 : i32
      %dma_wait3A_117 = tpu.memref_slice %arg16[%dma_wait3A_115, %dma_wait3A_116] : memref<208x32xf32, #tpu.memory_space<vmem>> -> memref<208x32xf32, #tpu.memory_space<vmem>>
      %dma_wait3A_118 = tpu.memref_slice %arg5[%multiple_of3A_99, %mul3A_101] : memref<10000x128xf32, #tpu.memory_space<hbm>> -> memref<208x32xf32, #tpu.memory_space<hbm>>
      %dma_wait3A_119 = tpu.memref_slice %arg5[%multiple_of3A_99, %mul3A_101] : memref<10000x128xf32, #tpu.memory_space<hbm>> -> memref<208x32xf32, #tpu.memory_space<hbm>>
      %dma_wait3A_120 = arith.constant 0 : i32
      %dma_wait3A_121 = arith.constant 0 : i32
      %dma_wait3A_122 = tpu.memref_slice %arg16[%dma_wait3A_120, %dma_wait3A_121] : memref<208x32xf32, #tpu.memory_space<vmem>> -> memref<208x32xf32, #tpu.memory_space<vmem>>
      tpu.wait_dma2 semaphore(%run_scoped3A : memref<!tpu.dma_semaphore, #tpu.memory_space<semaphore_mem>>) src(%dma_wait3A_122 : memref<208x32xf32, #tpu.memory_space<vmem>>) dst(%dma_wait3A_119 : memref<208x32xf32, #tpu.memory_space<hbm>>)
      tpu.yield
    }) : () -> ()
    %eq3A_102 = arith.constant 15 : i32
    %eq3A_103 = arith.cmpi eq, %arg1, %eq3A_102 : i32
    %convert_element_type3A_104 = arith.extui %eq3A_103 : i1 to i32
    %cond3A_105 = arith.constant 0 : i32
    %cond3A_106 = arith.cmpi ne, %convert_element_type3A_104, %cond3A_105 : i32
    scf.if %cond3A_106 {
      "tpu.region"() ({
        %run_scoped3A = tpu.sem_alloc : memref<!tpu.dma_semaphore, #tpu.memory_space<semaphore_mem>>
        %dma_start3A_109 = arith.constant 0 : i32
        %dma_start3A_110 = arith.constant 0 : i32
        %dma_start3A_111 = tpu.memref_slice %arg16[%dma_start3A_109, %dma_start3A_110] : memref<208x32xf32, #tpu.memory_space<vmem>> -> memref<16x32xf32, #tpu.memory_space<vmem>>
        %dma_start3A_112 = arith.constant 9984 : i32
        %dma_start3A_113 = arith.constant 0 : i32
        %dma_start3A_114 = tpu.memref_slice %arg17[%dma_start3A_112, %dma_start3A_113] : memref<10000x32xf32, #tpu.memory_space<vmem_shared>> -> memref<16x32xf32, #tpu.memory_space<vmem_shared>>
        %dma_start3A_115 = arith.constant 0 : i32
        %dma_start3A_116 = arith.constant 0 : i32
        %dma_start3A_117 = tpu.memref_slice %arg16[%dma_start3A_115, %dma_start3A_116] : memref<208x32xf32, #tpu.memory_space<vmem>> -> memref<16x32xf32, #tpu.memory_space<vmem>>
        %dma_start3A_118 = arith.constant 9984 : i32
        %dma_start3A_119 = arith.constant 0 : i32
        %dma_start3A_120 = tpu.memref_slice %arg17[%dma_start3A_118, %dma_start3A_119] : memref<10000x32xf32, #tpu.memory_space<vmem_shared>> -> memref<16x32xf32, #tpu.memory_space<vmem_shared>>
        tpu.enqueue_dma source(%dma_start3A_120 : memref<16x32xf32, #tpu.memory_space<vmem_shared>>) target(%dma_start3A_117 : memref<16x32xf32, #tpu.memory_space<vmem>>) target_semaphore(%run_scoped3A : memref<!tpu.dma_semaphore, #tpu.memory_space<semaphore_mem>>)
        %dma_wait3A_121 = arith.constant 0 : i32
        %dma_wait3A_122 = arith.constant 0 : i32
        %dma_wait3A_123 = tpu.memref_slice %arg16[%dma_wait3A_121, %dma_wait3A_122] : memref<208x32xf32, #tpu.memory_space<vmem>> -> memref<16x32xf32, #tpu.memory_space<vmem>>
        %dma_wait3A_124 = arith.constant 9984 : i32
        %dma_wait3A_125 = arith.constant 0 : i32
        %dma_wait3A_126 = tpu.memref_slice %arg17[%dma_wait3A_124, %dma_wait3A_125] : memref<10000x32xf32, #tpu.memory_space<vmem_shared>> -> memref<16x32xf32, #tpu.memory_space<vmem_shared>>
        %dma_wait3A_127 = arith.constant 0 : i32
        %dma_wait3A_128 = arith.constant 0 : i32
        %dma_wait3A_129 = tpu.memref_slice %arg16[%dma_wait3A_127, %dma_wait3A_128] : memref<208x32xf32, #tpu.memory_space<vmem>> -> memref<16x32xf32, #tpu.memory_space<vmem>>
        %dma_wait3A_130 = arith.constant 9984 : i32
        %dma_wait3A_131 = arith.constant 0 : i32
        %dma_wait3A_132 = tpu.memref_slice %arg17[%dma_wait3A_130, %dma_wait3A_131] : memref<10000x32xf32, #tpu.memory_space<vmem_shared>> -> memref<16x32xf32, #tpu.memory_space<vmem_shared>>
        tpu.wait_dma2 semaphore(%run_scoped3A : memref<!tpu.dma_semaphore, #tpu.memory_space<semaphore_mem>>) src(%dma_wait3A_132 : memref<16x32xf32, #tpu.memory_space<vmem_shared>>) dst(%dma_wait3A_129 : memref<16x32xf32, #tpu.memory_space<vmem>>)
        tpu.yield
      }) : () -> ()
      %mul3A_107 = arith.constant 32 : i32
      %mul3A_108 = arith.muli %arg0, %mul3A_107 : i32
      "tpu.region"() ({
        %run_scoped3A = tpu.sem_alloc : memref<!tpu.dma_semaphore, #tpu.memory_space<semaphore_mem>>
        %dma_start3A_109 = arith.constant 0 : i32
        %dma_start3A_110 = arith.constant 0 : i32
        %dma_start3A_111 = tpu.memref_slice %arg16[%dma_start3A_109, %dma_start3A_110] : memref<208x32xf32, #tpu.memory_space<vmem>> -> memref<16x32xf32, #tpu.memory_space<vmem>>
        %dma_start3A_112 = arith.constant 9984 : i32
        %dma_start3A_113 = tpu.memref_slice %arg5[%dma_start3A_112, %mul3A_108] : memref<10000x128xf32, #tpu.memory_space<hbm>> -> memref<16x32xf32, #tpu.memory_space<hbm>>
        %dma_start3A_114 = arith.constant 9984 : i32
        %dma_start3A_115 = tpu.memref_slice %arg5[%dma_start3A_114, %mul3A_108] : memref<10000x128xf32, #tpu.memory_space<hbm>> -> memref<16x32xf32, #tpu.memory_space<hbm>>
        %dma_start3A_116 = arith.constant 0 : i32
        %dma_start3A_117 = arith.constant 0 : i32
        %dma_start3A_118 = tpu.memref_slice %arg16[%dma_start3A_116, %dma_start3A_117] : memref<208x32xf32, #tpu.memory_space<vmem>> -> memref<16x32xf32, #tpu.memory_space<vmem>>
        tpu.enqueue_dma source(%dma_start3A_118 : memref<16x32xf32, #tpu.memory_space<vmem>>) target(%dma_start3A_115 : memref<16x32xf32, #tpu.memory_space<hbm>>) target_semaphore(%run_scoped3A : memref<!tpu.dma_semaphore, #tpu.memory_space<semaphore_mem>>)
        %dma_wait3A_119 = arith.constant 0 : i32
        %dma_wait3A_120 = arith.constant 0 : i32
        %dma_wait3A_121 = tpu.memref_slice %arg16[%dma_wait3A_119, %dma_wait3A_120] : memref<208x32xf32, #tpu.memory_space<vmem>> -> memref<16x32xf32, #tpu.memory_space<vmem>>
        %dma_wait3A_122 = arith.constant 9984 : i32
        %dma_wait3A_123 = tpu.memref_slice %arg5[%dma_wait3A_122, %mul3A_108] : memref<10000x128xf32, #tpu.memory_space<hbm>> -> memref<16x32xf32, #tpu.memory_space<hbm>>
        %dma_wait3A_124 = arith.constant 9984 : i32
        %dma_wait3A_125 = tpu.memref_slice %arg5[%dma_wait3A_124, %mul3A_108] : memref<10000x128xf32, #tpu.memory_space<hbm>> -> memref<16x32xf32, #tpu.memory_space<hbm>>
        %dma_wait3A_126 = arith.constant 0 : i32
        %dma_wait3A_127 = arith.constant 0 : i32
        %dma_wait3A_128 = tpu.memref_slice %arg16[%dma_wait3A_126, %dma_wait3A_127] : memref<208x32xf32, #tpu.memory_space<vmem>> -> memref<16x32xf32, #tpu.memory_space<vmem>>
        tpu.wait_dma2 semaphore(%run_scoped3A : memref<!tpu.dma_semaphore, #tpu.memory_space<semaphore_mem>>) src(%dma_wait3A_128 : memref<16x32xf32, #tpu.memory_space<vmem>>) dst(%dma_wait3A_125 : memref<16x32xf32, #tpu.memory_space<hbm>>)
        tpu.yield
      }) : () -> ()
    } else {
    }
    return
  }
}

module attributes {stable_mosaic.version = 14 : i64} {
  func.func @_mm_scale_kernel(%arg0: i32, %arg1: memref<2000x128xf32, #tpu.memory_space<vmem>>, %arg2: memref<128x128xf32, #tpu.memory_space<vmem>>, %arg3: memref<2000x1xf32, #tpu.memory_space<vmem>>, %arg4: memref<2000x1xf32, #tpu.memory_space<vmem>>, %arg5: memref<2000x128xf32, #tpu.memory_space<vmem>>, %arg6: memref<2000x1xf32, #tpu.memory_space<vmem>>) attributes {dimension_semantics = [#tpu.dimension_semantics<arbitrary>], iteration_bounds = array<i64: 5>, scalar_prefetch = 0 : i64, scratch_operands = 0 : i64, tpu.core_type = #tpu.core_type<tc>, window_params = [{transform_indices = @transform_0, window_bounds = array<i64: 2000, 128>}, {pipeline_mode = #tpu.pipeline_mode<synchronous>, transform_indices = @transform_1, window_bounds = array<i64: 128, 128>}, {transform_indices = @transform_2, window_bounds = array<i64: 2000, 1>}, {transform_indices = @transform_3, window_bounds = array<i64: 2000, 1>}, {transform_indices = @transform_4, window_bounds = array<i64: 2000, 128>}, {transform_indices = @transform_5, window_bounds = array<i64: 2000, 1>}]} {
    %get3A = arith.constant 0 : index
    %get3A_0 = arith.constant 0 : index
    %get3A_1 = vector.load %arg1[%get3A, %get3A_0] : memref<2000x128xf32, #tpu.memory_space<vmem>>, vector<2000x128xf32>
    %get3A_2 = arith.constant 0 : index
    %get3A_3 = arith.constant 0 : index
    %get3A_4 = vector.load %arg2[%get3A_2, %get3A_3] : memref<128x128xf32, #tpu.memory_space<vmem>>, vector<128x128xf32>
    %dot_general3A = arith.constant dense<0.000000e+00> : vector<2000x128xf32>
    %dot_general3A_5 = tpu.matmul %get3A_1, %get3A_4, %dot_general3A {dimension_numbers = #tpu.dot_dimension_numbers<[1], [0], [0], [1], [0, 0, 1, 1], [], []>, transpose_lhs_hint = false} : vector<2000x128xf32>, vector<128x128xf32>, vector<2000x128xf32> -> vector<2000x128xf32>
    %get3A_6 = arith.constant 0 : index
    %get3A_7 = arith.constant 0 : index
    %get3A_8 = vector.load %arg3[%get3A_6, %get3A_7] : memref<2000x1xf32, #tpu.memory_space<vmem>>, vector<2000x1xf32>
    %get3A_9 = arith.constant 0 : index
    %get3A_10 = arith.constant 0 : index
    %get3A_11 = vector.load %arg4[%get3A_9, %get3A_10] : memref<2000x1xf32, #tpu.memory_space<vmem>>, vector<2000x1xf32>
    %add3A = arith.addf %get3A_8, %get3A_11 : vector<2000x1xf32>
    %add3A_12 = arith.constant 1.000000e+00 : f32
    %add3A_13 = vector.broadcast %add3A_12 : f32 to vector<2000x1xf32>
    %add3A_14 = arith.addf %add3A, %add3A_13 : vector<2000x1xf32>
    %rsqrt3A = math.rsqrt %add3A_14 : vector<2000x1xf32>
    %swap3A = arith.constant 0 : index
    %swap3A_15 = arith.constant 0 : index
    %swap3A_16 = vector.load %arg6[%swap3A, %swap3A_15] : memref<2000x1xf32, #tpu.memory_space<vmem>>, vector<2000x1xf32>
    tpu.vector_store %arg6[%swap3A, %swap3A_15], %rsqrt3A {strides = array<i32>} : memref<2000x1xf32, #tpu.memory_space<vmem>>, vector<2000x1xf32>,
    %mul3A = vector.broadcast %rsqrt3A : vector<2000x1xf32> to vector<2000x128xf32>
    %mul3A_17 = arith.mulf %dot_general3A_5, %mul3A : vector<2000x128xf32>
    %swap3A_18 = arith.constant 0 : index
    %swap3A_19 = arith.constant 0 : index
    %swap3A_20 = vector.load %arg5[%swap3A_18, %swap3A_19] : memref<2000x128xf32, #tpu.memory_space<vmem>>, vector<2000x128xf32>
    tpu.vector_store %arg5[%swap3A_18, %swap3A_19], %mul3A_17 {strides = array<i32>} : memref<2000x128xf32, #tpu.memory_space<vmem>>, vector<2000x128xf32>,
    return
  }
  func.func @transform_0(%arg0: i32) -> (i32, i32) {
    %c0_i32 = arith.constant 0 : i32
    %c0_i32_0 = arith.constant 0 : i32
    return %arg0, %c0_i32 : i32, i32
  }
  func.func @transform_1(%arg0: i32) -> (i32, i32) {
    %c0_i32 = arith.constant 0 : i32
    %c0_i32_0 = arith.constant 0 : i32
    %c0_i32_1 = arith.constant 0 : i32
    return %c0_i32, %c0_i32_0 : i32, i32
  }
  func.func @transform_2(%arg0: i32) -> (i32, i32) {
    %c0_i32 = arith.constant 0 : i32
    %c0_i32_0 = arith.constant 0 : i32
    return %arg0, %c0_i32 : i32, i32
  }
  func.func @transform_3(%arg0: i32) -> (i32, i32) {
    %c0_i32 = arith.constant 0 : i32
    %c0_i32_0 = arith.constant 0 : i32
    return %arg0, %c0_i32 : i32, i32
  }
  func.func @transform_4(%arg0: i32) -> (i32, i32) {
    %c0_i32 = arith.constant 0 : i32
    %c0_i32_0 = arith.constant 0 : i32
    return %arg0, %c0_i32 : i32, i32
  }
  func.func @transform_5(%arg0: i32) -> (i32, i32) {
    %c0_i32 = arith.constant 0 : i32
    %c0_i32_0 = arith.constant 0 : i32
    return %arg0, %c0_i32 : i32, i32
  }
}

module attributes {stable_mosaic.version = 14 : i64} {
  func.func @_combine_mm_kernel(%arg0: i32, %arg1: memref<2000x128xf32, #tpu.memory_space<vmem>>, %arg2: memref<2000x128xf32, #tpu.memory_space<vmem>>, %arg3: memref<2000x1xf32, #tpu.memory_space<vmem>>, %arg4: memref<1x128xf32, #tpu.memory_space<vmem>>, %arg5: memref<128x64xf32, #tpu.memory_space<vmem>>, %arg6: memref<2000x64xf32, #tpu.memory_space<vmem>>) attributes {dimension_semantics = [#tpu.dimension_semantics<arbitrary>], iteration_bounds = array<i64: 5>, scalar_prefetch = 0 : i64, scratch_operands = 0 : i64, tpu.core_type = #tpu.core_type<tc>, window_params = [{transform_indices = @transform_0, window_bounds = array<i64: 2000, 128>}, {transform_indices = @transform_1, window_bounds = array<i64: 2000, 128>}, {transform_indices = @transform_2, window_bounds = array<i64: 2000, 1>}, {pipeline_mode = #tpu.pipeline_mode<synchronous>, transform_indices = @transform_3, window_bounds = array<i64: 1, 128>}, {pipeline_mode = #tpu.pipeline_mode<synchronous>, transform_indices = @transform_4, window_bounds = array<i64: 128, 64>}, {transform_indices = @transform_5, window_bounds = array<i64: 2000, 64>}]} {
    %get3A = arith.constant 0 : index
    %get3A_0 = arith.constant 0 : index
    %get3A_1 = vector.load %arg3[%get3A, %get3A_0] : memref<2000x1xf32, #tpu.memory_space<vmem>>, vector<2000x1xf32>
    %get3A_2 = arith.constant 0 : index
    %get3A_3 = arith.constant 0 : index
    %get3A_4 = vector.load %arg1[%get3A_2, %get3A_3] : memref<2000x128xf32, #tpu.memory_space<vmem>>, vector<2000x128xf32>
    %get3A_5 = arith.constant 0 : index
    %get3A_6 = arith.constant 0 : index
    %get3A_7 = vector.load %arg2[%get3A_5, %get3A_6] : memref<2000x128xf32, #tpu.memory_space<vmem>>, vector<2000x128xf32>
    %add3A = arith.addf %get3A_4, %get3A_7 : vector<2000x128xf32>
    %mul3A = vector.broadcast %get3A_1 : vector<2000x1xf32> to vector<2000x128xf32>
    %mul3A_8 = arith.mulf %add3A, %mul3A : vector<2000x128xf32>
    %get3A_9 = arith.constant 0 : index
    %get3A_10 = arith.constant 0 : index
    %get3A_11 = vector.load %arg4[%get3A_9, %get3A_10] : memref<1x128xf32, #tpu.memory_space<vmem>>, vector<1x128xf32>
    %add3A_12 = vector.broadcast %get3A_11 : vector<1x128xf32> to vector<2000x128xf32>
    %add3A_13 = arith.addf %mul3A_8, %add3A_12 : vector<2000x128xf32>
    %max3A = arith.constant 0.000000e+00 : f32
    %max3A_14 = vector.broadcast %max3A : f32 to vector<2000x128xf32>
    %max3A_15 = arith.maximumf %add3A_13, %max3A_14 : vector<2000x128xf32>
    %get3A_16 = arith.constant 0 : index
    %get3A_17 = arith.constant 0 : index
    %get3A_18 = vector.load %arg5[%get3A_16, %get3A_17] : memref<128x64xf32, #tpu.memory_space<vmem>>, vector<128x64xf32>
    %dot_general3A = arith.constant dense<0.000000e+00> : vector<2000x64xf32>
    %dot_general3A_19 = tpu.matmul %max3A_15, %get3A_18, %dot_general3A {dimension_numbers = #tpu.dot_dimension_numbers<[1], [0], [0], [1], [0, 0, 1, 1], [], []>, transpose_lhs_hint = false} : vector<2000x128xf32>, vector<128x64xf32>, vector<2000x64xf32> -> vector<2000x64xf32>
    %mul3A_20 = vector.broadcast %get3A_1 : vector<2000x1xf32> to vector<2000x64xf32>
    %mul3A_21 = arith.mulf %dot_general3A_19, %mul3A_20 : vector<2000x64xf32>
    %swap3A = arith.constant 0 : index
    %swap3A_22 = arith.constant 0 : index
    %swap3A_23 = vector.load %arg6[%swap3A, %swap3A_22] : memref<2000x64xf32, #tpu.memory_space<vmem>>, vector<2000x64xf32>
    tpu.vector_store %arg6[%swap3A, %swap3A_22], %mul3A_21 {strides = array<i32>} : memref<2000x64xf32, #tpu.memory_space<vmem>>, vector<2000x64xf32>,
    return
  }
  func.func @transform_0(%arg0: i32) -> (i32, i32) {
    %c0_i32 = arith.constant 0 : i32
    %c0_i32_0 = arith.constant 0 : i32
    return %arg0, %c0_i32 : i32, i32
  }
  func.func @transform_1(%arg0: i32) -> (i32, i32) {
    %c0_i32 = arith.constant 0 : i32
    %c0_i32_0 = arith.constant 0 : i32
    return %arg0, %c0_i32 : i32, i32
  }
  func.func @transform_2(%arg0: i32) -> (i32, i32) {
    %c0_i32 = arith.constant 0 : i32
    %c0_i32_0 = arith.constant 0 : i32
    return %arg0, %c0_i32 : i32, i32
  }
  func.func @transform_3(%arg0: i32) -> (i32, i32) {
    %c0_i32 = arith.constant 0 : i32
    %c0_i32_0 = arith.constant 0 : i32
    %c0_i32_1 = arith.constant 0 : i32
    return %c0_i32, %c0_i32_0 : i32, i32
  }
  func.func @transform_4(%arg0: i32) -> (i32, i32) {
    %c0_i32 = arith.constant 0 : i32
    %c0_i32_0 = arith.constant 0 : i32
    %c0_i32_1 = arith.constant 0 : i32
    return %c0_i32, %c0_i32_0 : i32, i32
  }
  func.func @transform_5(%arg0: i32) -> (i32, i32) {
    %c0_i32 = arith.constant 0 : i32
    %c0_i32_0 = arith.constant 0 : i32
    return %arg0, %c0_i32 : i32, i32
  }
}

module attributes {stable_mosaic.version = 14 : i64} {
  func.func @_final_kernel(%arg0: i32, %arg1: memref<2000x128xf32, #tpu.memory_space<vmem>>, %arg2: memref<2000x64xf32, #tpu.memory_space<vmem>>, %arg3: memref<2000x1xf32, #tpu.memory_space<vmem>>, %arg4: memref<1x64xf32, #tpu.memory_space<vmem>>, %arg5: memref<2000x64xf32, #tpu.memory_space<vmem>>) attributes {dimension_semantics = [#tpu.dimension_semantics<arbitrary>], iteration_bounds = array<i64: 5>, scalar_prefetch = 0 : i64, scratch_operands = 0 : i64, tpu.core_type = #tpu.core_type<tc>, window_params = [{transform_indices = @transform_0, window_bounds = array<i64: 2000, 128>}, {transform_indices = @transform_1, window_bounds = array<i64: 2000, 64>}, {transform_indices = @transform_2, window_bounds = array<i64: 2000, 1>}, {pipeline_mode = #tpu.pipeline_mode<synchronous>, transform_indices = @transform_3, window_bounds = array<i64: 1, 64>}, {transform_indices = @transform_4, window_bounds = array<i64: 2000, 64>}]} {
    %get3A = arith.constant 0 : index
    %get3A_0 = arith.constant 0 : index
    %get3A_1 = vector.load %arg1[%get3A, %get3A_0] : memref<2000x128xf32, #tpu.memory_space<vmem>>, vector<2000x64xf32>
    %get3A_2 = arith.constant 0 : index
    %get3A_3 = arith.constant 0 : index
    %get3A_4 = vector.load %arg2[%get3A_2, %get3A_3] : memref<2000x64xf32, #tpu.memory_space<vmem>>, vector<2000x64xf32>
    %add3A = arith.addf %get3A_1, %get3A_4 : vector<2000x64xf32>
    %get3A_5 = arith.constant 0 : index
    %get3A_6 = arith.constant 0 : index
    %get3A_7 = vector.load %arg3[%get3A_5, %get3A_6] : memref<2000x1xf32, #tpu.memory_space<vmem>>, vector<2000x1xf32>
    %mul3A = vector.broadcast %get3A_7 : vector<2000x1xf32> to vector<2000x64xf32>
    %mul3A_8 = arith.mulf %add3A, %mul3A : vector<2000x64xf32>
    %get3A_9 = arith.constant 0 : index
    %get3A_10 = arith.constant 0 : index
    %get3A_11 = vector.load %arg4[%get3A_9, %get3A_10] : memref<1x64xf32, #tpu.memory_space<vmem>>, vector<1x64xf32>
    %add3A_12 = vector.broadcast %get3A_11 : vector<1x64xf32> to vector<2000x64xf32>
    %add3A_13 = arith.addf %mul3A_8, %add3A_12 : vector<2000x64xf32>
    %reduce_max3A = arith.constant dense<0xFF800000> : vector<2000xf32>
    %reduce_max3A_14 = vector.multi_reduction <maximumf>, %add3A_13, %reduce_max3A [1] : vector<2000x64xf32> to vector<2000xf32>
    %broadcast_in_dim3A = vector.shape_cast %reduce_max3A_14 : vector<2000xf32> to vector<2000x1xf32>
    %sub3A = vector.broadcast %broadcast_in_dim3A : vector<2000x1xf32> to vector<2000x64xf32>
    %sub3A_15 = arith.subf %add3A_13, %sub3A : vector<2000x64xf32>
    %exp3A = math.exp %sub3A_15 : vector<2000x64xf32>
    %reduce_sum3A = arith.constant dense<0.000000e+00> : vector<2000xf32>
    %reduce_sum3A_16 = vector.multi_reduction <add>, %exp3A, %reduce_sum3A [1] : vector<2000x64xf32> to vector<2000xf32>
    %broadcast_in_dim3A_17 = vector.shape_cast %reduce_sum3A_16 : vector<2000xf32> to vector<2000x1xf32>
    %log3A = math.log %broadcast_in_dim3A_17 : vector<2000x1xf32>
    %add3A_18 = arith.addf %log3A, %broadcast_in_dim3A : vector<2000x1xf32>
    %sub3A_19 = vector.broadcast %add3A_18 : vector<2000x1xf32> to vector<2000x64xf32>
    %sub3A_20 = arith.subf %add3A_13, %sub3A_19 : vector<2000x64xf32>
    %swap3A = arith.constant 0 : index
    %swap3A_21 = arith.constant 0 : index
    %swap3A_22 = vector.load %arg5[%swap3A, %swap3A_21] : memref<2000x64xf32, #tpu.memory_space<vmem>>, vector<2000x64xf32>
    tpu.vector_store %arg5[%swap3A, %swap3A_21], %sub3A_20 {strides = array<i32>} : memref<2000x64xf32, #tpu.memory_space<vmem>>, vector<2000x64xf32>,
    return
  }
  func.func @transform_0(%arg0: i32) -> (i32, i32) {
    %c0_i32 = arith.constant 0 : i32
    %c0_i32_0 = arith.constant 0 : i32
    return %arg0, %c0_i32 : i32, i32
  }
  func.func @transform_1(%arg0: i32) -> (i32, i32) {
    %c0_i32 = arith.constant 0 : i32
    %c0_i32_0 = arith.constant 0 : i32
    return %arg0, %c0_i32 : i32, i32
  }
  func.func @transform_2(%arg0: i32) -> (i32, i32) {
    %c0_i32 = arith.constant 0 : i32
    %c0_i32_0 = arith.constant 0 : i32
    return %arg0, %c0_i32 : i32, i32
  }
  func.func @transform_3(%arg0: i32) -> (i32, i32) {
    %c0_i32 = arith.constant 0 : i32
    %c0_i32_0 = arith.constant 0 : i32
    %c0_i32_1 = arith.constant 0 : i32
    return %c0_i32, %c0_i32_0 : i32, i32
  }
  func.func @transform_4(%arg0: i32) -> (i32, i32) {
    %c0_i32 = arith.constant 0 : i32
    %c0_i32_0 = arith.constant 0 : i32
    return %arg0, %c0_i32 : i32, i32
  }
}

</mosaic_0001>

<sc_bundles>
// kernel: kernel.11.cloned.1.call-start
scs
__scs_entry_jumppad:
0x0: {  	(pc) =	sbr.rel $0x88, $3  }
0x1: {  	(tag) =	ssettag $0x0;
	lr =	simm.s32 $0x1  }
0x2: {  	[smem:$0x3F9B] =	sst lr;
	_ =	strace $0xD0000000  }
0x3: {  	_ = 	snop  }
0x4: {  	_ = 	snop  }
0x5: {  	_ = 	snop  }
0x6: {  	_ = 	snop  }
0x7: {  	_ = 	snop  }
__scs_overlays_trampoline_lowered:
0x8: {  	[smem:$0x3FAA] =	sst s0  }
0x9: {  	[smem:$0x3FAB] =	sst s1  }
0xa: {  	[smem:$0x3FAC] =	sst s2  }
0xb: {  	[smem:$0x3FAD] =	sst s3  }
0xc: {  	[smem:$0x3FAE] =	sst s4  }
0xd: {  	[smem:$0x3FAF] =	sst s5  }
0xe: {  	[smem:$0x3FB0] =	sst s6  }
0xf: {  	[smem:$0x3FB1] =	sst s7  }
0x10: {  	[smem:$0x3FB2] =	sst s8  }
0x11: {  	[smem:$0x3FB3] =	sst s9;
	s0 =	simm.s32 @!p0 $0x0  }
0x12: {  	s1 =	sld [smem:$0x3F99];
	s0 =	simm.s32 @p0 $0x1  }
0x13: {  	[smem:$0x3FB4] =	sst s0;
	s0 =	simm.s32 @!p1 $0x0  }
0x14: {  	s2 =	sld [smem:$0x3F98];
	s0 =	simm.s32 @p1 $0x1  }
0x15: {  	[smem:$0x3FB5] =	sst s0;
	s0 =	simm.s32 @!p2 $0x0  }
0x16: {  	s3 =	sld [smem:$0x3FDB];
	s0 =	simm.s32 @p2 $0x1  }
0x17: {  	s4 =	simm.s32 $0x1BF5;
	[smem:$0x3FB7] =	sst s0  }
0x18: {  	s0 =	sld [smem:$0x3F9A];
	_ =	swait.ge [sflag:s4], $0x0  }
0x19: {  	s7 =	sld [smem:$0x3F9B]  }
0x1a: {  	s8 =	sadd.s32 $0xFFFFE003, lr  }
0x1b: {  	s9 =	sadd.s32 $0xFFFFFEF7, lr;
	s5 =	simm.s32 $0xFFFFFFFF;
	p2 =	slt.u32 s8, $0xFFFFF086  }
0x1c: {  	p1 =	slt.u32 s9, $0xF7A;
	s5 =	simm.s32 @!p2 $0x0  }
0x1d: {  	s5 =	simm.s32 @p1 $0x1;
	p0 =	seq.s32 s7, s2  }
0x1e: {  	s7 =	smul.u32 @!p0 $0xF7A, s2;
	p2 =	seq.s32 @!p0 s5, $0x0  }
0x1f: {  	s9 =	smul.u32 $0xF7A, s1;
	s8 =	simm.s32 @!p0 $0x1BF5;
	p2 =	por !p2, p0  }
0x20: {  	[sflag:s8] =	ssyncset.s32 @!p0 $0xFFFFF086;
	s6 =	sadd.s32 @!p0 s3, s7;
	s7 =	simm.s32 @!p0 $0x108  }
0x21: {  	s3 =	sadd.s32 s3, s9;
	s6 =	sadd.s32 @!p0 $0x88, s6;
	s7 =	simm.s32 @p2 $0x1082  }
0x22: {  	[simem:s7], [sflag:s8] =	dma.local @!p0 [hbm:s6], $0xF7A  }
0x23: {  	s9 =	sor.u32 $0xD0000000, s2;
	s6 =	simm.s32 $0x108;
	_ =	swait.ge @!p0 [sflag:s8], $0x0  }
0x24: {  	s3 =	sadd.s32 $0x88, s3;
	s6 =	simm.s32 @!p1 $0x1082;
	[sflag:s4] =	ssyncset.s32 $0xFFFFF086  }
0x25: {  	[simem:s6], [sflag:s4] =	dma.local [hbm:s3], $0xF7A  }
0x26: {  	[smem:$0x3F9B] =	sst s1;
	(tag) =	ssettag s2;
	_ =	strace s9  }
0x27: {  	s1 =	sld [smem:$0x3FAB]  }
0x28: {  	s2 =	sld [smem:$0x3FAC]  }
0x29: {  	s4 =	sld [smem:$0x3FAE]  }
0x2a: {  	p0 =	seq.s32 s5, $0x0;
	s5 =	sld [smem:$0x3FAF]  }
0x2b: {  	s6 =	sld [smem:$0x3FB0]  }
0x2c: {  	s7 =	sld [smem:$0x3FB1]  }
0x2d: {  	s3 =	simm.s32 $0x108;
	s8 =	sld [smem:$0x3FB2]  }
0x2e: {  	s3 =	simm.s32 @!p0 $0x1082;
	s9 =	sld [smem:$0x3FB3]  }
0x2f: {  	lr =	sadd.s32 s0, s3;
	s0 =	sld [smem:$0x3FAA]  }
0x30: {  	s3 =	sld [smem:$0x3FAD]  }
0x31: {  	[smem:$0x3FB6] =	sst s10  }
0x32: {  	s10 =	sld [smem:$0x3FB4];
	_ =	sdelay $0x3  }
0x33: {  	p0 =	seq.s32 s10, $0x1;
	s10 =	sld [smem:$0x3FB6];
	_ =	sdelay $0x3  }
0x34: {  	[smem:$0x3FB6] =	sst s10  }
0x35: {  	s10 =	sld [smem:$0x3FB5];
	_ =	sdelay $0x3  }
0x36: {  	p1 =	seq.s32 s10, $0x1;
	s10 =	sld [smem:$0x3FB6];
	_ =	sdelay $0x3  }
0x37: {  	[smem:$0x3FB6] =	sst s10  }
0x38: {  	s10 =	sld [smem:$0x3FB7]  }
0x39: {  	_ = 	snop;
	(pc) =	sbr.ind lr, $3  }
0x3a: {  	_ = 	snop  }
0x3b: {  	_ = 	snop  }
0x3c: {  	p2 =	seq.s32 s10, $0x1;
	s10 =	sld [smem:$0x3FB6]  }
0x3d: {  	_ =	shalt  }
0x3e: {  	_ =	shalt  }
0x3f: {  	_ =	shalt  }
0x40: {  	_ =	shalt  }
0x41: {  	_ =	shalt  }
0x42: {  	_ =	shalt  }
0x43: {  	_ =	shalt  }
0x44: {  	_ =	shalt  }
0x45: {  	_ =	shalt  }
0x46: {  	_ =	shalt  }
0x47: {  	_ =	shalt  }
0x48: {  	_ =	shalt  }
0x49: {  	_ =	shalt  }
0x4a: {  	_ =	shalt  }
0x4b: {  	_ =	shalt  }
0x4c: {  	_ =	shalt  }
0x4d: {  	_ =	shalt  }
0x4e: {  	_ =	shalt  }
0x4f: {  	_ =	shalt  }
0x50: {  	_ =	shalt  }
0x51: {  	_ =	shalt  }
0x52: {  	_ =	shalt  }
0x53: {  	_ =	shalt  }
0x54: {  	_ =	shalt  }
0x55: {  	_ =	shalt  }
0x56: {  	_ =	shalt  }
0x57: {  	_ =	shalt  }
0x58: {  	_ =	shalt  }
0x59: {  	_ =	shalt  }
0x5a: {  	_ =	shalt  }
0x5b: {  	_ =	shalt  }
0x5c: {  	_ =	shalt  }
0x5d: {  	_ =	shalt  }
0x5e: {  	_ =	shalt  }
0x5f: {  	_ =	shalt  }
0x60: {  	_ =	shalt  }
0x61: {  	_ =	shalt  }
0x62: {  	_ =	shalt  }
0x63: {  	_ =	shalt  }
0x64: {  	_ =	shalt  }
0x65: {  	_ =	shalt  }
0x66: {  	_ =	shalt  }
0x67: {  	_ =	shalt  }
0x68: {  	_ =	shalt  }
0x69: {  	_ =	shalt  }
0x6a: {  	_ =	shalt  }
0x6b: {  	_ =	shalt  }
0x6c: {  	_ =	shalt  }
0x6d: {  	_ =	shalt  }
0x6e: {  	_ =	shalt  }
0x6f: {  	_ =	shalt  }
0x70: {  	_ =	shalt  }
0x71: {  	_ =	shalt  }
0x72: {  	_ =	shalt  }
0x73: {  	_ =	shalt  }
0x74: {  	_ =	shalt  }
0x75: {  	_ =	shalt  }
0x76: {  	_ =	shalt  }
0x77: {  	_ =	shalt  }
0x78: {  	_ =	shalt  }
0x79: {  	_ =	shalt  }
0x7a: {  	_ =	shalt  }
0x7b: {  	_ =	shalt  }
0x7c: {  	_ =	shalt  }
0x7d: {  	_ =	shalt  }
0x7e: {  	_ =	shalt  }
0x7f: {  	_ =	shalt  }
0x80: {  	_ =	shalt  }
0x81: {  	_ =	shalt  }
0x82: {  	_ =	shalt  }
0x83: {  	_ =	shalt  }
0x84: {  	_ =	shalt  }
0x85: {  	_ =	shalt  }
0x86: {  	_ =	shalt  }
0x87: {  	_ =	shalt  }
.Lfunc_end0:
.L_simem_size_0:
called_computation.1_lowered:
.L_overlay_start_0:
0x88: {  	s2 =	sld [smem:$0x3FD9]  }
0x89: {  	s3 =	sld [smem:$0x3FFE];
	_ =	sdelay $0x1  }
0x8a: {  	s1 =	srdreg.scid  }
0x8b: {  	s0 =	sand.u32 $0x1, s1  }
0x8c: {  	s16 =	sshll.u32 s0, $0xA;
	s2 =	sadd.s32 s3, s2  }
0x8d: {  	s2 =	sadd.s32 s2, s16  }
0x8e: {  	[smem:$0x3FC2] =	sst s2  }
0x8f: {  	_ = 	snop  }
0x90: {  	(tm) =	ssettm $0x1  }
0x91: {  	s17 =	sld [smem:$0x3FFB];
	_ =	sdelay $0x3  }
0x92: {  	_ =	strace s17  }
0x93: {  	s2 =	sld [smem:$0x3FFC];
	_ =	sdelay $0x3  }
0x94: {  	_ =	strace s2  }
0x95: {  	s2 =	sld [smem:$0x3FFD];
	_ =	sdelay $0x3  }
0x96: {  	_ =	strace s2  }
0x97: {  	_ =	strace $0x8FFFFFFF  }
0x98: {  	s18 =	sld [smem:$0x3FDB];
	_ =	sdelay $0x1  }
0x99: {  	s19 =	simm.s32 $_scs_section_size  }
0x9a: {  	s4 =	simm.s32 $_size__tile_overlayer_lowered;
	s5 =	simm.s32 $_tile_overlayer_lowered  }
0x9b: {  	s22 =	simm.s32 $0x1BFF;
	s21 =	sshll.u32 s5, $0x1;
	s2 =	sadd.s32 s19, s18  }
0x9c: {  	s6 =	simm.s32 $0x0;
	s20 =	sshll.u32 s4, $0x1;
	s4 =	sadd.s32 s21, s2  }
0x9d: {  	[timem:s6], [sflag:s22] =	dma.local [hbm:s4], s20  }
0x9e: {  	_ =	swait.ge [sflag:s22], s20  }
0x9f: {  	s3 =	ssub.s32 $0x0, s20;
	[sflag:s22] =	ssyncset.done $0x0  }
0xa0: {  	[sflag:s22] =	ssyncadd.s32 s3;
	_ =	sdelay $0x1  }
0xa1: {  	s23 =	simm.s32 $0x1B8B  }
0xa2: {  	_ =	swait.ge [sflag:s23], $0x1  }
0xa3: {  	[sflag:s23] =	ssyncset.done $0x0  }
0xa4: {  	s25 =	simm.s32 $0x1B8E;
	s24 =	sld [smem:$0x3FFE];
	[sflag:s23] =	ssyncadd.s32 $0xFFFFFFFF  }
0xa5: {  	s26 =	simm.s32 $execute0_lowered;
	[smem:$0x3FD2] =	sst s25  }
0xa6: {  	s4 =	sshll.u32 s26, $0x1;
	_ =	strace $0x80000049;
	[dreg:$0x1] =	wrdreg $0xFFFFFFFF  }
0xa7: {  	s28 =	simm.s32 $_size_execute0_lowered;
	s2 =	sadd.s32 s2, s4;
	[dreg:$0x0] =	wrdreg $0x0  }
0xa8: {  	s4 =	sshll.u32 s28, $0x1;
	[dreg:$0x2] =	wrdreg s2  }
0xa9: {  	[dreg:$0x3] =	wrdreg s4  }
0xaa: {  	[dreg:$0x4] =	wrdreg $0xC0  }
0xab: {  	_ =	task [dreg:s6], $0x5FFFF  }
0xac: {  	[dreg:$0x1] =	wrdreg $0xFFFFFFFF  }
0xad: {  	[dreg:$0x0] =	wrdreg $0x60  }
0xae: {  	[dreg:$0x2] =	wrdreg s24  }
0xaf: {  	[dreg:$0x3] =	wrdreg $0x151000  }
0xb0: {  	[dreg:$0x4] =	wrdreg $0x9  }
0xb1: {  	_ =	task.clear_ibuf [dreg:s6], $0x5FFFF;
	_ =	strace $0x90000049  }
0xb2: {  	s29 =	simm.s32 $0x9;
	_ =	strace $0x8000004B  }
0xb3: {  	_ =	swait.ge [sflag:s29], $0x1  }
0xb4: {  	[sflag:s29] =	ssyncadd.s32 $0xFFFFFFFF  }
0xb5: {  	_ =	strace $0x9000004B  }
0xb6: {  	_ =	sfence  }
0xb7: {  	s30 =	sld [smem:$0x0];
	_ =	sdelay $0x2  }
0xb8: {  	s31 =	sshll.u32 s1, $0xD;
	s1 =	sshrl.u32 s1, $0x2  }
0xb9: {  	s3 =	sand.u32 $0x4000, s31;
	s1 =	sadd.s32 s1, s30  }
0xba: {  	s0 =	sor.u32 s3, s0;
	s1 =	sshll.u32 s1, $0x11  }
0xbb: {  	s0 =	sor.u32 s1, s0  }
0xbc: {  	s0 =	sadd.s32 $0x8F2B, s0  }
0xbd: {  	[sflag:s0] =	ssyncadd.remote.s32 $0x1  }
0xbe: {  	_ =	sfence.sel $0xFFFF  }
0xbf: {  	[dreg:$0x0] =	wrdreg $0xFFFFFFFF;
	(pc) =	sbr.abs _section_cstart, $3  }
0xc0: {  	[dreg:$0x1] =	wrdreg $0xFFFFFFFF  }
0xc1: {  	_ =	task.clear_ibuf [dreg:s6], $0x2FFFF;
	_ =	strace $0x9FFFFFFF  }
0xc2: {  	(tm) =	ssettm $0x7FFFFFFF  }
0xc3: {  	_ =	shalt  }
tec
execute0_lowered:
.L_overlay_start_1:
0x0: {  	(tag) =	ssettag $0x1  }
0x1: {  	s0 =	srdreg.scid;
	s3 =	rddreg [dreg:$0x0]  }
0x2: {  	s17 =	stileid.u32;
	s2 =	rddreg [dreg:$0x1]  }
0x3: {  	s5 =	simm.s32 $0x0;
	s16 =	simm.s32 $0x9;
	s18 =	simm.s32 $0x11D00  }
0x4: {  	s19 =	simm.s32 $0x7D;
	s20 =	simm.s32 $0xA000;
	s1 =	smul.u32 $0x5000, s17  }
0x5: {  	s28 =	simm.s32 $0xFDC0;
	s29 =	simm.s32 $0x2;
	s7 =	smul.u32 $0x27000, s17  }
0x6: {  	s31 =	simm.s32 $0x5;
	s30 =	simm.s32 $0x7;
	s22 =	smul.u32 $0x270, s17  }
0x7: {  	s0 =	sand.u32 $0x1, s0;
	[smem:$0x7FF] =	sst s5;
	s10 =	smul.u32 $0x13800, s17  }
0x8: {  	p0 =	sne.s32 s17, $0xF;
	s4 =	smul.u32 $0x50000, s0;
	_ =	strace $0x8000004A  }
0x9: {  	s6 =	ssub.s32 $0x2, s0;
	s11 =	sshll.u32 s0, $0x6;
	s0 =	sshll.u32 s0, $0x3  }
0xa: {  	s8 =	sshrl.u32 s6, $0x1;
	s7 =	sshrl.u32 s7, $0x2;
	s23 =	sadd.s32 $0xD0, s22  }
0xb: {  	s24 =	sadd.s32 $0x1A0, s22;
	s12 =	sor.u32 s11, s10;
	s10 =	sadd.s32 $0x9C000, s2  }
0xc: {  	s22 =	simm.s32 $0xBF40;
	s4 =	sadd.s32 s1, s4;
	s1 =	sshrl.u32 s1, $0x3  }
0xd: {  	s6 =	ssub.s32 s6, s8;
	s7 =	sadd.s32 s7, s2;
	s25 =	sshll.u32 s23, $0x6  }
0xe: {  	s9 =	sshll.u32 s24, $0x6;
	s12 =	sshrl.u32 s12, $0x3;
	s21 =	sshrl.u32 s4, $0x3  }
0xf: {  	s4 =	sadd.s32 $0x20000, s3;
	s1 =	sadd.s32 s1, s3;
	s8 =	sadd.s32 s25, s2  }
0x10: {  	s9 =	sadd.s32 s9, s2;
	s15 =	smax.u32 s6, $0x1;
	s25 =	simm.s32 $0x1  }
0x11: {  	s5 =	sadd.s32 s21, s3;
	s3 =	sadd.s32 $0x47200, s3;
	s1 =	sadd.s32 $0x2000, s1  }
0x12: {  	s21 =	simm.s32 $0x80;
	s5 =	sadd.s32 $0xC000, s5;
	[dreg:$0x4] =	wrdreg s1  }
0x13: {  	s1 =	sshll.u32 s23, $0x7;
	s12 =	sadd.s32 s3, s12;
	[dreg:$0x3] =	wrdreg s5  }
0x14: {  	s0 =	sadd.s32 s0, s3;
	s23 =	simm.s32 $0x8;
	[dreg:$0x5] =	wrdreg s12  }
0x15: {  	s1 =	sor.u32 s11, s1;
	s5 =	sshll.u32 s24, $0x7;
	s14 =	sadd.s32 $0x27000, s0  }
0x16: {  	s24 =	simm.s32 $0xDE80;
	s1 =	sshrl.u32 s1, $0x3;
	s5 =	sor.u32 s11, s5  }
0x17: {  	s0 =	simm.s32 $0x3;
	s1 =	sadd.s32 s3, s1;
	s26 =	sshrl.u32 s5, $0x3  }
0x18: {  	s5 =	simm.s32 $0x0;
	[dreg:$0x6] =	wrdreg s1;
	s13 =	sadd.s32 s3, s26  }
0x19: {  	v0 =	vimm.f32 $0.0e+00;
	s26 =	simm.s32 $0x6;
	s1 =	simm.s32 $0x4;
	s3 =	simm.s32 $0x40  }
.LBB2_1:
0x1a: {  	s6 =	simm.s32 $0x0;
	s11 =	rddreg [dreg:$0x3]  }
0x1b: {  	[tilespmem:s6], [sflag:$0x9] =	stream.linear.gather [hbm4b:s11+s6], $0x5000, $0x38;
	[tilespmem:$0x1ED40] =	vst v63  }
0x1c: {  	_ =	swait.ge [sflag:s16], $0x5000  }
0x1d: {  	[sflag:s16] =	ssyncset.done $0x0  }
0x1e: {  	s12 =	simm.s32 $0x5000;
	s17 =	rddreg [dreg:$0x4];
	[sflag:s16] =	ssyncadd.s32 $0xFFFFB000  }
0x1f: {  	[tilespmem:s12], [sflag:$0x9] =	stream.linear.gather [hbm4b:s17+s6], $0x5000, $0x38;
	[tilespmem:$0x1ED40] =	vst v63  }
0x20: {  	_ =	swait.ge [sflag:s16], $0x5000  }
0x21: {  	[sflag:s16] =	ssyncset.done $0x0  }
0x22: {  	s11 =	simm.s32 $0x100;
	s6 =	simm.s32 $0x0;
	[sflag:s16] =	ssyncadd.s32 $0xFFFFB000  }
.LBB2_2:
0x23: {  	p1 =	sne.s32 s11, $0xCF00;
	[tilespmem:s6+$0x11D30] =	vst v0;
	s12 =	smov.u32 s11;
	s11 =	sadd.s32 $0x100, s11  }
.Ltmp0:
0x24: {  	[tilespmem:s6+$0x11D20] =	vst v0;
	(pc) =	sbr.rel @p1 .LBB2_2-.Ltmp0, $3  }
0x25: {  	[tilespmem:s6+$0x11D00] =	vst v0  }
0x26: {  	[tilespmem:s6+$0x11D10] =	vst v0;
	_ =	sdelay $0x1  }
0x27: {  	s6 =	sshra.s32 s12, $0x2  }
0x28: {  	[tilespmem:s6+$0x11D30] =	vst v0  }
0x29: {  	[tilespmem:s6+$0x11D20] =	vst v0  }
0x2a: {  	[tilespmem:s6+$0x11D00] =	vst v0  }
0x2b: {  	[tilespmem:s6+$0x11D10] =	vst v0  }
0x2c: {  	[spmem:s7] =	stream.linear.scatter [tilespmem:s18], [sflag:$0x9], $0x3400, $0x38;
	[tilespmem:$0x1ED40] =	vst v63  }
0x2d: {  	_ =	swait.ge [sflag:s16], $0x3400  }
0x2e: {  	[sflag:s16] =	ssyncset.done $0x0  }
0x2f: {  	[sflag:s16] =	ssyncadd.s32 $0xFFFFCC00  }
0x30: {  	[spmem:s8] =	stream.linear.scatter [tilespmem:s18], [sflag:$0x9], $0x3400, $0x38;
	[tilespmem:$0x1ED40] =	vst v63  }
0x31: {  	_ =	swait.ge [sflag:s16], $0x3400  }
0x32: {  	[sflag:s16] =	ssyncset.done $0x0  }
0x33: {  	[sflag:s16] =	ssyncadd.s32 $0xFFFFCC00  }
0x34: {  	[spmem:s9] =	stream.linear.scatter [tilespmem:s18], [sflag:$0x9], $0x3400, $0x38;
	[tilespmem:$0x1ED40] =	vst v63  }
0x35: {  	_ =	swait.ge [sflag:s16], $0x3400  }
0x36: {  	[sflag:s16] =	ssyncset.done $0x0  }
0x37: {  	s6 =	simm.s32 @!p0 $0x11D00;
	[sflag:s16] =	ssyncadd.s32 $0xFFFFCC00  }
0x38: {  	[spmem:s10] =	stream.linear.scatter @!p0 [tilespmem:s6], [sflag:$0x9], $0x400, $0x38;
	[tilespmem:$0x1ED40] =	vst v63  }
0x39: {  	s6 =	simm.s32 @!p0 $0x9  }
0x3a: {  	_ =	swait.ge @!p0 [sflag:s6], $0x400  }
0x3b: {  	[sflag:s6] =	ssyncset.done @!p0 $0x0  }
0x3c: {  	[sflag:s6] =	ssyncadd.s32 @!p0 $0xFFFFFC00  }
0x3d: {  	s17 =	simm.s32 $0x0;
	[bflag:$0x0] =	sbarrier.arrive $0xFFFF  }
0x3e: {  	[tilespmem:s20], [sflag:$0x1] =	stream.indirect.gather [hbm4b:s4+s19], $0x40, s17, s19, $0xb8;
	[tilespmem:$0x1ED40] =	vst v63  }
0x3f: {  	_ = 	snop  }
0x40: {  	[tilespmem:s22], [sflag:$0x2] =	stream.indirect.gather [hbm4b:s4+s19], $0x40, s21, s19, $0xb8;
	[tilespmem:$0x1ED40] =	vst v63  }
0x41: {  	s11 =	simm.s32 $0x100  }
0x42: {  	[tilespmem:s24], [sflag:$0x3] =	stream.indirect.gather [hbm4b:s4+s19], $0x40, s11, s19, $0xb8;
	[tilespmem:$0x1ED40] =	vst v63  }
0x43: {  	_ =	swait.ge [sflag:s25], $0x1F40  }
0x44: {  	[sflag:s25] =	ssyncset.done $0x0  }
0x45: {  	s12 =	simm.s32 $0x5000;
	[sflag:s25] =	ssyncadd.s32 $0xFFFFE0C0  }
0x46: {  	[spmem:s2] =	stream.indirect.scatter.add.f32 [tilespmem:s20], [sflag:$0x5], $0x40, s12, s19, $0xb8;
	[tilespmem:$0x1ED40] =	vst v63  }
0x47: {  	s17 =	simm.s32 $0x180  }
0x48: {  	[tilespmem:s28], [sflag:$0x4] =	stream.indirect.gather [hbm4b:s4+s19], $0x40, s17, s19, $0xb8;
	[tilespmem:$0x1ED40] =	vst v63  }
0x49: {  	_ =	swait.ge [sflag:s29], $0x1F40  }
0x4a: {  	[sflag:s29] =	ssyncset.done $0x0  }
0x4b: {  	s11 =	simm.s32 $0x5080;
	[sflag:s29] =	ssyncadd.s32 $0xFFFFE0C0  }
0x4c: {  	[spmem:s2] =	stream.indirect.scatter.add.f32 [tilespmem:s22], [sflag:$0x6], $0x40, s11, s19, $0xb8;
	[tilespmem:$0x1ED40] =	vst v63  }
0x4d: {  	_ =	swait.ge [sflag:s31], $0x1F40  }
0x4e: {  	[sflag:s31] =	ssyncset.done $0x0  }
0x4f: {  	s12 =	simm.s32 $0x200;
	[sflag:s31] =	ssyncadd.s32 $0xFFFFE0C0  }
0x50: {  	[tilespmem:s20], [sflag:$0x1] =	stream.indirect.gather [hbm4b:s4+s19], $0x40, s12, s19, $0xb8;
	[tilespmem:$0x1ED40] =	vst v63  }
0x51: {  	_ =	swait.ge [sflag:s0], $0x1F40  }
0x52: {  	[sflag:s0] =	ssyncset.done $0x0  }
0x53: {  	s17 =	simm.s32 $0x5100;
	[sflag:s0] =	ssyncadd.s32 $0xFFFFE0C0  }
0x54: {  	[spmem:s2] =	stream.indirect.scatter.add.f32 [tilespmem:s24], [sflag:$0x7], $0x40, s17, s19, $0xb8;
	[tilespmem:$0x1ED40] =	vst v63  }
0x55: {  	_ =	swait.ge [sflag:s26], $0x1F40  }
0x56: {  	[sflag:s26] =	ssyncset.done $0x0  }
0x57: {  	s11 =	simm.s32 $0x280;
	[sflag:s26] =	ssyncadd.s32 $0xFFFFE0C0  }
0x58: {  	[tilespmem:s22], [sflag:$0x2] =	stream.indirect.gather [hbm4b:s4+s19], $0x40, s11, s19, $0xb8;
	[tilespmem:$0x1ED40] =	vst v63  }
0x59: {  	_ =	swait.ge [sflag:s1], $0x1F40  }
0x5a: {  	[sflag:s1] =	ssyncset.done $0x0  }
0x5b: {  	s12 =	simm.s32 $0x5180;
	[sflag:s1] =	ssyncadd.s32 $0xFFFFE0C0  }
0x5c: {  	[spmem:s2] =	stream.indirect.scatter.add.f32 [tilespmem:s28], [sflag:$0x8], $0x40, s12, s19, $0xb8;
	[tilespmem:$0x1ED40] =	vst v63  }
0x5d: {  	_ =	swait.ge [sflag:s30], $0x1F40  }
0x5e: {  	[sflag:s30] =	ssyncset.done $0x0  }
0x5f: {  	s17 =	simm.s32 $0x300;
	[sflag:s30] =	ssyncadd.s32 $0xFFFFE0C0  }
0x60: {  	[tilespmem:s24], [sflag:$0x3] =	stream.indirect.gather [hbm4b:s4+s19], $0x40, s17, s19, $0xb8;
	[tilespmem:$0x1ED40] =	vst v63  }
0x61: {  	_ =	swait.ge [sflag:s25], $0x1F40  }
0x62: {  	[sflag:s25] =	ssyncset.done $0x0  }
0x63: {  	s11 =	simm.s32 $0x5200;
	[sflag:s25] =	ssyncadd.s32 $0xFFFFE0C0  }
0x64: {  	[spmem:s2] =	stream.indirect.scatter.add.f32 [tilespmem:s20], [sflag:$0x5], $0x40, s11, s19, $0xb8;
	[tilespmem:$0x1ED40] =	vst v63  }
0x65: {  	_ =	swait.ge [sflag:s23], $0x1F40  }
0x66: {  	[sflag:s23] =	ssyncset.done $0x0  }
0x67: {  	s12 =	simm.s32 $0x380;
	[sflag:s23] =	ssyncadd.s32 $0xFFFFE0C0  }
0x68: {  	[tilespmem:s28], [sflag:$0x4] =	stream.indirect.gather [hbm4b:s4+s19], $0x40, s12, s19, $0xb8;
	[tilespmem:$0x1ED40] =	vst v63  }
0x69: {  	_ =	swait.ge [sflag:s29], $0x1F40  }
0x6a: {  	[sflag:s29] =	ssyncset.done $0x0  }
0x6b: {  	s17 =	simm.s32 $0x5280;
	[sflag:s29] =	ssyncadd.s32 $0xFFFFE0C0  }
0x6c: {  	[spmem:s2] =	stream.indirect.scatter.add.f32 [tilespmem:s22], [sflag:$0x6], $0x40, s17, s19, $0xb8;
	[tilespmem:$0x1ED40] =	vst v63  }
0x6d: {  	_ =	swait.ge [sflag:s31], $0x1F40  }
0x6e: {  	[sflag:s31] =	ssyncset.done $0x0  }
0x6f: {  	s11 =	simm.s32 $0x400;
	[sflag:s31] =	ssyncadd.s32 $0xFFFFE0C0  }
0x70: {  	[tilespmem:s20], [sflag:$0x1] =	stream.indirect.gather [hbm4b:s4+s19], $0x40, s11, s19, $0xb8;
	[tilespmem:$0x1ED40] =	vst v63  }
0x71: {  	_ =	swait.ge [sflag:s0], $0x1F40  }
0x72: {  	[sflag:s0] =	ssyncset.done $0x0  }
0x73: {  	s12 =	simm.s32 $0x5300;
	[sflag:s0] =	ssyncadd.s32 $0xFFFFE0C0  }
0x74: {  	[spmem:s2] =	stream.indirect.scatter.add.f32 [tilespmem:s24], [sflag:$0x7], $0x40, s12, s19, $0xb8;
	[tilespmem:$0x1ED40] =	vst v63  }
0x75: {  	_ =	swait.ge [sflag:s26], $0x1F40  }
0x76: {  	[sflag:s26] =	ssyncset.done $0x0  }
0x77: {  	s17 =	simm.s32 $0x480;
	[sflag:s26] =	ssyncadd.s32 $0xFFFFE0C0  }
0x78: {  	[tilespmem:s22], [sflag:$0x2] =	stream.indirect.gather [hbm4b:s4+s19], $0x40, s17, s19, $0xb8;
	[tilespmem:$0x1ED40] =	vst v63  }
0x79: {  	_ =	swait.ge [sflag:s1], $0x1F40  }
0x7a: {  	[sflag:s1] =	ssyncset.done $0x0  }
0x7b: {  	s6 =	simm.s32 $0x800;
	s11 =	simm.s32 $0x5380;
	[sflag:s1] =	ssyncadd.s32 $0xFFFFE0C0  }
.LBB2_4:
0x7c: {  	[spmem:s2] =	stream.indirect.scatter.add.f32 [tilespmem:s28], [sflag:$0x8], $0x40, s11, s19, $0xb8;
	[tilespmem:$0x1ED40] =	vst v63  }
0x7d: {  	s11 =	smov.u32 s6  }
0x7e: {  	p1 =	sne.s32 s6, $0x12800;
	s6 =	sadd.s32 $0x800, s6;
	_ =	swait.ge [sflag:s30], $0x1F40  }
0x7f: {  	s11 =	sshra.s32 s11, $0x2;
	[sflag:s30] =	ssyncset.done $0x0  }
0x80: {  	s12 =	sadd.s32 $0x300, s11;
	[sflag:s30] =	ssyncadd.s32 $0xFFFFE0C0  }
0x81: {  	[tilespmem:s24], [sflag:$0x3] =	stream.indirect.gather [hbm4b:s4+s19], $0x40, s12, s19, $0xb8;
	[tilespmem:$0x1ED40] =	vst v63  }
0x82: {  	_ =	swait.ge [sflag:s25], $0x1F40  }
0x83: {  	[sflag:s25] =	ssyncset.done $0x0  }
0x84: {  	s12 =	sadd.s32 $0x5200, s11;
	[sflag:s25] =	ssyncadd.s32 $0xFFFFE0C0  }
0x85: {  	[spmem:s2] =	stream.indirect.scatter.add.f32 [tilespmem:s20], [sflag:$0x5], $0x40, s12, s19, $0xb8;
	[tilespmem:$0x1ED40] =	vst v63  }
0x86: {  	_ =	swait.ge [sflag:s23], $0x1F40  }
0x87: {  	[sflag:s23] =	ssyncset.done $0x0  }
0x88: {  	s12 =	sadd.s32 $0x380, s11;
	[sflag:s23] =	ssyncadd.s32 $0xFFFFE0C0  }
0x89: {  	[tilespmem:s28], [sflag:$0x4] =	stream.indirect.gather [hbm4b:s4+s19], $0x40, s12, s19, $0xb8;
	[tilespmem:$0x1ED40] =	vst v63  }
0x8a: {  	_ =	swait.ge [sflag:s29], $0x1F40  }
0x8b: {  	[sflag:s29] =	ssyncset.done $0x0  }
0x8c: {  	s12 =	sadd.s32 $0x5280, s11;
	[sflag:s29] =	ssyncadd.s32 $0xFFFFE0C0  }
0x8d: {  	[spmem:s2] =	stream.indirect.scatter.add.f32 [tilespmem:s22], [sflag:$0x6], $0x40, s12, s19, $0xb8;
	[tilespmem:$0x1ED40] =	vst v63  }
0x8e: {  	_ =	swait.ge [sflag:s31], $0x1F40  }
0x8f: {  	[sflag:s31] =	ssyncset.done $0x0  }
0x90: {  	s12 =	sadd.s32 $0x400, s11;
	[sflag:s31] =	ssyncadd.s32 $0xFFFFE0C0  }
0x91: {  	[tilespmem:s20], [sflag:$0x1] =	stream.indirect.gather [hbm4b:s4+s19], $0x40, s12, s19, $0xb8;
	[tilespmem:$0x1ED40] =	vst v63  }
0x92: {  	_ =	swait.ge [sflag:s0], $0x1F40  }
0x93: {  	[sflag:s0] =	ssyncset.done $0x0  }
0x94: {  	s12 =	sadd.s32 $0x5300, s11;
	[sflag:s0] =	ssyncadd.s32 $0xFFFFE0C0  }
0x95: {  	[spmem:s2] =	stream.indirect.scatter.add.f32 [tilespmem:s24], [sflag:$0x7], $0x40, s12, s19, $0xb8;
	[tilespmem:$0x1ED40] =	vst v63  }
0x96: {  	_ =	swait.ge [sflag:s26], $0x1F40  }
0x97: {  	[sflag:s26] =	ssyncset.done $0x0  }
.Ltmp1:
0x98: {  	s12 =	sadd.s32 $0x480, s11;
	[sflag:s26] =	ssyncadd.s32 $0xFFFFE0C0;
	(pc) =	sbr.rel @p1 .LBB2_4-.Ltmp1, $4  }
0x99: {  	[tilespmem:s22], [sflag:$0x2] =	stream.indirect.gather [hbm4b:s4+s19], $0x40, s12, s19, $0xb8;
	[tilespmem:$0x1ED40] =	vst v63  }
0x9a: {  	_ =	swait.ge [sflag:s1], $0x1F40  }
0x9b: {  	[sflag:s1] =	ssyncset.done $0x0  }
0x9c: {  	s11 =	sadd.s32 $0x5380, s11;
	[sflag:s1] =	ssyncadd.s32 $0xFFFFE0C0  }
0x9d: {  	[spmem:s2] =	stream.indirect.scatter.add.f32 [tilespmem:s28], [sflag:$0x8], $0x40, s11, s19, $0xb8;
	[tilespmem:$0x1ED40] =	vst v63  }
0x9e: {  	_ =	swait.ge [sflag:s30], $0x1F40  }
0x9f: {  	[sflag:s30] =	ssyncset.done $0x0  }
0xa0: {  	s6 =	simm.s32 $0x4F00;
	[sflag:s30] =	ssyncadd.s32 $0xFFFFE0C0  }
0xa1: {  	[tilespmem:s24], [sflag:$0x3] =	stream.indirect.gather [hbm4b:s4+s19], $0x40, s6, s19, $0xb8;
	[tilespmem:$0x1ED40] =	vst v63  }
0xa2: {  	_ =	swait.ge [sflag:s25], $0x1F40  }
0xa3: {  	[sflag:s25] =	ssyncset.done $0x0  }
0xa4: {  	s17 =	simm.s32 $0x9E00;
	[sflag:s25] =	ssyncadd.s32 $0xFFFFE0C0  }
0xa5: {  	[spmem:s2] =	stream.indirect.scatter.add.f32 [tilespmem:s20], [sflag:$0x5], $0x40, s17, s19, $0xb8;
	[tilespmem:$0x1ED40] =	vst v63  }
0xa6: {  	_ =	swait.ge [sflag:s23], $0x1F40  }
0xa7: {  	[sflag:s23] =	ssyncset.done $0x0  }
0xa8: {  	s11 =	simm.s32 $0x4F80;
	[sflag:s23] =	ssyncadd.s32 $0xFFFFE0C0  }
0xa9: {  	[tilespmem:s28], [sflag:$0x4] =	stream.indirect.gather [hbm4b:s4+s19], $0x40, s11, s19, $0xb8;
	[tilespmem:$0x1ED40] =	vst v63  }
0xaa: {  	_ =	swait.ge [sflag:s29], $0x1F40  }
0xab: {  	[sflag:s29] =	ssyncset.done $0x0  }
0xac: {  	s12 =	simm.s32 $0x9E80;
	[sflag:s29] =	ssyncadd.s32 $0xFFFFE0C0  }
0xad: {  	[spmem:s2] =	stream.indirect.scatter.add.f32 [tilespmem:s22], [sflag:$0x6], $0x40, s12, s19, $0xb8;
	[tilespmem:$0x1ED40] =	vst v63  }
0xae: {  	_ =	swait.ge [sflag:s31], $0x1F40  }
0xaf: {  	[sflag:s31] =	ssyncset.done $0x0  }
0xb0: {  	[sflag:s31] =	ssyncadd.s32 $0xFFFFE0C0  }
0xb1: {  	_ =	swait.ge [sflag:s0], $0x1F40  }
0xb2: {  	[sflag:s0] =	ssyncset.done $0x0  }
0xb3: {  	s17 =	simm.s32 $0x9F00;
	[sflag:s0] =	ssyncadd.s32 $0xFFFFE0C0  }
0xb4: {  	[spmem:s2] =	stream.indirect.scatter.add.f32 [tilespmem:s24], [sflag:$0x7], $0x40, s17, s19, $0xb8;
	[tilespmem:$0x1ED40] =	vst v63  }
0xb5: {  	_ =	swait.ge [sflag:s26], $0x1F40  }
0xb6: {  	[sflag:s26] =	ssyncset.done $0x0  }
0xb7: {  	[sflag:s26] =	ssyncadd.s32 $0xFFFFE0C0  }
0xb8: {  	_ =	swait.ge [sflag:s1], $0x1F40  }
0xb9: {  	[sflag:s1] =	ssyncset.done $0x0  }
0xba: {  	s11 =	simm.s32 $0x9F80;
	[sflag:s1] =	ssyncadd.s32 $0xFFFFE0C0  }
0xbb: {  	[spmem:s2] =	stream.indirect.scatter.add.f32 [tilespmem:s28], [sflag:$0x8], $0x40, s11, s19, $0xb8;
	[tilespmem:$0x1ED40] =	vst v63  }
0xbc: {  	_ =	swait.ge [sflag:s30], $0x1F40  }
0xbd: {  	[sflag:s30] =	ssyncset.done $0x0  }
0xbe: {  	[sflag:s30] =	ssyncadd.s32 $0xFFFFE0C0  }
0xbf: {  	_ =	swait.ge [sflag:s23], $0x1F40  }
0xc0: {  	[sflag:s23] =	ssyncset.done $0x0  }
0xc1: {  	[sflag:s23] =	ssyncadd.s32 $0xFFFFE0C0  }
0xc2: {  	[bflag:$0x0] =	sbarrier.arrive $0xFFFF  }
0xc3: {  	[tilespmem:s18], [sflag:$0x9] =	stream.linear.gather [spmem:s7], $0x3400, $0x38;
	[tilespmem:$0x1ED40] =	vst v63  }
0xc4: {  	_ =	swait.ge [sflag:s16], $0x3400  }
0xc5: {  	[sflag:s16] =	ssyncset.done $0x0  }
0xc6: {  	s12 =	rddreg [dreg:$0x5];
	[sflag:s16] =	ssyncadd.s32 $0xFFFFCC00  }
0xc7: {  	[hbm4b:s12+s3] =	stream.strided.scatter [tilespmem:s18], [sflag:$0x9], $0x3400, s21, s3, $0x38;
	[tilespmem:$0x1ED40] =	vst v63  }
0xc8: {  	_ =	swait.ge [sflag:s16], $0x3400  }
0xc9: {  	[sflag:s16] =	ssyncset.done $0x0  }
0xca: {  	[sflag:s16] =	ssyncadd.s32 $0xFFFFCC00  }
0xcb: {  	[tilespmem:s18], [sflag:$0x9] =	stream.linear.gather [spmem:s8], $0x3400, $0x38;
	[tilespmem:$0x1ED40] =	vst v63  }
0xcc: {  	_ =	swait.ge [sflag:s16], $0x3400  }
0xcd: {  	[sflag:s16] =	ssyncset.done $0x0  }
0xce: {  	s17 =	rddreg [dreg:$0x6];
	[sflag:s16] =	ssyncadd.s32 $0xFFFFCC00  }
0xcf: {  	[hbm4b:s17+s3] =	stream.strided.scatter [tilespmem:s18], [sflag:$0x9], $0x3400, s21, s3, $0x38;
	[tilespmem:$0x1ED40] =	vst v63  }
0xd0: {  	_ =	swait.ge [sflag:s16], $0x3400  }
0xd1: {  	[sflag:s16] =	ssyncset.done $0x0  }
0xd2: {  	[sflag:s16] =	ssyncadd.s32 $0xFFFFCC00  }
0xd3: {  	[tilespmem:s18], [sflag:$0x9] =	stream.linear.gather [spmem:s9], $0x3400, $0x38;
	[tilespmem:$0x1ED40] =	vst v63  }
0xd4: {  	_ =	swait.ge [sflag:s16], $0x3400  }
0xd5: {  	[sflag:s16] =	ssyncset.done $0x0  }
0xd6: {  	[sflag:s16] =	ssyncadd.s32 $0xFFFFCC00  }
0xd7: {  	[hbm4b:s13+s3] =	stream.strided.scatter [tilespmem:s18], [sflag:$0x9], $0x3400, s21, s3, $0x38;
	[tilespmem:$0x1ED40] =	vst v63  }
0xd8: {  	_ =	swait.ge [sflag:s16], $0x3400  }
0xd9: {  	[sflag:s16] =	ssyncset.done $0x0  }
0xda: {  	s6 =	simm.s32 @!p0 $0x11D00;
	s11 =	simm.s32 @!p0 $0x9;
	[sflag:s16] =	ssyncadd.s32 $0xFFFFCC00  }
0xdb: {  	[tilespmem:s6], [sflag:$0x9] =	stream.linear.gather @!p0 [spmem:s10], $0x400, $0x38;
	[tilespmem:$0x1ED40] =	vst v63  }
0xdc: {  	s5 =	sadd.s32 $0x1, s5;
	_ =	swait.ge @!p0 [sflag:s11], $0x400  }
0xdd: {  	p1 =	sne.s32 s5, s15;
	s12 =	simm.s32 @!p0 $0x40;
	[sflag:s11] =	ssyncset.done @!p0 $0x0  }
.Ltmp2:
0xde: {  	s17 =	simm.s32 @!p0 $0x80;
	[sflag:s11] =	ssyncadd.s32 @!p0 $0xFFFFFC00;
	(pc) =	sbr.rel @p1 .LBB2_1-.Ltmp2, $4  }
0xdf: {  	[hbm4b:s14+s12] =	stream.strided.scatter @!p0 [tilespmem:s6], [sflag:$0x9], $0x400, s17, s12, $0x38;
	[tilespmem:$0x1ED40] =	vst v63  }
0xe0: {  	_ =	swait.ge @!p0 [sflag:s11], $0x400  }
0xe1: {  	[sflag:s11] =	ssyncset.done @!p0 $0x0  }
0xe2: {  	[sflag:s11] =	ssyncadd.s32 @!p0 $0xFFFFFC00  }
0xe3: {  	_ =	sfence.sel $0x180000  }
0xe4: {  	[bflag:$0x0] =	sbarrier.arrive $0xFFFF  }
0xe5: {  	_ =	strace $0x9000004A  }
0xe6: {  	s0 =	stileid.u32;
	[bflag:$0x2] =	sbarrier.arrive $0xFFFF  }
0xe7: {  	p0 =	sne.s32 s0, $0x0;
	s0 =	rddreg [dreg:$0x2]  }
0xe8: {  	s0 =	sadd.s32 @!p0 $0x100000, s0  }
0xe9: {  	[sflag:s0] =	ssyncadd.tile.s32 @!p0 $0x1;
	_ =	shalt  }
.Lfunc_end2:
_tile_overlayer_lowered:
.L_overlay_start_2:
0xea: {  	(tag) =	ssettag $0x2  }
0xeb: {  	s0 =	rddreg [dreg:$0x0];
	s2 =	stileid.u32  }
0xec: {  	s1 =	rddreg [dreg:$0x1];
	p0 =	sne.s32 s2, $0x0  }
0xed: {  	s3 =	rddreg [dreg:$0x2];
	[bflag:$0x3] =	sbarrier.arrive $0xFFFF;
	s2 =	simm.s32 @!p0 $0x1C09  }
0xee: {  	[timem:s3], [sflag:s2] =	dma.local @!p0 [hbm:s0], s1  }
0xef: {  	s0 =	simm.s32 @!p0 $0x9  }
0xf0: {  	_ =	swait.ge @!p0 [sflag:s0], s1  }
0xf1: {  	s1 =	ssub.s32 @!p0 $0x0, s1;
	[sflag:s0] =	ssyncset.done @!p0 $0x0  }
0xf2: {  	[sflag:s0] =	ssyncadd.s32 @!p0 s1  }
0xf3: {  	[bflag:$0x3] =	sbarrier.arrive $0xFFFF  }
0xf4: {  	_ =	shalt  }

// kernel: kernel.14.cloned.1.call-start
scs
__scs_entry_jumppad:
0x0: {  	(pc) =	sbr.rel $0x88, $3  }
0x1: {  	(tag) =	ssettag $0x0;
	lr =	simm.s32 $0x1  }
0x2: {  	[smem:$0x3F9B] =	sst lr;
	_ =	strace $0xD0000000  }
0x3: {  	_ = 	snop  }
0x4: {  	_ = 	snop  }
0x5: {  	_ = 	snop  }
0x6: {  	_ = 	snop  }
0x7: {  	_ = 	snop  }
__scs_overlays_trampoline_lowered:
0x8: {  	[smem:$0x3FAA] =	sst s0  }
0x9: {  	[smem:$0x3FAB] =	sst s1  }
0xa: {  	[smem:$0x3FAC] =	sst s2  }
0xb: {  	[smem:$0x3FAD] =	sst s3  }
0xc: {  	[smem:$0x3FAE] =	sst s4  }
0xd: {  	[smem:$0x3FAF] =	sst s5  }
0xe: {  	[smem:$0x3FB0] =	sst s6  }
0xf: {  	[smem:$0x3FB1] =	sst s7  }
0x10: {  	[smem:$0x3FB2] =	sst s8  }
0x11: {  	[smem:$0x3FB3] =	sst s9;
	s0 =	simm.s32 @!p0 $0x0  }
0x12: {  	s1 =	sld [smem:$0x3F99];
	s0 =	simm.s32 @p0 $0x1  }
0x13: {  	[smem:$0x3FB4] =	sst s0;
	s0 =	simm.s32 @!p1 $0x0  }
0x14: {  	s2 =	sld [smem:$0x3F98];
	s0 =	simm.s32 @p1 $0x1  }
0x15: {  	[smem:$0x3FB5] =	sst s0;
	s0 =	simm.s32 @!p2 $0x0  }
0x16: {  	s3 =	sld [smem:$0x3FDB];
	s0 =	simm.s32 @p2 $0x1  }
0x17: {  	s4 =	simm.s32 $0x1BF5;
	[smem:$0x3FB7] =	sst s0  }
0x18: {  	s0 =	sld [smem:$0x3F9A];
	_ =	swait.ge [sflag:s4], $0x0  }
0x19: {  	s7 =	sld [smem:$0x3F9B]  }
0x1a: {  	s8 =	sadd.s32 $0xFFFFE003, lr  }
0x1b: {  	s9 =	sadd.s32 $0xFFFFFEF7, lr;
	s5 =	simm.s32 $0xFFFFFFFF;
	p2 =	slt.u32 s8, $0xFFFFF086  }
0x1c: {  	p1 =	slt.u32 s9, $0xF7A;
	s5 =	simm.s32 @!p2 $0x0  }
0x1d: {  	s5 =	simm.s32 @p1 $0x1;
	p0 =	seq.s32 s7, s2  }
0x1e: {  	s7 =	smul.u32 @!p0 $0xF7A, s2;
	p2 =	seq.s32 @!p0 s5, $0x0  }
0x1f: {  	s9 =	smul.u32 $0xF7A, s1;
	s8 =	simm.s32 @!p0 $0x1BF5;
	p2 =	por !p2, p0  }
0x20: {  	[sflag:s8] =	ssyncset.s32 @!p0 $0xFFFFF086;
	s6 =	sadd.s32 @!p0 s3, s7;
	s7 =	simm.s32 @!p0 $0x108  }
0x21: {  	s3 =	sadd.s32 s3, s9;
	s6 =	sadd.s32 @!p0 $0x88, s6;
	s7 =	simm.s32 @p2 $0x1082  }
0x22: {  	[simem:s7], [sflag:s8] =	dma.local @!p0 [hbm:s6], $0xF7A  }
0x23: {  	s9 =	sor.u32 $0xD0000000, s2;
	s6 =	simm.s32 $0x108;
	_ =	swait.ge @!p0 [sflag:s8], $0x0  }
0x24: {  	s3 =	sadd.s32 $0x88, s3;
	s6 =	simm.s32 @!p1 $0x1082;
	[sflag:s4] =	ssyncset.s32 $0xFFFFF086  }
0x25: {  	[simem:s6], [sflag:s4] =	dma.local [hbm:s3], $0xF7A  }
0x26: {  	[smem:$0x3F9B] =	sst s1;
	(tag) =	ssettag s2;
	_ =	strace s9  }
0x27: {  	s1 =	sld [smem:$0x3FAB]  }
0x28: {  	s2 =	sld [smem:$0x3FAC]  }
0x29: {  	s4 =	sld [smem:$0x3FAE]  }
0x2a: {  	p0 =	seq.s32 s5, $0x0;
	s5 =	sld [smem:$0x3FAF]  }
0x2b: {  	s6 =	sld [smem:$0x3FB0]  }
0x2c: {  	s7 =	sld [smem:$0x3FB1]  }
0x2d: {  	s3 =	simm.s32 $0x108;
	s8 =	sld [smem:$0x3FB2]  }
0x2e: {  	s3 =	simm.s32 @!p0 $0x1082;
	s9 =	sld [smem:$0x3FB3]  }
0x2f: {  	lr =	sadd.s32 s0, s3;
	s0 =	sld [smem:$0x3FAA]  }
0x30: {  	s3 =	sld [smem:$0x3FAD]  }
0x31: {  	[smem:$0x3FB6] =	sst s10  }
0x32: {  	s10 =	sld [smem:$0x3FB4];
	_ =	sdelay $0x3  }
0x33: {  	p0 =	seq.s32 s10, $0x1;
	s10 =	sld [smem:$0x3FB6];
	_ =	sdelay $0x3  }
0x34: {  	[smem:$0x3FB6] =	sst s10  }
0x35: {  	s10 =	sld [smem:$0x3FB5];
	_ =	sdelay $0x3  }
0x36: {  	p1 =	seq.s32 s10, $0x1;
	s10 =	sld [smem:$0x3FB6];
	_ =	sdelay $0x3  }
0x37: {  	[smem:$0x3FB6] =	sst s10  }
0x38: {  	s10 =	sld [smem:$0x3FB7]  }
0x39: {  	_ = 	snop;
	(pc) =	sbr.ind lr, $3  }
0x3a: {  	_ = 	snop  }
0x3b: {  	_ = 	snop  }
0x3c: {  	p2 =	seq.s32 s10, $0x1;
	s10 =	sld [smem:$0x3FB6]  }
0x3d: {  	_ =	shalt  }
0x3e: {  	_ =	shalt  }
0x3f: {  	_ =	shalt  }
0x40: {  	_ =	shalt  }
0x41: {  	_ =	shalt  }
0x42: {  	_ =	shalt  }
0x43: {  	_ =	shalt  }
0x44: {  	_ =	shalt  }
0x45: {  	_ =	shalt  }
0x46: {  	_ =	shalt  }
0x47: {  	_ =	shalt  }
0x48: {  	_ =	shalt  }
0x49: {  	_ =	shalt  }
0x4a: {  	_ =	shalt  }
0x4b: {  	_ =	shalt  }
0x4c: {  	_ =	shalt  }
0x4d: {  	_ =	shalt  }
0x4e: {  	_ =	shalt  }
0x4f: {  	_ =	shalt  }
0x50: {  	_ =	shalt  }
0x51: {  	_ =	shalt  }
0x52: {  	_ =	shalt  }
0x53: {  	_ =	shalt  }
0x54: {  	_ =	shalt  }
0x55: {  	_ =	shalt  }
0x56: {  	_ =	shalt  }
0x57: {  	_ =	shalt  }
0x58: {  	_ =	shalt  }
0x59: {  	_ =	shalt  }
0x5a: {  	_ =	shalt  }
0x5b: {  	_ =	shalt  }
0x5c: {  	_ =	shalt  }
0x5d: {  	_ =	shalt  }
0x5e: {  	_ =	shalt  }
0x5f: {  	_ =	shalt  }
0x60: {  	_ =	shalt  }
0x61: {  	_ =	shalt  }
0x62: {  	_ =	shalt  }
0x63: {  	_ =	shalt  }
0x64: {  	_ =	shalt  }
0x65: {  	_ =	shalt  }
0x66: {  	_ =	shalt  }
0x67: {  	_ =	shalt  }
0x68: {  	_ =	shalt  }
0x69: {  	_ =	shalt  }
0x6a: {  	_ =	shalt  }
0x6b: {  	_ =	shalt  }
0x6c: {  	_ =	shalt  }
0x6d: {  	_ =	shalt  }
0x6e: {  	_ =	shalt  }
0x6f: {  	_ =	shalt  }
0x70: {  	_ =	shalt  }
0x71: {  	_ =	shalt  }
0x72: {  	_ =	shalt  }
0x73: {  	_ =	shalt  }
0x74: {  	_ =	shalt  }
0x75: {  	_ =	shalt  }
0x76: {  	_ =	shalt  }
0x77: {  	_ =	shalt  }
0x78: {  	_ =	shalt  }
0x79: {  	_ =	shalt  }
0x7a: {  	_ =	shalt  }
0x7b: {  	_ =	shalt  }
0x7c: {  	_ =	shalt  }
0x7d: {  	_ =	shalt  }
0x7e: {  	_ =	shalt  }
0x7f: {  	_ =	shalt  }
0x80: {  	_ =	shalt  }
0x81: {  	_ =	shalt  }
0x82: {  	_ =	shalt  }
0x83: {  	_ =	shalt  }
0x84: {  	_ =	shalt  }
0x85: {  	_ =	shalt  }
0x86: {  	_ =	shalt  }
0x87: {  	_ =	shalt  }
.Lfunc_end0:
.L_simem_size_0:
called_computation.2_lowered:
.L_overlay_start_0:
0x88: {  	s2 =	sld [smem:$0x3FD9]  }
0x89: {  	s3 =	sld [smem:$0x3FFE];
	_ =	sdelay $0x1  }
0x8a: {  	s1 =	srdreg.scid  }
0x8b: {  	s0 =	sand.u32 $0x1, s1  }
0x8c: {  	s17 =	sshll.u32 s0, $0xA;
	s2 =	sadd.s32 s3, s2  }
0x8d: {  	s2 =	sadd.s32 s2, s17  }
0x8e: {  	[smem:$0x3FC2] =	sst s2  }
0x8f: {  	_ = 	snop  }
0x90: {  	s2 =	sld [smem:$0x3FD0];
	(tm) =	ssettm $0x1  }
0x91: {  	s18 =	sld [smem:$0x3FFB];
	_ =	sdelay $0x3  }
0x92: {  	_ =	strace s18  }
0x93: {  	s3 =	sld [smem:$0x3FFC];
	_ =	sdelay $0x3  }
0x94: {  	_ =	strace s3  }
0x95: {  	s3 =	sld [smem:$0x3FFD];
	_ =	sdelay $0x3  }
0x96: {  	_ =	strace s3  }
0x97: {  	_ =	strace $0x8FFFFFFF  }
0x98: {  	s19 =	sld [smem:$0x3FDB];
	_ =	sdelay $0x1  }
0x99: {  	s4 =	simm.s32 $_scs_section_size  }
0x9a: {  	s5 =	simm.s32 $_size__tile_overlayer_lowered;
	s6 =	simm.s32 $_tile_overlayer_lowered  }
0x9b: {  	s22 =	simm.s32 $0x1BFF;
	s21 =	sshll.u32 s6, $0x1;
	s3 =	sadd.s32 s4, s19  }
0x9c: {  	s7 =	simm.s32 $0x0;
	s20 =	sshll.u32 s5, $0x1;
	s5 =	sadd.s32 s21, s3  }
0x9d: {  	[timem:s7], [sflag:s22] =	dma.local [hbm:s5], s20  }
0x9e: {  	_ =	swait.ge [sflag:s22], s20  }
0x9f: {  	s4 =	ssub.s32 $0x0, s20;
	[sflag:s22] =	ssyncset.done $0x0  }
0xa0: {  	[sflag:s22] =	ssyncadd.s32 s4;
	_ =	sdelay $0x1  }
0xa1: {  	s23 =	simm.s32 $0x1B8B  }
0xa2: {  	_ =	swait.ge [sflag:s23], $0x1  }
0xa3: {  	[sflag:s23] =	ssyncset.done $0x0  }
0xa4: {  	s25 =	simm.s32 $0x1B8E;
	s24 =	sld [smem:$0x3FFE];
	[sflag:s23] =	ssyncadd.s32 $0xFFFFFFFF  }
0xa5: {  	s26 =	simm.s32 $execute0_lowered;
	[smem:$0x3FD2] =	sst s25  }
0xa6: {  	s5 =	sshll.u32 s26, $0x1;
	_ =	strace $0x8000004C;
	[dreg:$0x1] =	wrdreg $0xFFFFFFFF  }
0xa7: {  	s28 =	simm.s32 $_size_execute0_lowered;
	s3 =	sadd.s32 s3, s5;
	[dreg:$0x0] =	wrdreg $0x0  }
0xa8: {  	s5 =	sshll.u32 s28, $0x1;
	[dreg:$0x2] =	wrdreg s3  }
0xa9: {  	[dreg:$0x3] =	wrdreg s5  }
0xaa: {  	[dreg:$0x4] =	wrdreg $0xC0  }
0xab: {  	_ =	task [dreg:s7], $0x5FFFF  }
0xac: {  	[dreg:$0x1] =	wrdreg $0xFFFFFFFF  }
0xad: {  	[dreg:$0x0] =	wrdreg $0x60  }
0xae: {  	[dreg:$0x2] =	wrdreg s2  }
0xaf: {  	[dreg:$0x3] =	wrdreg s24  }
0xb0: {  	[dreg:$0x4] =	wrdreg $0x137000  }
0xb1: {  	[dreg:$0x5] =	wrdreg $0x9  }
0xb2: {  	_ =	task.clear_ibuf [dreg:s7], $0x6FFFF;
	_ =	strace $0x9000004C  }
0xb3: {  	s29 =	simm.s32 $0x9;
	_ =	strace $0x8000004E  }
0xb4: {  	_ =	swait.ge [sflag:s29], $0x1  }
0xb5: {  	[sflag:s29] =	ssyncadd.s32 $0xFFFFFFFF  }
0xb6: {  	_ =	strace $0x9000004E  }
0xb7: {  	_ =	sfence  }
0xb8: {  	s30 =	sld [smem:$0x0];
	_ =	sdelay $0x2  }
0xb9: {  	s31 =	sshll.u32 s1, $0xD;
	s1 =	sshrl.u32 s1, $0x2  }
0xba: {  	s3 =	sand.u32 $0x4000, s31;
	s1 =	sadd.s32 s1, s30  }
0xbb: {  	s0 =	sor.u32 s3, s0;
	s1 =	sshll.u32 s1, $0x11  }
0xbc: {  	s0 =	sor.u32 s1, s0  }
0xbd: {  	s0 =	sadd.s32 $0x8F2B, s0  }
0xbe: {  	[sflag:s0] =	ssyncadd.remote.s32 $0x1  }
0xbf: {  	_ =	sfence.sel $0xFFFF  }
0xc0: {  	[dreg:$0x0] =	wrdreg $0xFFFFFFFF;
	(pc) =	sbr.abs _section_cstart, $3  }
0xc1: {  	[dreg:$0x1] =	wrdreg $0xFFFFFFFF  }
0xc2: {  	_ =	task.clear_ibuf [dreg:s7], $0x2FFFF;
	_ =	strace $0x9FFFFFFF  }
0xc3: {  	(tm) =	ssettm $0x7FFFFFFF  }
tec
execute0_lowered:
.L_overlay_start_1:
0x0: {  	(tag) =	ssettag $0x1  }
0x1: {  	s2 =	rddreg [dreg:$0x0]  }
0x2: {  	s0 =	srdreg.scid;
	s4 =	rddreg [dreg:$0x1]  }
0x3: {  	s9 =	stileid.u32;
	s3 =	rddreg [dreg:$0x2];
	s6 =	simm.s32 $0x0  }
0x4: {  	s15 =	simm.s32 $0x80;
	s25 =	simm.s32 $0xDE80;
	s26 =	simm.s32 $0xFDC0  }
0x5: {  	s28 =	simm.s32 $0x1;
	s29 =	simm.s32 $0xEE20;
	s30 =	simm.s32 $0x2  }
0x6: {  	s31 =	simm.s32 $0x3;
	s0 =	sand.u32 $0x1, s0;
	s1 =	smul.u32 $0x5000, s9  }
0x7: {  	[smem:$0x7FF] =	sst s6;
	s8 =	smul.u32 $0x13800, s9;
	s14 =	sadd.s32 $0x4E000, s3  }
0x8: {  	p0 =	sne.s32 s9, $0xF;
	s5 =	smul.u32 $0x50000, s0;
	_ =	strace $0x8000004D  }
0x9: {  	s16 =	ssub.s32 $0x2, s0;
	s19 =	sshll.u32 s0, $0x5;
	[dreg:$0x4] =	wrdreg s25  }
0xa: {  	s0 =	sshll.u32 s0, $0x2;
	[dreg:$0x5] =	wrdreg s26;
	s26 =	simm.s32 $0xCEE0  }
0xb: {  	s25 =	simm.s32 $0xB;
	[dreg:$0xb] =	wrdreg s14;
	s7 =	sshrl.u32 s16, $0x1  }
0xc: {  	s17 =	sshrl.u32 s8, $0x2;
	s18 =	sadd.s32 $0x6800, s8;
	s11 =	sadd.s32 $0xD000, s8  }
0xd: {  	s8 =	sor.u32 s19, s8;
	s5 =	sadd.s32 s1, s5;
	s1 =	sshrl.u32 s1, $0x3  }
0xe: {  	s6 =	ssub.s32 s16, s7;
	s10 =	sadd.s32 s17, s3;
	s20 =	sshrl.u32 s18, $0x2  }
0xf: {  	s21 =	sshrl.u32 s11, $0x2;
	s8 =	sshrl.u32 s8, $0x3;
	s16 =	simm.s32 $0x11  }
0x10: {  	s17 =	simm.s32 $0x9;
	s7 =	simm.s32 $0x0;
	s5 =	sshrl.u32 s5, $0x3  }
0x11: {  	s1 =	sadd.s32 s1, s4;
	s24 =	smax.u32 s6, $0x1;
	[dreg:$0x8] =	wrdreg s10  }
0x12: {  	s12 =	sadd.s32 s20, s3;
	s13 =	sadd.s32 s21, s3;
	[dreg:$0x10] =	wrdreg s24  }
0x13: {  	s20 =	simm.s32 $0xA000;
	s5 =	sadd.s32 s5, s4;
	[dreg:$0x9] =	wrdreg s12  }
0x14: {  	s4 =	sadd.s32 $0x20000, s4;
	s1 =	sadd.s32 $0x2000, s1;
	[dreg:$0xa] =	wrdreg s13  }
0x15: {  	s24 =	simm.s32 $0xBF40;
	s5 =	sadd.s32 $0xC000, s5;
	[dreg:$0x7] =	wrdreg s1  }
0x16: {  	s22 =	sadd.s32 s4, s8;
	s1 =	sor.u32 s19, s18;
	[dreg:$0x6] =	wrdreg s5  }
0x17: {  	s0 =	sadd.s32 s0, s4;
	[dreg:$0xc] =	wrdreg s22;
	s5 =	sor.u32 s19, s11  }
0x18: {  	s1 =	sshrl.u32 s1, $0x3;
	s0 =	sadd.s32 $0x27000, s0;
	s11 =	simm.s32 $0x11D00  }
0x19: {  	s19 =	simm.s32 $0x7D;
	s22 =	simm.s32 $0xAFA0;
	s5 =	sshrl.u32 s5, $0x3  }
0x1a: {  	s1 =	sadd.s32 s4, s1;
	[dreg:$0xf] =	wrdreg s0;
	s0 =	simm.s32 $0x4  }
0x1b: {  	[dreg:$0xd] =	wrdreg s1;
	s23 =	sadd.s32 s4, s5;
	s1 =	simm.s32 $0x10D60  }
0x1c: {  	v0 =	vimm.f32 $0.0e+00;
	s4 =	simm.s32 $0x8;
	[dreg:$0xe] =	wrdreg s23;
	s23 =	simm.s32 $0x6  }
.LBB2_1:
0x1d: {  	[dreg:$0x11] =	wrdreg s7  }
0x1e: {  	s5 =	simm.s32 $0x0;
	s6 =	rddreg [dreg:$0x6]  }
0x1f: {  	[tilespmem:s5], [sflag:$0x11] =	stream.linear.gather [hbm4b:s6+s5], $0x5000, $0x38;
	[tilespmem:$0x18520] =	vst v63  }
0x20: {  	_ =	swait.ge [sflag:s16], $0x5000  }
0x21: {  	[sflag:s16] =	ssyncset.done $0x0  }
0x22: {  	s21 =	simm.s32 $0x5000;
	s18 =	rddreg [dreg:$0x7];
	[sflag:s16] =	ssyncadd.s32 $0xFFFFB000  }
0x23: {  	[tilespmem:s21], [sflag:$0x11] =	stream.linear.gather [hbm4b:s18+s5], $0x5000, $0x38;
	[tilespmem:$0x18520] =	vst v63  }
0x24: {  	_ =	swait.ge [sflag:s16], $0x5000  }
0x25: {  	[sflag:s16] =	ssyncset.done $0x0  }
0x26: {  	s6 =	simm.s32 $0x0;
	s5 =	simm.s32 $0x80;
	[sflag:s16] =	ssyncadd.s32 $0xFFFFB000  }
.LBB2_2:
0x27: {  	p1 =	sne.s32 s5, $0x6780;
	[tilespmem:s6+$0x11D00] =	vst v0;
	s7 =	smov.u32 s5;
	s5 =	sadd.s32 $0x80, s5  }
.Ltmp0:
0x28: {  	[tilespmem:s6+$0x11D10] =	vst v0;
	(pc) =	sbr.rel @p1 .LBB2_2-.Ltmp0, $2  }
0x29: {  	_ =	sdelay $0x2  }
0x2a: {  	s6 =	sshra.s32 s7, $0x2  }
0x2b: {  	[tilespmem:s6+$0x11D00] =	vst v0  }
0x2c: {  	[tilespmem:s6+$0x11D10] =	vst v0  }
0x2d: {  	[spmem:s10] =	stream.linear.scatter [tilespmem:s11], [sflag:$0x11], $0x1A00, $0x38;
	[tilespmem:$0x18520] =	vst v63  }
0x2e: {  	_ =	swait.ge [sflag:s16], $0x1A00  }
0x2f: {  	[sflag:s16] =	ssyncset.done $0x0  }
0x30: {  	[sflag:s16] =	ssyncadd.s32 $0xFFFFE600  }
0x31: {  	[spmem:s12] =	stream.linear.scatter [tilespmem:s11], [sflag:$0x11], $0x1A00, $0x38;
	[tilespmem:$0x18520] =	vst v63  }
0x32: {  	_ =	swait.ge [sflag:s16], $0x1A00  }
0x33: {  	[sflag:s16] =	ssyncset.done $0x0  }
0x34: {  	[sflag:s16] =	ssyncadd.s32 $0xFFFFE600  }
0x35: {  	[spmem:s13] =	stream.linear.scatter [tilespmem:s11], [sflag:$0x11], $0x1A00, $0x38;
	[tilespmem:$0x18520] =	vst v63  }
0x36: {  	_ =	swait.ge [sflag:s16], $0x1A00  }
0x37: {  	[sflag:s16] =	ssyncset.done $0x0  }
0x38: {  	s5 =	simm.s32 @!p0 $0x11D00;
	[sflag:s16] =	ssyncadd.s32 $0xFFFFE600  }
0x39: {  	[spmem:s14] =	stream.linear.scatter @!p0 [tilespmem:s5], [sflag:$0x11], $0x200, $0x38;
	[tilespmem:$0x18520] =	vst v63  }
0x3a: {  	s5 =	simm.s32 @!p0 $0x11  }
0x3b: {  	_ =	swait.ge @!p0 [sflag:s5], $0x200  }
0x3c: {  	[sflag:s5] =	ssyncset.done @!p0 $0x0  }
0x3d: {  	[sflag:s5] =	ssyncadd.s32 @!p0 $0xFFFFFE00  }
0x3e: {  	s18 =	simm.s32 $0x0;
	[bflag:$0x0] =	sbarrier.arrive $0xFFFF  }
0x3f: {  	[tilespmem:s20], [sflag:$0x1] =	stream.indirect.gather [hbm4b:s2+s19], $0x20, s18, s19, $0xb8;
	[tilespmem:$0x18520] =	vst v63  }
0x40: {  	_ = 	snop  }
0x41: {  	[tilespmem:s22], [sflag:$0x2] =	stream.indirect.gather [hbm4b:s2+s19], $0x20, s15, s19, $0xb8;
	[tilespmem:$0x18520] =	vst v63  }
0x42: {  	s21 =	simm.s32 $0x100;
	p1 =	por $0x1, $0x1  }
0x43: {  	[tilespmem:s24], [sflag:$0x3] =	stream.indirect.gather [hbm4b:s2+s19], $0x20, s21, s19, $0xb8;
	[tilespmem:$0x18520] =	vst v63  }
0x44: {  	s6 =	simm.s32 $0x180;
	s5 =	simm.s32 @!p1 $0xD  }
0x45: {  	[tilespmem:s26], [sflag:$0x4] =	stream.indirect.gather [hbm4b:s2+s19], $0x20, s6, s19, $0xb8;
	[tilespmem:$0x18520] =	vst v63  }
0x46: {  	_ =	swait.ge @!p1 [sflag:s5], $0xFA0  }
0x47: {  	[sflag:s5] =	ssyncset.done @!p1 $0x0  }
0x48: {  	s8 =	simm.s32 $0x200;
	s7 =	rddreg [dreg:$0x4];
	[sflag:s5] =	ssyncadd.s32 @!p1 $0xFFFFF060  }
0x49: {  	[tilespmem:s7], [sflag:$0x5] =	stream.indirect.gather [hbm4b:s2+s19], $0x20, s8, s19, $0xb8;
	[tilespmem:$0x18520] =	vst v63  }
0x4a: {  	_ =	swait.ge [sflag:s28], $0xFA0  }
0x4b: {  	[sflag:s28] =	ssyncset.done $0x0  }
0x4c: {  	s9 =	simm.s32 $0x5000;
	s6 =	simm.s32 @!p1 $0xE;
	[sflag:s28] =	ssyncadd.s32 $0xFFFFF060  }
0x4d: {  	[spmem:s3] =	stream.indirect.scatter.add.f32 [tilespmem:s20], [sflag:$0x9], $0x20, s9, s19, $0xb8;
	[tilespmem:$0x18520] =	vst v63  }
0x4e: {  	_ =	swait.ge @!p1 [sflag:s6], $0xFA0  }
0x4f: {  	[sflag:s6] =	ssyncset.done @!p1 $0x0  }
0x50: {  	s10 =	simm.s32 $0x280;
	[sflag:s6] =	ssyncadd.s32 @!p1 $0xFFFFF060  }
0x51: {  	[tilespmem:s29], [sflag:$0x6] =	stream.indirect.gather [hbm4b:s2+s19], $0x20, s10, s19, $0xb8;
	[tilespmem:$0x18520] =	vst v63  }
0x52: {  	_ =	swait.ge [sflag:s30], $0xFA0  }
0x53: {  	[sflag:s30] =	ssyncset.done $0x0  }
0x54: {  	s11 =	simm.s32 $0x5080;
	s6 =	simm.s32 @!p1 $0xF;
	[sflag:s30] =	ssyncadd.s32 $0xFFFFF060  }
0x55: {  	[spmem:s3] =	stream.indirect.scatter.add.f32 [tilespmem:s22], [sflag:$0xA], $0x20, s11, s19, $0xb8;
	[tilespmem:$0x18520] =	vst v63  }
0x56: {  	_ =	swait.ge @!p1 [sflag:s6], $0xFA0  }
0x57: {  	[sflag:s6] =	ssyncset.done @!p1 $0x0  }
0x58: {  	s13 =	simm.s32 $0x300;
	s12 =	rddreg [dreg:$0x5];
	[sflag:s6] =	ssyncadd.s32 @!p1 $0xFFFFF060  }
0x59: {  	[tilespmem:s12], [sflag:$0x7] =	stream.indirect.gather [hbm4b:s2+s19], $0x20, s13, s19, $0xb8;
	[tilespmem:$0x18520] =	vst v63  }
0x5a: {  	_ =	swait.ge [sflag:s31], $0xFA0  }
0x5b: {  	[sflag:s31] =	ssyncset.done $0x0  }
0x5c: {  	s14 =	simm.s32 $0x5100;
	s6 =	simm.s32 @!p1 $0x10;
	[sflag:s31] =	ssyncadd.s32 $0xFFFFF060  }
0x5d: {  	[spmem:s3] =	stream.indirect.scatter.add.f32 [tilespmem:s24], [sflag:$0xB], $0x20, s14, s19, $0xb8;
	[tilespmem:$0x18520] =	vst v63  }
0x5e: {  	_ =	swait.ge @!p1 [sflag:s6], $0xFA0  }
0x5f: {  	[sflag:s6] =	ssyncset.done @!p1 $0x0  }
0x60: {  	s15 =	simm.s32 $0x380;
	[sflag:s6] =	ssyncadd.s32 @!p1 $0xFFFFF060  }
0x61: {  	[tilespmem:s1], [sflag:$0x8] =	stream.indirect.gather [hbm4b:s2+s19], $0x20, s15, s19, $0xb8;
	[tilespmem:$0x18520] =	vst v63  }
0x62: {  	_ =	swait.ge [sflag:s0], $0xFA0  }
0x63: {  	[sflag:s0] =	ssyncset.done $0x0  }
0x64: {  	s18 =	simm.s32 $0x5180;
	[sflag:s0] =	ssyncadd.s32 $0xFFFFF060  }
0x65: {  	[spmem:s3] =	stream.indirect.scatter.add.f32 [tilespmem:s26], [sflag:$0xC], $0x20, s18, s19, $0xb8;
	[tilespmem:$0x18520] =	vst v63  }
0x66: {  	_ =	swait.ge [sflag:s17], $0xFA0  }
0x67: {  	p1 =	por $0x0, $0x0;
	[sflag:s17] =	ssyncset.done $0x0  }
0x68: {  	s5 =	simm.s32 @p1 $0x5;
	[sflag:s17] =	ssyncadd.s32 $0xFFFFF060  }
0x69: {  	_ =	swait.ge @p1 [sflag:s5], $0xFA0  }
0x6a: {  	s6 =	simm.s32 @p1 $0x5200;
	s7 =	simm.s32 @p1 $0xA;
	[sflag:s5] =	ssyncset.done @p1 $0x0  }
0x6b: {  	s8 =	simm.s32 @p1 $0xDE80;
	[sflag:s5] =	ssyncadd.s32 @p1 $0xFFFFF060;
	s5 =	simm.s32 @p1 $0x7D  }
0x6c: {  	[spmem:s3] =	stream.indirect.scatter.add.f32 @p1 [tilespmem:s8], [sflag:$0xD], $0x20, s6, s5, $0xb8;
	[tilespmem:$0x18520] =	vst v63  }
0x6d: {  	_ =	swait.ge @p1 [sflag:s7], $0xFA0  }
0x6e: {  	s6 =	simm.s32 @!p1 $0x400;
	[sflag:s7] =	ssyncset.done @p1 $0x0  }
0x6f: {  	s8 =	simm.s32 @!p1 $0xA000;
	[sflag:s7] =	ssyncadd.s32 @p1 $0xFFFFF060;
	s7 =	simm.s32 @!p1 $0x7D  }
0x70: {  	[tilespmem:s8], [sflag:$0x1] =	stream.indirect.gather @!p1 [hbm4b:s2+s7], $0x20, s6, s7, $0xb8;
	[tilespmem:$0x18520] =	vst v63  }
0x71: {  	s6 =	simm.s32 @!p1 $0x5  }
0x72: {  	_ =	swait.ge @!p1 [sflag:s6], $0xFA0  }
0x73: {  	[sflag:s6] =	ssyncset.done @!p1 $0x0  }
0x74: {  	s8 =	simm.s32 @!p1 $0x5200;
	[sflag:s6] =	ssyncadd.s32 @!p1 $0xFFFFF060;
	s6 =	simm.s32 @!p1 $0xDE80  }
0x75: {  	[spmem:s3] =	stream.indirect.scatter.add.f32 @!p1 [tilespmem:s6], [sflag:$0xD], $0x20, s8, s7, $0xb8;
	[tilespmem:$0x18520] =	vst v63  }
0x76: {  	s6 =	simm.s32 @!p1 $0xA  }
0x77: {  	_ =	swait.ge @!p1 [sflag:s6], $0xFA0  }
0x78: {  	[sflag:s6] =	ssyncset.done @!p1 $0x0  }
0x79: {  	s8 =	simm.s32 @!p1 $0x480;
	[sflag:s6] =	ssyncadd.s32 @!p1 $0xFFFFF060;
	s6 =	simm.s32 @!p1 $0xAFA0  }
0x7a: {  	[tilespmem:s6], [sflag:$0x2] =	stream.indirect.gather @!p1 [hbm4b:s2+s7], $0x20, s8, s7, $0xb8;
	[tilespmem:$0x18520] =	vst v63  }
0x7b: {  	_ =	swait.ge [sflag:s23], $0xFA0  }
0x7c: {  	[sflag:s23] =	ssyncset.done $0x0  }
0x7d: {  	s21 =	simm.s32 $0x5280;
	[sflag:s23] =	ssyncadd.s32 $0xFFFFF060  }
0x7e: {  	[spmem:s3] =	stream.indirect.scatter.add.f32 [tilespmem:s29], [sflag:$0xE], $0x20, s21, s19, $0xb8;
	[tilespmem:$0x18520] =	vst v63  }
0x7f: {  	_ =	swait.ge [sflag:s25], $0xFA0  }
0x80: {  	[sflag:s25] =	ssyncset.done $0x0  }
0x81: {  	s6 =	simm.s32 @p1 $0x7;
	[sflag:s25] =	ssyncadd.s32 $0xFFFFF060  }
0x82: {  	_ =	swait.ge @p1 [sflag:s6], $0xFA0  }
0x83: {  	[sflag:s6] =	ssyncset.done @p1 $0x0  }
0x84: {  	s8 =	simm.s32 @p1 $0x5300;
	[sflag:s6] =	ssyncadd.s32 @p1 $0xFFFFF060;
	s6 =	simm.s32 @p1 $0xFDC0  }
0x85: {  	[spmem:s3] =	stream.indirect.scatter.add.f32 @p1 [tilespmem:s6], [sflag:$0xF], $0x20, s8, s5, $0xb8;
	[tilespmem:$0x18520] =	vst v63  }
0x86: {  	s5 =	simm.s32 @p1 $0xC  }
0x87: {  	_ =	swait.ge @p1 [sflag:s5], $0xFA0  }
0x88: {  	[sflag:s5] =	ssyncset.done @p1 $0x0  }
0x89: {  	s6 =	simm.s32 @!p1 $0x500;
	[sflag:s5] =	ssyncadd.s32 @p1 $0xFFFFF060;
	s5 =	simm.s32 @!p1 $0xBF40  }
0x8a: {  	[tilespmem:s5], [sflag:$0x3] =	stream.indirect.gather @!p1 [hbm4b:s2+s7], $0x20, s6, s7, $0xb8;
	[tilespmem:$0x18520] =	vst v63  }
0x8b: {  	s5 =	simm.s32 @!p1 $0x7  }
0x8c: {  	_ =	swait.ge @!p1 [sflag:s5], $0xFA0  }
0x8d: {  	[sflag:s5] =	ssyncset.done @!p1 $0x0  }
0x8e: {  	s6 =	simm.s32 @!p1 $0x5300;
	[sflag:s5] =	ssyncadd.s32 @!p1 $0xFFFFF060;
	s5 =	simm.s32 @!p1 $0xFDC0  }
0x8f: {  	[spmem:s3] =	stream.indirect.scatter.add.f32 @!p1 [tilespmem:s5], [sflag:$0xF], $0x20, s6, s7, $0xb8;
	[tilespmem:$0x18520] =	vst v63  }
0x90: {  	s5 =	simm.s32 @!p1 $0xC  }
0x91: {  	_ =	swait.ge @!p1 [sflag:s5], $0xFA0  }
0x92: {  	[sflag:s5] =	ssyncset.done @!p1 $0x0  }
0x93: {  	s6 =	simm.s32 @!p1 $0x580;
	[sflag:s5] =	ssyncadd.s32 @!p1 $0xFFFFF060;
	s5 =	simm.s32 @!p1 $0xCEE0  }
0x94: {  	[tilespmem:s5], [sflag:$0x4] =	stream.indirect.gather @!p1 [hbm4b:s2+s7], $0x20, s6, s7, $0xb8;
	[tilespmem:$0x18520] =	vst v63  }
0x95: {  	p2 =	por $0x0, $0x0;
	s15 =	simm.s32 $0x1000;
	_ =	swait.ge [sflag:s4], $0xFA0  }
0x96: {  	s5 =	simm.s32 $0x2000;
	s6 =	simm.s32 $0x5380;
	[sflag:s4] =	ssyncset.done $0x0  }
.LBB2_4:
0x97: {  	s7 =	simm.s32 @!p2 $0xD;
	[sflag:s4] =	ssyncadd.s32 $0xFFFFF060  }
0x98: {  	[spmem:s3] =	stream.indirect.scatter.add.f32 [tilespmem:s1], [sflag:$0x10], $0x20, s6, s19, $0xb8;
	[tilespmem:$0x18520] =	vst v63  }
0x99: {  	_ =	swait.ge @!p2 [sflag:s7], $0xFA0  }
0x9a: {  	s6 =	sshra.s32 s15, $0x2;
	[sflag:s7] =	ssyncset.done @!p2 $0x0  }
0x9b: {  	s18 =	sadd.s32 $0x200, s6;
	s8 =	rddreg [dreg:$0x4];
	[sflag:s7] =	ssyncadd.s32 @!p2 $0xFFFFF060  }
0x9c: {  	[tilespmem:s8], [sflag:$0x5] =	stream.indirect.gather [hbm4b:s2+s19], $0x20, s18, s19, $0xb8;
	[tilespmem:$0x18520] =	vst v63  }
0x9d: {  	_ =	swait.ge [sflag:s28], $0xFA0  }
0x9e: {  	[sflag:s28] =	ssyncset.done $0x0  }
0x9f: {  	s21 =	sadd.s32 $0x5000, s6;
	s8 =	simm.s32 @!p2 $0xE;
	[sflag:s28] =	ssyncadd.s32 $0xFFFFF060  }
0xa0: {  	[spmem:s3] =	stream.indirect.scatter.add.f32 [tilespmem:s20], [sflag:$0x9], $0x20, s21, s19, $0xb8;
	[tilespmem:$0x18520] =	vst v63  }
0xa1: {  	_ =	swait.ge @!p2 [sflag:s8], $0xFA0  }
0xa2: {  	[sflag:s8] =	ssyncset.done @!p2 $0x0  }
0xa3: {  	[sflag:s8] =	ssyncadd.s32 @!p2 $0xFFFFF060;
	s8 =	sadd.s32 $0x280, s6  }
0xa4: {  	[tilespmem:s29], [sflag:$0x6] =	stream.indirect.gather [hbm4b:s2+s19], $0x20, s8, s19, $0xb8;
	[tilespmem:$0x18520] =	vst v63  }
0xa5: {  	_ =	swait.ge [sflag:s30], $0xFA0  }
0xa6: {  	[sflag:s30] =	ssyncset.done $0x0  }
0xa7: {  	s9 =	sadd.s32 $0x5080, s6;
	s8 =	simm.s32 @!p2 $0xF;
	[sflag:s30] =	ssyncadd.s32 $0xFFFFF060  }
0xa8: {  	[spmem:s3] =	stream.indirect.scatter.add.f32 [tilespmem:s22], [sflag:$0xA], $0x20, s9, s19, $0xb8;
	[tilespmem:$0x18520] =	vst v63  }
0xa9: {  	_ =	swait.ge @!p2 [sflag:s8], $0xFA0  }
0xaa: {  	[sflag:s8] =	ssyncset.done @!p2 $0x0  }
0xab: {  	s12 =	sadd.s32 $0x300, s6;
	s10 =	rddreg [dreg:$0x5];
	[sflag:s8] =	ssyncadd.s32 @!p2 $0xFFFFF060  }
0xac: {  	[tilespmem:s10], [sflag:$0x7] =	stream.indirect.gather [hbm4b:s2+s19], $0x20, s12, s19, $0xb8;
	[tilespmem:$0x18520] =	vst v63  }
0xad: {  	_ =	swait.ge [sflag:s31], $0xFA0  }
0xae: {  	[sflag:s31] =	ssyncset.done $0x0  }
0xaf: {  	s13 =	sadd.s32 $0x5100, s6;
	s8 =	simm.s32 @!p2 $0x10;
	[sflag:s31] =	ssyncadd.s32 $0xFFFFF060  }
0xb0: {  	[spmem:s3] =	stream.indirect.scatter.add.f32 [tilespmem:s24], [sflag:$0xB], $0x20, s13, s19, $0xb8;
	[tilespmem:$0x18520] =	vst v63  }
0xb1: {  	_ =	swait.ge @!p2 [sflag:s8], $0xFA0  }
0xb2: {  	[sflag:s8] =	ssyncset.done @!p2 $0x0  }
0xb3: {  	s14 =	sadd.s32 $0x380, s6;
	[sflag:s8] =	ssyncadd.s32 @!p2 $0xFFFFF060  }
0xb4: {  	[tilespmem:s1], [sflag:$0x8] =	stream.indirect.gather [hbm4b:s2+s19], $0x20, s14, s19, $0xb8;
	[tilespmem:$0x18520] =	vst v63  }
0xb5: {  	_ =	swait.ge [sflag:s0], $0xFA0  }
0xb6: {  	[sflag:s0] =	ssyncset.done $0x0  }
0xb7: {  	s18 =	sadd.s32 $0x5180, s6;
	[sflag:s0] =	ssyncadd.s32 $0xFFFFF060  }
0xb8: {  	[spmem:s3] =	stream.indirect.scatter.add.f32 [tilespmem:s26], [sflag:$0xC], $0x20, s18, s19, $0xb8;
	[tilespmem:$0x18520] =	vst v63  }
0xb9: {  	_ =	swait.ge [sflag:s17], $0xFA0  }
0xba: {  	p2 =	seq.s32 s15, $0x13000;
	[sflag:s17] =	ssyncset.done $0x0  }
0xbb: {  	s7 =	simm.s32 @p2 $0x5;
	[sflag:s17] =	ssyncadd.s32 $0xFFFFF060  }
0xbc: {  	s8 =	sshra.s32 @p2 s15, $0x2;
	s13 =	sshra.s32 @!p2 s15, $0x2;
	_ =	swait.ge @p2 [sflag:s7], $0xFA0  }
0xbd: {  	s15 =	simm.s32 @p2 $0xA;
	s10 =	simm.s32 @p2 $0xDE80;
	[sflag:s7] =	ssyncset.done @p2 $0x0  }
0xbe: {  	s12 =	sadd.s32 @p2 $0x5200, s8;
	[sflag:s7] =	ssyncadd.s32 @p2 $0xFFFFF060;
	s7 =	simm.s32 @p2 $0x7D  }
0xbf: {  	[spmem:s3] =	stream.indirect.scatter.add.f32 @p2 [tilespmem:s10], [sflag:$0xD], $0x20, s12, s7, $0xb8;
	[tilespmem:$0x18520] =	vst v63  }
0xc0: {  	s9 =	sadd.s32 @!p2 $0x400, s13;
	_ =	swait.ge @p2 [sflag:s15], $0xFA0  }
0xc1: {  	s14 =	sadd.s32 @p2 $0x5300, s8;
	s8 =	simm.s32 @!p2 $0xA000;
	[sflag:s15] =	ssyncset.done @p2 $0x0  }
0xc2: {  	s18 =	simm.s32 @!p2 $0x5;
	s12 =	simm.s32 @!p2 $0x7D;
	[sflag:s15] =	ssyncadd.s32 @p2 $0xFFFFF060  }
0xc3: {  	[tilespmem:s8], [sflag:$0x1] =	stream.indirect.gather @!p2 [hbm4b:s2+s12], $0x20, s9, s12, $0xb8;
	[tilespmem:$0x18520] =	vst v63  }
0xc4: {  	s11 =	smov.u32 s5;
	_ =	swait.ge @!p2 [sflag:s18], $0xFA0  }
0xc5: {  	s10 =	sadd.s32 @!p2 $0x5200, s13;
	s15 =	smov.u32 s11;
	[sflag:s18] =	ssyncset.done @!p2 $0x0  }
0xc6: {  	s11 =	simm.s32 @!p2 $0xDE80;
	[sflag:s18] =	ssyncadd.s32 @!p2 $0xFFFFF060;
	s18 =	simm.s32 @!p2 $0xA  }
0xc7: {  	[spmem:s3] =	stream.indirect.scatter.add.f32 @!p2 [tilespmem:s11], [sflag:$0xD], $0x20, s10, s12, $0xb8;
	[tilespmem:$0x18520] =	vst v63  }
0xc8: {  	_ =	swait.ge @!p2 [sflag:s18], $0xFA0  }
0xc9: {  	[sflag:s18] =	ssyncset.done @!p2 $0x0  }
0xca: {  	s21 =	sadd.s32 @!p2 $0x480, s13;
	s10 =	simm.s32 @!p2 $0xAFA0;
	[sflag:s18] =	ssyncadd.s32 @!p2 $0xFFFFF060  }
0xcb: {  	[tilespmem:s10], [sflag:$0x2] =	stream.indirect.gather @!p2 [hbm4b:s2+s12], $0x20, s21, s12, $0xb8;
	[tilespmem:$0x18520] =	vst v63  }
0xcc: {  	_ =	swait.ge [sflag:s23], $0xFA0  }
0xcd: {  	[sflag:s23] =	ssyncset.done $0x0  }
0xce: {  	s21 =	sadd.s32 $0x5280, s6;
	[sflag:s23] =	ssyncadd.s32 $0xFFFFF060  }
0xcf: {  	[spmem:s3] =	stream.indirect.scatter.add.f32 [tilespmem:s29], [sflag:$0xE], $0x20, s21, s19, $0xb8;
	[tilespmem:$0x18520] =	vst v63  }
0xd0: {  	_ =	swait.ge [sflag:s25], $0xFA0  }
0xd1: {  	[sflag:s25] =	ssyncset.done $0x0  }
0xd2: {  	s10 =	simm.s32 @p2 $0x7;
	[sflag:s25] =	ssyncadd.s32 $0xFFFFF060  }
0xd3: {  	_ =	swait.ge @p2 [sflag:s10], $0xFA0  }
0xd4: {  	[sflag:s10] =	ssyncset.done @p2 $0x0  }
0xd5: {  	s11 =	simm.s32 @p2 $0xC;
	[sflag:s10] =	ssyncadd.s32 @p2 $0xFFFFF060;
	s10 =	simm.s32 @p2 $0xFDC0  }
0xd6: {  	[spmem:s3] =	stream.indirect.scatter.add.f32 @p2 [tilespmem:s10], [sflag:$0xF], $0x20, s14, s7, $0xb8;
	[tilespmem:$0x18520] =	vst v63  }
0xd7: {  	_ =	swait.ge @p2 [sflag:s11], $0xFA0  }
0xd8: {  	s9 =	sadd.s32 @!p2 $0x500, s13;
	[sflag:s11] =	ssyncset.done @p2 $0x0  }
0xd9: {  	s7 =	simm.s32 @!p2 $0xBF40;
	s10 =	simm.s32 @!p2 $0x7;
	[sflag:s11] =	ssyncadd.s32 @p2 $0xFFFFF060  }
0xda: {  	[tilespmem:s7], [sflag:$0x3] =	stream.indirect.gather @!p2 [hbm4b:s2+s12], $0x20, s9, s12, $0xb8;
	[tilespmem:$0x18520] =	vst v63  }
0xdb: {  	_ =	swait.ge @!p2 [sflag:s10], $0xFA0  }
0xdc: {  	s5 =	sadd.s32 $0x1000, s5;
	s8 =	sadd.s32 @!p2 $0x5300, s13;
	[sflag:s10] =	ssyncset.done @!p2 $0x0  }
0xdd: {  	s7 =	simm.s32 @!p2 $0xFDC0;
	s9 =	simm.s32 @!p2 $0xC;
	[sflag:s10] =	ssyncadd.s32 @!p2 $0xFFFFF060  }
0xde: {  	[spmem:s3] =	stream.indirect.scatter.add.f32 @!p2 [tilespmem:s7], [sflag:$0xF], $0x20, s8, s12, $0xb8;
	[tilespmem:$0x18520] =	vst v63  }
0xdf: {  	p1 =	sne.s32 s5, $0x14000;
	_ =	swait.ge @!p2 [sflag:s9], $0xFA0  }
.Ltmp1:
0xe0: {  	[sflag:s9] =	ssyncset.done @!p2 $0x0;
	(pc) =	sbr.rel @p1 .LBB2_4-.Ltmp1, $4  }
0xe1: {  	s13 =	sadd.s32 @!p2 $0x580, s13;
	s7 =	simm.s32 @!p2 $0xCEE0;
	[sflag:s9] =	ssyncadd.s32 @!p2 $0xFFFFF060  }
0xe2: {  	[tilespmem:s7], [sflag:$0x4] =	stream.indirect.gather @!p2 [hbm4b:s2+s12], $0x20, s13, s12, $0xb8;
	[tilespmem:$0x18520] =	vst v63  }
0xe3: {  	_ =	swait.ge [sflag:s4], $0xFA0  }
0xe4: {  	s6 =	sadd.s32 $0x5380, s6;
	p2 =	seq.s32 s15, $0x0;
	[sflag:s4] =	ssyncset.done $0x0  }
0xe5: {  	s7 =	simm.s32 @!p2 $0xD;
	[sflag:s4] =	ssyncadd.s32 $0xFFFFF060  }
0xe6: {  	[spmem:s3] =	stream.indirect.scatter.add.f32 [tilespmem:s1], [sflag:$0x10], $0x20, s6, s19, $0xb8;
	[tilespmem:$0x18520] =	vst v63  }
0xe7: {  	_ =	swait.ge @!p2 [sflag:s7], $0xFA0  }
0xe8: {  	s5 =	sshra.s32 s15, $0x2;
	[sflag:s7] =	ssyncset.done @!p2 $0x0  }
0xe9: {  	s18 =	sadd.s32 $0x200, s5;
	s14 =	rddreg [dreg:$0x4];
	[sflag:s7] =	ssyncadd.s32 @!p2 $0xFFFFF060  }
0xea: {  	[tilespmem:s14], [sflag:$0x5] =	stream.indirect.gather [hbm4b:s2+s19], $0x20, s18, s19, $0xb8;
	[tilespmem:$0x18520] =	vst v63  }
0xeb: {  	_ =	swait.ge [sflag:s28], $0xFA0  }
0xec: {  	[sflag:s28] =	ssyncset.done $0x0  }
0xed: {  	s21 =	sadd.s32 $0x5000, s5;
	s7 =	simm.s32 @!p2 $0xE;
	[sflag:s28] =	ssyncadd.s32 $0xFFFFF060  }
0xee: {  	[spmem:s3] =	stream.indirect.scatter.add.f32 [tilespmem:s20], [sflag:$0x9], $0x20, s21, s19, $0xb8;
	[tilespmem:$0x18520] =	vst v63  }
0xef: {  	_ =	swait.ge @!p2 [sflag:s7], $0xFA0  }
0xf0: {  	[sflag:s7] =	ssyncset.done @!p2 $0x0  }
0xf1: {  	s8 =	sadd.s32 $0x280, s5;
	[sflag:s7] =	ssyncadd.s32 @!p2 $0xFFFFF060  }
0xf2: {  	[tilespmem:s29], [sflag:$0x6] =	stream.indirect.gather [hbm4b:s2+s19], $0x20, s8, s19, $0xb8;
	[tilespmem:$0x18520] =	vst v63  }
0xf3: {  	_ =	swait.ge [sflag:s30], $0xFA0  }
0xf4: {  	[sflag:s30] =	ssyncset.done $0x0  }
0xf5: {  	s9 =	sadd.s32 $0x5080, s5;
	s7 =	simm.s32 @!p2 $0xF;
	[sflag:s30] =	ssyncadd.s32 $0xFFFFF060  }
0xf6: {  	[spmem:s3] =	stream.indirect.scatter.add.f32 [tilespmem:s22], [sflag:$0xA], $0x20, s9, s19, $0xb8;
	[tilespmem:$0x18520] =	vst v63  }
0xf7: {  	_ =	swait.ge @!p2 [sflag:s7], $0xFA0  }
0xf8: {  	[sflag:s7] =	ssyncset.done @!p2 $0x0  }
0xf9: {  	s11 =	sadd.s32 $0x300, s5;
	s10 =	rddreg [dreg:$0x5];
	[sflag:s7] =	ssyncadd.s32 @!p2 $0xFFFFF060  }
0xfa: {  	[tilespmem:s10], [sflag:$0x7] =	stream.indirect.gather [hbm4b:s2+s19], $0x20, s11, s19, $0xb8;
	[tilespmem:$0x18520] =	vst v63  }
0xfb: {  	_ =	swait.ge [sflag:s31], $0xFA0  }
0xfc: {  	[sflag:s31] =	ssyncset.done $0x0  }
0xfd: {  	s12 =	sadd.s32 $0x5100, s5;
	s7 =	simm.s32 @!p2 $0x10;
	[sflag:s31] =	ssyncadd.s32 $0xFFFFF060  }
0xfe: {  	[spmem:s3] =	stream.indirect.scatter.add.f32 [tilespmem:s24], [sflag:$0xB], $0x20, s12, s19, $0xb8;
	[tilespmem:$0x18520] =	vst v63  }
0xff: {  	_ =	swait.ge @!p2 [sflag:s7], $0xFA0  }
0x100: {  	[sflag:s7] =	ssyncset.done @!p2 $0x0  }
0x101: {  	s13 =	sadd.s32 $0x380, s5;
	[sflag:s7] =	ssyncadd.s32 @!p2 $0xFFFFF060  }
0x102: {  	[tilespmem:s1], [sflag:$0x8] =	stream.indirect.gather [hbm4b:s2+s19], $0x20, s13, s19, $0xb8;
	[tilespmem:$0x18520] =	vst v63  }
0x103: {  	_ =	swait.ge [sflag:s0], $0xFA0  }
0x104: {  	[sflag:s0] =	ssyncset.done $0x0  }
0x105: {  	s14 =	sadd.s32 $0x5180, s5;
	[sflag:s0] =	ssyncadd.s32 $0xFFFFF060  }
0x106: {  	[spmem:s3] =	stream.indirect.scatter.add.f32 [tilespmem:s26], [sflag:$0xC], $0x20, s14, s19, $0xb8;
	[tilespmem:$0x18520] =	vst v63  }
0x107: {  	_ =	swait.ge [sflag:s17], $0xFA0  }
0x108: {  	p1 =	seq.s32 s15, $0x13000;
	[sflag:s17] =	ssyncset.done $0x0  }
0x109: {  	s6 =	simm.s32 @p1 $0x5;
	[sflag:s17] =	ssyncadd.s32 $0xFFFFF060  }
0x10a: {  	s9 =	simm.s32 @p1 $0xA;
	_ =	swait.ge @p1 [sflag:s6], $0xFA0  }
0x10b: {  	s10 =	simm.s32 @p1 $0xDE80;
	s7 =	sshra.s32 @p1 s15, $0x2;
	[sflag:s6] =	ssyncset.done @p1 $0x0  }
0x10c: {  	s8 =	sadd.s32 @p1 $0x5200, s7;
	[sflag:s6] =	ssyncadd.s32 @p1 $0xFFFFF060;
	s6 =	simm.s32 @p1 $0x7D  }
0x10d: {  	[spmem:s3] =	stream.indirect.scatter.add.f32 @p1 [tilespmem:s10], [sflag:$0xD], $0x20, s8, s6, $0xb8;
	[tilespmem:$0x18520] =	vst v63  }
0x10e: {  	_ =	swait.ge @p1 [sflag:s9], $0xFA0  }
0x10f: {  	s11 =	simm.s32 @!p1 $0xA000;
	s8 =	sshra.s32 @!p1 s15, $0x2;
	[sflag:s9] =	ssyncset.done @p1 $0x0  }
0x110: {  	s10 =	sadd.s32 @!p1 $0x400, s8;
	[sflag:s9] =	ssyncadd.s32 @p1 $0xFFFFF060;
	s9 =	simm.s32 @!p1 $0x7D  }
0x111: {  	[tilespmem:s11], [sflag:$0x1] =	stream.indirect.gather @!p1 [hbm4b:s2+s9], $0x20, s10, s9, $0xb8;
	[tilespmem:$0x18520] =	vst v63  }
0x112: {  	s10 =	simm.s32 @!p1 $0x5  }
0x113: {  	_ =	swait.ge @!p1 [sflag:s10], $0xFA0  }
0x114: {  	[sflag:s10] =	ssyncset.done @!p1 $0x0  }
0x115: {  	s11 =	sadd.s32 @!p1 $0x5200, s8;
	[sflag:s10] =	ssyncadd.s32 @!p1 $0xFFFFF060;
	s10 =	simm.s32 @!p1 $0xDE80  }
0x116: {  	[spmem:s3] =	stream.indirect.scatter.add.f32 @!p1 [tilespmem:s10], [sflag:$0xD], $0x20, s11, s9, $0xb8;
	[tilespmem:$0x18520] =	vst v63  }
0x117: {  	s10 =	simm.s32 @!p1 $0xA  }
0x118: {  	_ =	swait.ge @!p1 [sflag:s10], $0xFA0  }
0x119: {  	[sflag:s10] =	ssyncset.done @!p1 $0x0  }
0x11a: {  	s11 =	sadd.s32 @!p1 $0x480, s8;
	[sflag:s10] =	ssyncadd.s32 @!p1 $0xFFFFF060;
	s10 =	simm.s32 @!p1 $0xAFA0  }
0x11b: {  	[tilespmem:s10], [sflag:$0x2] =	stream.indirect.gather @!p1 [hbm4b:s2+s9], $0x20, s11, s9, $0xb8;
	[tilespmem:$0x18520] =	vst v63  }
0x11c: {  	_ =	swait.ge [sflag:s23], $0xFA0  }
0x11d: {  	[sflag:s23] =	ssyncset.done $0x0  }
0x11e: {  	s15 =	sadd.s32 $0x5280, s5;
	[sflag:s23] =	ssyncadd.s32 $0xFFFFF060  }
0x11f: {  	[spmem:s3] =	stream.indirect.scatter.add.f32 [tilespmem:s29], [sflag:$0xE], $0x20, s15, s19, $0xb8;
	[tilespmem:$0x18520] =	vst v63  }
0x120: {  	_ =	swait.ge [sflag:s25], $0xFA0  }
0x121: {  	[sflag:s25] =	ssyncset.done $0x0  }
0x122: {  	s10 =	simm.s32 @p1 $0x7;
	[sflag:s25] =	ssyncadd.s32 $0xFFFFF060  }
0x123: {  	_ =	swait.ge @p1 [sflag:s10], $0xFA0  }
0x124: {  	[sflag:s10] =	ssyncset.done @p1 $0x0  }
0x125: {  	s7 =	sadd.s32 @p1 $0x5300, s7;
	[sflag:s10] =	ssyncadd.s32 @p1 $0xFFFFF060;
	s10 =	simm.s32 @p1 $0xFDC0  }
0x126: {  	[spmem:s3] =	stream.indirect.scatter.add.f32 @p1 [tilespmem:s10], [sflag:$0xF], $0x20, s7, s6, $0xb8;
	[tilespmem:$0x18520] =	vst v63  }
0x127: {  	s6 =	simm.s32 @p1 $0xC  }
0x128: {  	_ =	swait.ge @p1 [sflag:s6], $0xFA0  }
0x129: {  	[sflag:s6] =	ssyncset.done @p1 $0x0  }
0x12a: {  	s7 =	sadd.s32 @!p1 $0x500, s8;
	[sflag:s6] =	ssyncadd.s32 @p1 $0xFFFFF060;
	s6 =	simm.s32 @!p1 $0xBF40  }
0x12b: {  	[tilespmem:s6], [sflag:$0x3] =	stream.indirect.gather @!p1 [hbm4b:s2+s9], $0x20, s7, s9, $0xb8;
	[tilespmem:$0x18520] =	vst v63  }
0x12c: {  	s6 =	simm.s32 @!p1 $0x7  }
0x12d: {  	_ =	swait.ge @!p1 [sflag:s6], $0xFA0  }
0x12e: {  	[sflag:s6] =	ssyncset.done @!p1 $0x0  }
0x12f: {  	s7 =	sadd.s32 @!p1 $0x5300, s8;
	[sflag:s6] =	ssyncadd.s32 @!p1 $0xFFFFF060;
	s6 =	simm.s32 @!p1 $0xFDC0  }
0x130: {  	[spmem:s3] =	stream.indirect.scatter.add.f32 @!p1 [tilespmem:s6], [sflag:$0xF], $0x20, s7, s9, $0xb8;
	[tilespmem:$0x18520] =	vst v63  }
0x131: {  	s6 =	simm.s32 @!p1 $0xC  }
0x132: {  	_ =	swait.ge @!p1 [sflag:s6], $0xFA0  }
0x133: {  	[sflag:s6] =	ssyncset.done @!p1 $0x0  }
0x134: {  	s7 =	sadd.s32 @!p1 $0x580, s8;
	[sflag:s6] =	ssyncadd.s32 @!p1 $0xFFFFF060;
	s6 =	simm.s32 @!p1 $0xCEE0  }
0x135: {  	[tilespmem:s6], [sflag:$0x4] =	stream.indirect.gather @!p1 [hbm4b:s2+s9], $0x20, s7, s9, $0xb8;
	[tilespmem:$0x18520] =	vst v63  }
0x136: {  	_ =	swait.ge [sflag:s4], $0xFA0  }
0x137: {  	[sflag:s4] =	ssyncset.done $0x0  }
0x138: {  	s18 =	simm.s32 $0xD;
	s5 =	sadd.s32 $0x5380, s5;
	[sflag:s4] =	ssyncadd.s32 $0xFFFFF060  }
0x139: {  	[spmem:s3] =	stream.indirect.scatter.add.f32 [tilespmem:s1], [sflag:$0x10], $0x20, s5, s19, $0xb8;
	[tilespmem:$0x18520] =	vst v63  }
0x13a: {  	_ =	swait.ge [sflag:s18], $0xFA0  }
0x13b: {  	[sflag:s18] =	ssyncset.done $0x0  }
0x13c: {  	s21 =	simm.s32 $0xE;
	[sflag:s18] =	ssyncadd.s32 $0xFFFFF060  }
0x13d: {  	_ =	swait.ge [sflag:s21], $0xFA0  }
0x13e: {  	[sflag:s21] =	ssyncset.done $0x0  }
0x13f: {  	s6 =	simm.s32 $0xF;
	[sflag:s21] =	ssyncadd.s32 $0xFFFFF060  }
0x140: {  	_ =	swait.ge [sflag:s6], $0xFA0  }
0x141: {  	[sflag:s6] =	ssyncset.done $0x0  }
0x142: {  	s7 =	simm.s32 $0x10;
	[sflag:s6] =	ssyncadd.s32 $0xFFFFF060  }
0x143: {  	_ =	swait.ge [sflag:s7], $0xFA0  }
0x144: {  	[sflag:s7] =	ssyncset.done $0x0  }
0x145: {  	[sflag:s7] =	ssyncadd.s32 $0xFFFFF060  }
0x146: {  	[bflag:$0x0] =	sbarrier.arrive $0xFFFF  }
0x147: {  	s11 =	simm.s32 $0x11D00;
	s10 =	rddreg [dreg:$0x8]  }
0x148: {  	[tilespmem:s11], [sflag:$0x11] =	stream.linear.gather [spmem:s10], $0x1A00, $0x38;
	[tilespmem:$0x18520] =	vst v63  }
0x149: {  	_ =	swait.ge [sflag:s16], $0x1A00  }
0x14a: {  	s15 =	simm.s32 $0x80;
	[sflag:s16] =	ssyncset.done $0x0  }
0x14b: {  	s9 =	simm.s32 $0x20;
	s8 =	rddreg [dreg:$0xc];
	[sflag:s16] =	ssyncadd.s32 $0xFFFFE600  }
0x14c: {  	[hbm4b:s8+s9] =	stream.strided.scatter [tilespmem:s11], [sflag:$0x11], $0x1A00, s15, s9, $0x38;
	[tilespmem:$0x18520] =	vst v63  }
0x14d: {  	_ =	swait.ge [sflag:s16], $0x1A00  }
0x14e: {  	[sflag:s16] =	ssyncset.done $0x0  }
0x14f: {  	s12 =	rddreg [dreg:$0x9];
	[sflag:s16] =	ssyncadd.s32 $0xFFFFE600  }
0x150: {  	[tilespmem:s11], [sflag:$0x11] =	stream.linear.gather [spmem:s12], $0x1A00, $0x38;
	[tilespmem:$0x18520] =	vst v63  }
0x151: {  	_ =	swait.ge [sflag:s16], $0x1A00  }
0x152: {  	[sflag:s16] =	ssyncset.done $0x0  }
0x153: {  	s13 =	rddreg [dreg:$0xd];
	[sflag:s16] =	ssyncadd.s32 $0xFFFFE600  }
0x154: {  	[hbm4b:s13+s9] =	stream.strided.scatter [tilespmem:s11], [sflag:$0x11], $0x1A00, s15, s9, $0x38;
	[tilespmem:$0x18520] =	vst v63  }
0x155: {  	_ =	swait.ge [sflag:s16], $0x1A00  }
0x156: {  	[sflag:s16] =	ssyncset.done $0x0  }
0x157: {  	s13 =	rddreg [dreg:$0xa];
	[sflag:s16] =	ssyncadd.s32 $0xFFFFE600  }
0x158: {  	[tilespmem:s11], [sflag:$0x11] =	stream.linear.gather [spmem:s13], $0x1A00, $0x38;
	[tilespmem:$0x18520] =	vst v63  }
0x159: {  	_ =	swait.ge [sflag:s16], $0x1A00  }
0x15a: {  	[sflag:s16] =	ssyncset.done $0x0  }
0x15b: {  	s14 =	rddreg [dreg:$0xe];
	[sflag:s16] =	ssyncadd.s32 $0xFFFFE600  }
0x15c: {  	[hbm4b:s14+s9] =	stream.strided.scatter [tilespmem:s11], [sflag:$0x11], $0x1A00, s15, s9, $0x38;
	[tilespmem:$0x18520] =	vst v63  }
0x15d: {  	_ =	swait.ge [sflag:s16], $0x1A00  }
0x15e: {  	s5 =	simm.s32 @!p0 $0x11D00;
	[sflag:s16] =	ssyncset.done $0x0  }
0x15f: {  	s6 =	simm.s32 @!p0 $0x11;
	s14 =	rddreg [dreg:$0xb];
	[sflag:s16] =	ssyncadd.s32 $0xFFFFE600  }
0x160: {  	[tilespmem:s5], [sflag:$0x11] =	stream.linear.gather @!p0 [spmem:s14], $0x200, $0x38;
	[tilespmem:$0x18520] =	vst v63  }
0x161: {  	_ =	swait.ge @!p0 [sflag:s6], $0x200  }
0x162: {  	s7 =	simm.s32 @!p0 $0x20;
	[sflag:s6] =	ssyncset.done @!p0 $0x0  }
0x163: {  	s8 =	simm.s32 @!p0 $0x80;
	s9 =	rddreg [dreg:$0xf];
	[sflag:s6] =	ssyncadd.s32 @!p0 $0xFFFFFE00  }
0x164: {  	[hbm4b:s9+s7] =	stream.strided.scatter @!p0 [tilespmem:s5], [sflag:$0x11], $0x200, s8, s7, $0x38;
	[tilespmem:$0x18520] =	vst v63  }
0x165: {  	_ =	swait.ge @!p0 [sflag:s6], $0x200  }
0x166: {  	s18 =	rddreg [dreg:$0x11]  }
0x167: {  	s21 =	rddreg [dreg:$0x10];
	s7 =	sadd.s32 $0x1, s18  }
0x168: {  	p1 =	sne.s32 s7, s21  }
.Ltmp2:
0x169: {  	_ = 	snop;
	(pc) =	sbr.rel @p1 .LBB2_1-.Ltmp2, $3  }
0x16a: {  	_ =	sdelay $0x1  }
0x16b: {  	[sflag:s6] =	ssyncset.done @!p0 $0x0  }
0x16c: {  	[sflag:s6] =	ssyncadd.s32 @!p0 $0xFFFFFE00  }
0x16d: {  	_ =	sfence.sel $0x180000  }
0x16e: {  	[bflag:$0x0] =	sbarrier.arrive $0xFFFF  }
0x16f: {  	_ =	strace $0x9000004D  }
0x170: {  	s0 =	stileid.u32;
	[bflag:$0x2] =	sbarrier.arrive $0xFFFF  }
0x171: {  	p0 =	sne.s32 s0, $0x0;
	s0 =	rddreg [dreg:$0x3]  }
0x172: {  	s0 =	sadd.s32 @!p0 $0x100000, s0  }
0x173: {  	[sflag:s0] =	ssyncadd.tile.s32 @!p0 $0x1;
	_ =	shalt  }
.Lfunc_end2:
_tile_overlayer_lowered:
.L_overlay_start_2:
0x174: {  	(tag) =	ssettag $0x2  }
0x175: {  	s0 =	rddreg [dreg:$0x0];
	s2 =	stileid.u32  }
0x176: {  	s1 =	rddreg [dreg:$0x1];
	p0 =	sne.s32 s2, $0x0  }
0x177: {  	s3 =	rddreg [dreg:$0x2];
	[bflag:$0x3] =	sbarrier.arrive $0xFFFF;
	s2 =	simm.s32 @!p0 $0x1C11  }
0x178: {  	[timem:s3], [sflag:s2] =	dma.local @!p0 [hbm:s0], s1  }
0x179: {  	s0 =	simm.s32 @!p0 $0x11  }
0x17a: {  	_ =	swait.ge @!p0 [sflag:s0], s1  }
0x17b: {  	s1 =	ssub.s32 @!p0 $0x0, s1;
	[sflag:s0] =	ssyncset.done @!p0 $0x0  }
0x17c: {  	[sflag:s0] =	ssyncadd.s32 @!p0 s1  }
0x17d: {  	[bflag:$0x3] =	sbarrier.arrive $0xFFFF  }
0x17e: {  	_ =	shalt  }

// kernel: kernel.8.cloned.1.call-start
scs
__scs_entry_jumppad:
0x0: {  	(pc) =	sbr.rel $0x88, $3  }
0x1: {  	(tag) =	ssettag $0x0;
	lr =	simm.s32 $0x1  }
0x2: {  	[smem:$0x3F9B] =	sst lr;
	_ =	strace $0xD0000000  }
0x3: {  	_ = 	snop  }
0x4: {  	_ = 	snop  }
0x5: {  	_ = 	snop  }
0x6: {  	_ = 	snop  }
0x7: {  	_ = 	snop  }
__scs_overlays_trampoline_lowered:
0x8: {  	[smem:$0x3FAA] =	sst s0  }
0x9: {  	[smem:$0x3FAB] =	sst s1  }
0xa: {  	[smem:$0x3FAC] =	sst s2  }
0xb: {  	[smem:$0x3FAD] =	sst s3  }
0xc: {  	[smem:$0x3FAE] =	sst s4  }
0xd: {  	[smem:$0x3FAF] =	sst s5  }
0xe: {  	[smem:$0x3FB0] =	sst s6  }
0xf: {  	[smem:$0x3FB1] =	sst s7  }
0x10: {  	[smem:$0x3FB2] =	sst s8  }
0x11: {  	[smem:$0x3FB3] =	sst s9;
	s0 =	simm.s32 @!p0 $0x0  }
0x12: {  	s1 =	sld [smem:$0x3F99];
	s0 =	simm.s32 @p0 $0x1  }
0x13: {  	[smem:$0x3FB4] =	sst s0;
	s0 =	simm.s32 @!p1 $0x0  }
0x14: {  	s2 =	sld [smem:$0x3F98];
	s0 =	simm.s32 @p1 $0x1  }
0x15: {  	[smem:$0x3FB5] =	sst s0;
	s0 =	simm.s32 @!p2 $0x0  }
0x16: {  	s3 =	sld [smem:$0x3FDB];
	s0 =	simm.s32 @p2 $0x1  }
0x17: {  	s4 =	simm.s32 $0x1BF5;
	[smem:$0x3FB7] =	sst s0  }
0x18: {  	s0 =	sld [smem:$0x3F9A];
	_ =	swait.ge [sflag:s4], $0x0  }
0x19: {  	s7 =	sld [smem:$0x3F9B]  }
0x1a: {  	s8 =	sadd.s32 $0xFFFFE003, lr  }
0x1b: {  	s9 =	sadd.s32 $0xFFFFFEF7, lr;
	s5 =	simm.s32 $0xFFFFFFFF;
	p2 =	slt.u32 s8, $0xFFFFF086  }
0x1c: {  	p1 =	slt.u32 s9, $0xF7A;
	s5 =	simm.s32 @!p2 $0x0  }
0x1d: {  	s5 =	simm.s32 @p1 $0x1;
	p0 =	seq.s32 s7, s2  }
0x1e: {  	s7 =	smul.u32 @!p0 $0xF7A, s2;
	p2 =	seq.s32 @!p0 s5, $0x0  }
0x1f: {  	s9 =	smul.u32 $0xF7A, s1;
	s8 =	simm.s32 @!p0 $0x1BF5;
	p2 =	por !p2, p0  }
0x20: {  	[sflag:s8] =	ssyncset.s32 @!p0 $0xFFFFF086;
	s6 =	sadd.s32 @!p0 s3, s7;
	s7 =	simm.s32 @!p0 $0x108  }
0x21: {  	s3 =	sadd.s32 s3, s9;
	s6 =	sadd.s32 @!p0 $0x88, s6;
	s7 =	simm.s32 @p2 $0x1082  }
0x22: {  	[simem:s7], [sflag:s8] =	dma.local @!p0 [hbm:s6], $0xF7A  }
0x23: {  	s9 =	sor.u32 $0xD0000000, s2;
	s6 =	simm.s32 $0x108;
	_ =	swait.ge @!p0 [sflag:s8], $0x0  }
0x24: {  	s3 =	sadd.s32 $0x88, s3;
	s6 =	simm.s32 @!p1 $0x1082;
	[sflag:s4] =	ssyncset.s32 $0xFFFFF086  }
0x25: {  	[simem:s6], [sflag:s4] =	dma.local [hbm:s3], $0xF7A  }
0x26: {  	[smem:$0x3F9B] =	sst s1;
	(tag) =	ssettag s2;
	_ =	strace s9  }
0x27: {  	s1 =	sld [smem:$0x3FAB]  }
0x28: {  	s2 =	sld [smem:$0x3FAC]  }
0x29: {  	s4 =	sld [smem:$0x3FAE]  }
0x2a: {  	p0 =	seq.s32 s5, $0x0;
	s5 =	sld [smem:$0x3FAF]  }
0x2b: {  	s6 =	sld [smem:$0x3FB0]  }
0x2c: {  	s7 =	sld [smem:$0x3FB1]  }
0x2d: {  	s3 =	simm.s32 $0x108;
	s8 =	sld [smem:$0x3FB2]  }
0x2e: {  	s3 =	simm.s32 @!p0 $0x1082;
	s9 =	sld [smem:$0x3FB3]  }
0x2f: {  	lr =	sadd.s32 s0, s3;
	s0 =	sld [smem:$0x3FAA]  }
0x30: {  	s3 =	sld [smem:$0x3FAD]  }
0x31: {  	[smem:$0x3FB6] =	sst s10  }
0x32: {  	s10 =	sld [smem:$0x3FB4];
	_ =	sdelay $0x3  }
0x33: {  	p0 =	seq.s32 s10, $0x1;
	s10 =	sld [smem:$0x3FB6];
	_ =	sdelay $0x3  }
0x34: {  	[smem:$0x3FB6] =	sst s10  }
0x35: {  	s10 =	sld [smem:$0x3FB5];
	_ =	sdelay $0x3  }
0x36: {  	p1 =	seq.s32 s10, $0x1;
	s10 =	sld [smem:$0x3FB6];
	_ =	sdelay $0x3  }
0x37: {  	[smem:$0x3FB6] =	sst s10  }
0x38: {  	s10 =	sld [smem:$0x3FB7]  }
0x39: {  	_ = 	snop;
	(pc) =	sbr.ind lr, $3  }
0x3a: {  	_ = 	snop  }
0x3b: {  	_ = 	snop  }
0x3c: {  	p2 =	seq.s32 s10, $0x1;
	s10 =	sld [smem:$0x3FB6]  }
0x3d: {  	_ =	shalt  }
0x3e: {  	_ =	shalt  }
0x3f: {  	_ =	shalt  }
0x40: {  	_ =	shalt  }
0x41: {  	_ =	shalt  }
0x42: {  	_ =	shalt  }
0x43: {  	_ =	shalt  }
0x44: {  	_ =	shalt  }
0x45: {  	_ =	shalt  }
0x46: {  	_ =	shalt  }
0x47: {  	_ =	shalt  }
0x48: {  	_ =	shalt  }
0x49: {  	_ =	shalt  }
0x4a: {  	_ =	shalt  }
0x4b: {  	_ =	shalt  }
0x4c: {  	_ =	shalt  }
0x4d: {  	_ =	shalt  }
0x4e: {  	_ =	shalt  }
0x4f: {  	_ =	shalt  }
0x50: {  	_ =	shalt  }
0x51: {  	_ =	shalt  }
0x52: {  	_ =	shalt  }
0x53: {  	_ =	shalt  }
0x54: {  	_ =	shalt  }
0x55: {  	_ =	shalt  }
0x56: {  	_ =	shalt  }
0x57: {  	_ =	shalt  }
0x58: {  	_ =	shalt  }
0x59: {  	_ =	shalt  }
0x5a: {  	_ =	shalt  }
0x5b: {  	_ =	shalt  }
0x5c: {  	_ =	shalt  }
0x5d: {  	_ =	shalt  }
0x5e: {  	_ =	shalt  }
0x5f: {  	_ =	shalt  }
0x60: {  	_ =	shalt  }
0x61: {  	_ =	shalt  }
0x62: {  	_ =	shalt  }
0x63: {  	_ =	shalt  }
0x64: {  	_ =	shalt  }
0x65: {  	_ =	shalt  }
0x66: {  	_ =	shalt  }
0x67: {  	_ =	shalt  }
0x68: {  	_ =	shalt  }
0x69: {  	_ =	shalt  }
0x6a: {  	_ =	shalt  }
0x6b: {  	_ =	shalt  }
0x6c: {  	_ =	shalt  }
0x6d: {  	_ =	shalt  }
0x6e: {  	_ =	shalt  }
0x6f: {  	_ =	shalt  }
0x70: {  	_ =	shalt  }
0x71: {  	_ =	shalt  }
0x72: {  	_ =	shalt  }
0x73: {  	_ =	shalt  }
0x74: {  	_ =	shalt  }
0x75: {  	_ =	shalt  }
0x76: {  	_ =	shalt  }
0x77: {  	_ =	shalt  }
0x78: {  	_ =	shalt  }
0x79: {  	_ =	shalt  }
0x7a: {  	_ =	shalt  }
0x7b: {  	_ =	shalt  }
0x7c: {  	_ =	shalt  }
0x7d: {  	_ =	shalt  }
0x7e: {  	_ =	shalt  }
0x7f: {  	_ =	shalt  }
0x80: {  	_ =	shalt  }
0x81: {  	_ =	shalt  }
0x82: {  	_ =	shalt  }
0x83: {  	_ =	shalt  }
0x84: {  	_ =	shalt  }
0x85: {  	_ =	shalt  }
0x86: {  	_ =	shalt  }
0x87: {  	_ =	shalt  }
.Lfunc_end0:
.L_simem_size_0:
called_computation_lowered:
.L_overlay_start_0:
0x88: {  	s2 =	sld [smem:$0x3FD9]  }
0x89: {  	s3 =	sld [smem:$0x3FFE];
	_ =	sdelay $0x1  }
0x8a: {  	s1 =	srdreg.scid  }
0x8b: {  	s0 =	sand.u32 $0x1, s1  }
0x8c: {  	s17 =	sshll.u32 s0, $0xA;
	s2 =	sadd.s32 s3, s2  }
0x8d: {  	s2 =	sadd.s32 s2, s17  }
0x8e: {  	[smem:$0x3FC2] =	sst s2  }
0x8f: {  	_ = 	snop  }
0x90: {  	s2 =	sld [smem:$0x3FD0];
	(tm) =	ssettm $0x1  }
0x91: {  	s18 =	sld [smem:$0x3FFB];
	_ =	sdelay $0x3  }
0x92: {  	_ =	strace s18  }
0x93: {  	s3 =	sld [smem:$0x3FFC];
	_ =	sdelay $0x3  }
0x94: {  	_ =	strace s3  }
0x95: {  	s3 =	sld [smem:$0x3FFD];
	_ =	sdelay $0x3  }
0x96: {  	_ =	strace s3  }
0x97: {  	_ =	strace $0x8FFFFFFF  }
0x98: {  	s19 =	sld [smem:$0x3FDB];
	_ =	sdelay $0x1  }
0x99: {  	s4 =	simm.s32 $_scs_section_size  }
0x9a: {  	s5 =	simm.s32 $_size__tile_overlayer_lowered;
	s6 =	simm.s32 $_tile_overlayer_lowered  }
0x9b: {  	s22 =	simm.s32 $0x1BFF;
	s21 =	sshll.u32 s6, $0x1;
	s3 =	sadd.s32 s4, s19  }
0x9c: {  	s7 =	simm.s32 $0x0;
	s20 =	sshll.u32 s5, $0x1;
	s5 =	sadd.s32 s21, s3  }
0x9d: {  	[timem:s7], [sflag:s22] =	dma.local [hbm:s5], s20  }
0x9e: {  	_ =	swait.ge [sflag:s22], s20  }
0x9f: {  	s4 =	ssub.s32 $0x0, s20;
	[sflag:s22] =	ssyncset.done $0x0  }
0xa0: {  	[sflag:s22] =	ssyncadd.s32 s4;
	_ =	sdelay $0x1  }
0xa1: {  	s23 =	simm.s32 $0x1B8B  }
0xa2: {  	_ =	swait.ge [sflag:s23], $0x1  }
0xa3: {  	[sflag:s23] =	ssyncset.done $0x0  }
0xa4: {  	s25 =	simm.s32 $0x1B8E;
	s24 =	sld [smem:$0x3FFE];
	[sflag:s23] =	ssyncadd.s32 $0xFFFFFFFF  }
0xa5: {  	s26 =	simm.s32 $execute0_lowered;
	[smem:$0x3FD2] =	sst s25  }
0xa6: {  	s5 =	sshll.u32 s26, $0x1;
	_ =	strace $0x80000046;
	[dreg:$0x1] =	wrdreg $0xFFFFFFFF  }
0xa7: {  	s28 =	simm.s32 $_size_execute0_lowered;
	s3 =	sadd.s32 s3, s5;
	[dreg:$0x0] =	wrdreg $0x0  }
0xa8: {  	s5 =	sshll.u32 s28, $0x1;
	[dreg:$0x2] =	wrdreg s3  }
0xa9: {  	[dreg:$0x3] =	wrdreg s5  }
0xaa: {  	[dreg:$0x4] =	wrdreg $0xC0  }
0xab: {  	_ =	task [dreg:s7], $0x5FFFF  }
0xac: {  	[dreg:$0x1] =	wrdreg $0xFFFFFFFF  }
0xad: {  	[dreg:$0x0] =	wrdreg $0x60  }
0xae: {  	[dreg:$0x2] =	wrdreg s24  }
0xaf: {  	[dreg:$0x3] =	wrdreg s2  }
0xb0: {  	[dreg:$0x4] =	wrdreg $0x2B000  }
0xb1: {  	[dreg:$0x5] =	wrdreg $0x9  }
0xb2: {  	_ =	task.clear_ibuf [dreg:s7], $0x6FFFF;
	_ =	strace $0x90000046  }
0xb3: {  	s29 =	simm.s32 $0x9;
	_ =	strace $0x80000048  }
0xb4: {  	_ =	swait.ge [sflag:s29], $0x1  }
0xb5: {  	[sflag:s29] =	ssyncadd.s32 $0xFFFFFFFF  }
0xb6: {  	_ =	strace $0x90000048  }
0xb7: {  	_ =	sfence  }
0xb8: {  	s30 =	sld [smem:$0x0];
	_ =	sdelay $0x2  }
0xb9: {  	s31 =	sshll.u32 s1, $0xD;
	s1 =	sshrl.u32 s1, $0x2  }
0xba: {  	s3 =	sand.u32 $0x4000, s31;
	s1 =	sadd.s32 s1, s30  }
0xbb: {  	s0 =	sor.u32 s3, s0;
	s1 =	sshll.u32 s1, $0x11  }
0xbc: {  	s0 =	sor.u32 s1, s0  }
0xbd: {  	s0 =	sadd.s32 $0x8F2B, s0  }
0xbe: {  	[sflag:s0] =	ssyncadd.remote.s32 $0x1  }
0xbf: {  	_ =	sfence.sel $0xFFFF  }
0xc0: {  	[dreg:$0x0] =	wrdreg $0xFFFFFFFF;
	(pc) =	sbr.abs _section_cstart, $3  }
0xc1: {  	[dreg:$0x1] =	wrdreg $0xFFFFFFFF  }
0xc2: {  	_ =	task.clear_ibuf [dreg:s7], $0x2FFFF;
	_ =	strace $0x9FFFFFFF  }
0xc3: {  	(tm) =	ssettm $0x7FFFFFFF  }
tec
execute0_lowered:
.L_overlay_start_1:
0x0: {  	(tag) =	ssettag $0x1  }
0x1: {  	s4 =	rddreg [dreg:$0x0]  }
0x2: {  	s1 =	srdreg.scid;
	s6 =	rddreg [dreg:$0x1]  }
0x3: {  	s0 =	stileid.u32;
	s2 =	rddreg [dreg:$0x2];
	s3 =	simm.s32 $0x0  }
0x4: {  	s10 =	simm.s32 $0x7D;
	s11 =	simm.s32 $0x2800;
	s12 =	simm.s32 $0x1  }
0x5: {  	s5 =	sand.u32 $0x1, s1;
	s7 =	smul.u32 $0x5000, s0;
	s1 =	rddreg [dreg:$0x3]  }
0x6: {  	s13 =	simm.s32 $0x0;
	[smem:$0x7FF] =	sst s3;
	s8 =	smul.u32 $0x2800, s5  }
0x7: {  	s9 =	smul.u32 $0xA00, s0;
	s29 =	sshll.u32 s5, $0x4;
	s5 =	ssub.s32 $0x2, s5  }
0x8: {  	_ =	strace $0x80000047;
	s30 =	sshrl.u32 s5, $0x1;
	s7 =	sadd.s32 s8, s7  }
0x9: {  	s31 =	sshrl.u32 s9, $0x2;
	s8 =	sor.u32 s0, s29;
	s7 =	sshrl.u32 s7, $0x3  }
0xa: {  	s9 =	simm.s32 $0x2880;
	s8 =	smul.u32 $0x50, s8;
	s4 =	sadd.s32 s7, s4  }
0xb: {  	s7 =	ssub.s32 s5, s30;
	s5 =	sadd.s32 s31, s2;
	s4 =	sadd.s32 $0x2000, s4  }
0xc: {  	v0 =	vimm.f32 $1.000000000e+00;
	v1 =	vimm.f32 $0.0e+00;
	s6 =	sadd.s32 s6, s8;
	s7 =	smax.u32 s7, $0x1;
	s8 =	simm.s32 $0x2  }
.LBB2_1:
0xd: {  	[tilespmem:s3], [sflag:$0x2] =	stream.linear.gather [hbm4b:s4+s3], $0x2800, $0x38;
	[tilespmem:$0x2D80] =	vst v63  }
0xe: {  	_ =	swait.ge [sflag:s8], $0x2800  }
0xf: {  	[sflag:s8] =	ssyncset.done $0x0  }
0x10: {  	[sflag:s8] =	ssyncadd.s32 $0xFFFFD800  }
0x11: {  	[tilespmem:$0x2800] =	vst v0  }
0x12: {  	[tilespmem:$0x2810] =	vst v0  }
0x13: {  	[tilespmem:$0x2820] =	vst v0  }
0x14: {  	[tilespmem:$0x2830] =	vst v0  }
0x15: {  	[tilespmem:$0x2840] =	vst v0  }
0x16: {  	[tilespmem:$0x2850] =	vst v0  }
0x17: {  	[tilespmem:$0x2860] =	vst v0  }
0x18: {  	[tilespmem:$0x2870] =	vst v0  }
0x19: {  	[tilespmem:$0x2880] =	vst v1  }
0x1a: {  	[tilespmem:$0x2890] =	vst v1  }
0x1b: {  	[tilespmem:$0x28A0] =	vst v1  }
0x1c: {  	[tilespmem:$0x28B0] =	vst v1  }
0x1d: {  	[tilespmem:$0x28C0] =	vst v1  }
0x1e: {  	[tilespmem:$0x28D0] =	vst v1  }
0x1f: {  	[tilespmem:$0x28E0] =	vst v1  }
0x20: {  	[tilespmem:$0x28F0] =	vst v1  }
0x21: {  	[tilespmem:$0x2900] =	vst v1  }
0x22: {  	[tilespmem:$0x2910] =	vst v1  }
0x23: {  	[tilespmem:$0x2920] =	vst v1  }
0x24: {  	[tilespmem:$0x2930] =	vst v1  }
0x25: {  	[tilespmem:$0x2940] =	vst v1  }
0x26: {  	[tilespmem:$0x2950] =	vst v1  }
0x27: {  	[tilespmem:$0x2960] =	vst v1  }
0x28: {  	[tilespmem:$0x2970] =	vst v1  }
0x29: {  	[tilespmem:$0x2980] =	vst v1  }
0x2a: {  	[tilespmem:$0x2990] =	vst v1  }
0x2b: {  	[tilespmem:$0x29A0] =	vst v1  }
0x2c: {  	[tilespmem:$0x29B0] =	vst v1  }
0x2d: {  	[tilespmem:$0x29C0] =	vst v1  }
0x2e: {  	[tilespmem:$0x29D0] =	vst v1  }
0x2f: {  	[tilespmem:$0x29E0] =	vst v1  }
0x30: {  	[tilespmem:$0x29F0] =	vst v1  }
0x31: {  	[tilespmem:$0x2A00] =	vst v1  }
0x32: {  	[tilespmem:$0x2A10] =	vst v1  }
0x33: {  	[tilespmem:$0x2A20] =	vst v1  }
0x34: {  	[tilespmem:$0x2A30] =	vst v1  }
0x35: {  	[tilespmem:$0x2A40] =	vst v1  }
0x36: {  	[tilespmem:$0x2A50] =	vst v1  }
0x37: {  	[tilespmem:$0x2A60] =	vst v1  }
0x38: {  	[tilespmem:$0x2A70] =	vst v1  }
0x39: {  	[tilespmem:$0x2A80] =	vst v1  }
0x3a: {  	[tilespmem:$0x2A90] =	vst v1  }
0x3b: {  	[tilespmem:$0x2AA0] =	vst v1  }
0x3c: {  	[tilespmem:$0x2AB0] =	vst v1  }
0x3d: {  	[tilespmem:$0x2AC0] =	vst v1  }
0x3e: {  	[tilespmem:$0x2AD0] =	vst v1  }
0x3f: {  	[tilespmem:$0x2AE0] =	vst v1  }
0x40: {  	[tilespmem:$0x2AF0] =	vst v1  }
0x41: {  	[spmem:s5] =	stream.linear.scatter [tilespmem:s9], [sflag:$0x2], $0x280, $0x38;
	[tilespmem:$0x2D80] =	vst v63  }
0x42: {  	_ =	swait.ge [sflag:s8], $0x280  }
0x43: {  	[sflag:s8] =	ssyncset.done $0x0  }
0x44: {  	[sflag:s8] =	ssyncadd.s32 $0xFFFFFD80  }
0x45: {  	s14 =	simm.s32 $0x0;
	[bflag:$0x0] =	sbarrier.arrive $0xFFFF  }
.LBB2_2:
0x46: {  	p0 =	sne.s32 s14, $0x9E00  }
.Ltmp0:
0x47: {  	_ = 	snop;
	(pc) =	sbr.rel @p0 .LBB2_2-.Ltmp0, $3  }
0x48: {  	_ =	sdelay $0x1  }
0x49: {  	s15 =	sshra.s32 s14, $0x2;
	s14 =	sadd.s32 $0x200, s14  }
0x4a: {  	[spmem:s2] =	stream.indirect.scatter.add.f32 [tilespmem:s11], [sflag:$0x1], $0x1, s15, s10, $0xb8;
	[tilespmem:$0x2D80] =	vst v63  }
0x4b: {  	_ =	swait.ge [sflag:s12], $0x7D  }
0x4c: {  	s14 =	simm.s32 $0x4F;
	[sflag:s12] =	ssyncset.done $0x0  }
.LBB2_4:
0x4d: {  	p0 =	sne.s32 s14, $0x1;
	s14 =	sadd.s32 $0xFFFFFFFF, s14;
	[sflag:s12] =	ssyncadd.s32 $0xFFFFFF83  }
.Ltmp1:
0x4e: {  	(pc) =	sbr.rel @p0 .LBB2_4-.Ltmp1, $3  }
0x4f: {  	_ =	sdelay $0x1  }
0x50: {  	_ =	swait.ge [sflag:s12], $0x7D  }
0x51: {  	[sflag:s12] =	ssyncset.done $0x0  }
0x52: {  	[sflag:s12] =	ssyncadd.s32 $0xFFFFFF83  }
0x53: {  	[bflag:$0x0] =	sbarrier.arrive $0xFFFF  }
0x54: {  	[tilespmem:s9], [sflag:$0x2] =	stream.linear.gather [spmem:s5], $0x280, $0x38;
	[tilespmem:$0x2D80] =	vst v63  }
0x55: {  	s13 =	sadd.s32 $0x1, s13;
	_ =	swait.ge [sflag:s8], $0x280  }
0x56: {  	p0 =	sne.s32 s13, s7;
	[sflag:s8] =	ssyncset.done $0x0  }
.Ltmp2:
0x57: {  	[sflag:s8] =	ssyncadd.s32 $0xFFFFFD80;
	(pc) =	sbr.rel @p0 .LBB2_1-.Ltmp2, $4  }
0x58: {  	[hbm4b:s6+s3] =	stream.linear.scatter [tilespmem:s9], [sflag:$0x2], $0x280, $0x38;
	[tilespmem:$0x2D80] =	vst v63  }
0x59: {  	_ =	swait.ge [sflag:s8], $0x280  }
0x5a: {  	[sflag:s8] =	ssyncset.done $0x0  }
0x5b: {  	[sflag:s8] =	ssyncadd.s32 $0xFFFFFD80  }
0x5c: {  	_ =	sfence.sel $0x180000  }
0x5d: {  	[bflag:$0x0] =	sbarrier.arrive $0xFFFF  }
0x5e: {  	p0 =	sne.s32 s0, $0x0;
	_ =	strace $0x90000047  }
0x5f: {  	s0 =	sadd.s32 @!p0 $0x100000, s1;
	[bflag:$0x2] =	sbarrier.arrive $0xFFFF  }
0x60: {  	[sflag:s0] =	ssyncadd.tile.s32 @!p0 $0x1;
	_ =	shalt  }
.Lfunc_end2:
_tile_overlayer_lowered:
.L_overlay_start_2:
0x61: {  	(tag) =	ssettag $0x2  }
0x62: {  	s0 =	rddreg [dreg:$0x0];
	s2 =	stileid.u32  }
0x63: {  	s1 =	rddreg [dreg:$0x1];
	p0 =	sne.s32 s2, $0x0  }
0x64: {  	s3 =	rddreg [dreg:$0x2];
	[bflag:$0x3] =	sbarrier.arrive $0xFFFF;
	s2 =	simm.s32 @!p0 $0x1C02  }
0x65: {  	[timem:s3], [sflag:s2] =	dma.local @!p0 [hbm:s0], s1  }
0x66: {  	s0 =	simm.s32 @!p0 $0x2  }
0x67: {  	_ =	swait.ge @!p0 [sflag:s0], s1  }
0x68: {  	s1 =	ssub.s32 @!p0 $0x0, s1;
	[sflag:s0] =	ssyncset.done @!p0 $0x0  }
0x69: {  	[sflag:s0] =	ssyncadd.s32 @!p0 s1  }
0x6a: {  	[bflag:$0x3] =	sbarrier.arrive $0xFFFF  }
0x6b: {  	_ =	shalt  }

</sc_bundles>
